<compile_context>
chip_gen: v7x
topology: tpu7x:2x2x1
jax: 0.10.2.dev20260603
libtpu: 0.0.44.dev20260713+nightly
codegen_flags: <defaults>
</compile_context>

<pallas_src>
import functools

import jax
import jax.numpy as jnp
from jax import lax
from jax.experimental import pallas as pl
from jax.experimental.pallas import tpu as pltpu
from jax.experimental.pallas import tpu_sc as plsc

NUM_GRAPHS = 256
N_NODES = 100000
D_FEAT = 128

NC = 2
NS = 16
DC = D_FEAT // NC
B = 128
NBUF = 6
L = 16

ROWS_PER_SUB = 6256
LAST_ROWS = N_NODES - (NS - 1) * ROWS_PER_SUB
FULL_BLOCKS = 48
TAIL_MAIN = ROWS_PER_SUB - FULL_BLOCKS * B
TAIL_LAST = LAST_ROWS - FULL_BLOCKS * B
GROWS = NUM_GRAPHS // NS


@functools.partial(
    pl.kernel,
    mesh=plsc.VectorSubcoreMesh(core_axis_name="c", subcore_axis_name="s"),
    out_type=jax.ShapeDtypeStruct((NUM_GRAPHS, D_FEAT), jnp.float32),
    compiler_params=pltpu.CompilerParams(use_tc_tiling_on_sc=False),
    scratch_types=[
        pltpu.VMEM((FULL_BLOCKS, B), jnp.int32),
        pltpu.VMEM((TAIL_MAIN,), jnp.int32),
        pltpu.VMEM((TAIL_LAST,), jnp.int32),
        pltpu.VMEM((NBUF, B, DC), jnp.float32),
        pltpu.VMEM((TAIL_MAIN, DC), jnp.float32),
        pltpu.VMEM((TAIL_LAST, DC), jnp.float32),
        pltpu.VMEM((NUM_GRAPHS, DC), jnp.float32),
        pltpu.VMEM((B,), jnp.int32),
        pltpu.VMEM((B,), jnp.int32),
        pltpu.VMEM_SHARED((NUM_GRAPHS, DC), jnp.float32),
    ] + [pltpu.SemaphoreType.DMA] * (NBUF + 1),
)
def _segsum_sc(h_hbm, gid_hbm, out_hbm,
               idx_all, idx_tm, idx_tl,
               rows_ring, rows_tm, rows_tl,
               acc_v, id_lo, id_hi, shared_acc, sem_i, *sems):
    c = lax.axis_index("c")
    s = lax.axis_index("s")
    col0 = c * DC
    base = s * ROWS_PER_SUB
    sems = list(sems)

    def h_blk(start):
        return h_hbm.at[pl.ds(start, B), pl.ds(col0, DC)]

    def fire(blk, l):
        pltpu.async_copy(h_blk(base + blk * B), rows_ring.at[l], sems[l])

    def drain(l):
        pltpu.make_async_copy(h_blk(base), rows_ring.at[l], sems[l]).wait()

    def fire_idx(j, _):
        pltpu.async_copy(gid_hbm.at[pl.ds(base + j * B, B)], idx_all.at[j],
                         sem_i)
        return 0

    lax.fori_loop(0, FULL_BLOCKS, fire_idx, 0)
    for l in range(NBUF):
        fire(l, l)

    zv = jnp.zeros((L,), jnp.float32)

    def zero_body(r, _):
        for j in range(DC // L):
            acc_v[r, pl.ds(j * L, L)] = zv
        return 0

    lax.fori_loop(0, NUM_GRAPHS, zero_body, 0)

    for j in range(B // L):
        iota = lax.iota(jnp.int32, L)
        id_lo[pl.ds(j * L, L)] = iota + (j * L)
        id_hi[pl.ds(j * L, L)] = iota + (j * L + B)

    @pl.when(s == 0)
    def _():
        pltpu.sync_copy(acc_v, shared_acc)

    def drain_idx(j, _):
        pltpu.make_async_copy(gid_hbm.at[pl.ds(base + j * B, B)],
                              idx_all.at[j], sem_i).wait()
        return 0

    lax.fori_loop(0, FULL_BLOCKS, drain_idx, 0)

    plsc.subcore_barrier()

    def ring_body(p, _):
        blk0 = NBUF * p
        for l in range(NBUF):
            blk = blk0 + l
            drain(l)

            vfirst = idx_all[blk, pl.ds(0, L)]
            vlast = idx_all[blk, pl.ds(B - L, L)]
            gmin = vfirst[0]
            gmax = vlast[L - 1]

            @pl.when(gmin == gmax)
            def _():
                def row_body(r, carry):
                    out = []
                    for j in range(DC // L):
                        out.append(carry[j] + rows_ring[l, r, pl.ds(j * L, L)])
                    return tuple(out)

                sums = lax.fori_loop(
                    0, B, row_body,
                    tuple(jnp.zeros((L,), jnp.float32)
                          for _ in range(DC // L)),
                    unroll=8)
                for j in range(DC // L):
                    acc_v[gmin, pl.ds(j * L, L)] = (
                        acc_v[gmin, pl.ds(j * L, L)] + sums[j])

            @pl.when(gmin != gmax)
            def _():
                pltpu.sync_copy(rows_ring.at[l],
                                shared_acc.at[idx_all.at[blk]], add=True)

            @pl.when(blk + NBUF < FULL_BLOCKS)
            def _():
                fire(blk + NBUF, l)
        return 0

    lax.fori_loop(0, FULL_BLOCKS // NBUF, ring_body, 0)

    tail_start = base + FULL_BLOCKS * B

    @pl.when(s < NS - 1)
    def _():
        pltpu.sync_copy(gid_hbm.at[pl.ds(tail_start, TAIL_MAIN)], idx_tm)
        pltpu.sync_copy(h_hbm.at[pl.ds(tail_start, TAIL_MAIN), pl.ds(col0, DC)],
                        rows_tm)
        pltpu.sync_copy(rows_tm, shared_acc.at[idx_tm], add=True)

    @pl.when(s == NS - 1)
    def _():
        pltpu.sync_copy(gid_hbm.at[pl.ds(tail_start, TAIL_LAST)], idx_tl)
        pltpu.sync_copy(h_hbm.at[pl.ds(tail_start, TAIL_LAST), pl.ds(col0, DC)],
                        rows_tl)
        pltpu.sync_copy(rows_tl, shared_acc.at[idx_tl], add=True)

    pltpu.sync_copy(acc_v.at[pl.ds(0, B)], shared_acc.at[id_lo], add=True)
    pltpu.sync_copy(acc_v.at[pl.ds(B, B)], shared_acc.at[id_hi], add=True)

    plsc.subcore_barrier()

    pltpu.sync_copy(shared_acc.at[pl.ds(s * GROWS, GROWS)],
                    out_hbm.at[pl.ds(s * GROWS, GROWS), pl.ds(col0, DC)])


def kernel(h, graph_ids):
    return _segsum_sc(h, graph_ids.astype(jnp.int32))

# --- scband reference (transcript-rebuilt; emitter-appended) ---
"""Pipeline reference for scband-graph-classification-pyro-head-12841952215126 (READ-ONLY COPY).

The authoritative reference and input builder live on the scoring server;
editing this copy changes nothing except your own understanding.
"""

import jax, jax.numpy as jnp
import numpy as np

NUM_GRAPHS = 256
N_NODES = 100000
D_FEAT = 128

def setup_inputs(seed: int = 0) -> dict:
    key = jax.random.key(seed)
    k1, k2 = jax.random.split(key)
    h = jax.random.normal(k1, (N_NODES, D_FEAT), dtype=jnp.float32)
    # graph_ids plays the role of dgl batched-graph node-to-graph assignment;
    # sorted so each graph's nodes are contiguous, as in a dgl.batch'd graph.
    graph_ids = jnp.sort(jax.random.randint(k2, (N_NODES,), 0, NUM_GRAPHS, dtype=jnp.int64))
    return {"h": h, "graph_ids": graph_ids}

def reference(h, graph_ids):
    # Equivalent of: g.ndata['h'] = h; h = dgl.sum_nodes(g, 'h')
    # i.e., per-graph sum pooling over node features -> [num_graphs, d] logits.
    # y is None in inference path, so the module returns the pooled logits.
    pooled = jax.ops.segment_sum(h, graph_ids, num_segments=NUM_GRAPHS)
    return pooled

if __name__ == "__main__":
    import jax
    _d = setup_inputs()
    print(jax.jit(kernel)(*tuple(_d.values())))

</pallas_src>

<mosaic_0001>
#map = affine_map<(d0, d1) -> (0, 0)>
#map1 = affine_map<(d0, d1) -> (0)>
module attributes {stable_mosaic.version = 14 : i64} {
  func.func @_segsum_sc(%arg0: i32, %arg1: i32, %arg2: memref<100000x128xf32, #tpu.memory_space<hbm>>, %arg3: memref<100000xi32, #tpu.memory_space<hbm>>, %arg4: memref<256x128xf32, #tpu.memory_space<hbm>>, %arg5: memref<48x128xi32, #tpu.memory_space<vmem>>, %arg6: memref<112xi32, #tpu.memory_space<vmem>>, %arg7: memref<16xi32, #tpu.memory_space<vmem>>, %arg8: memref<6x128x64xf32, #tpu.memory_space<vmem>>, %arg9: memref<112x64xf32, #tpu.memory_space<vmem>>, %arg10: memref<16x64xf32, #tpu.memory_space<vmem>>, %arg11: memref<256x64xf32, #tpu.memory_space<vmem>>, %arg12: memref<128xi32, #tpu.memory_space<vmem>>, %arg13: memref<128xi32, #tpu.memory_space<vmem>>, %arg14: memref<256x64xf32, #tpu.memory_space<vmem_shared>>, %arg15: memref<!tpu.dma_semaphore, #tpu.memory_space<semaphore_mem>>, %arg16: memref<!tpu.dma_semaphore, #tpu.memory_space<semaphore_mem>>, %arg17: memref<!tpu.dma_semaphore, #tpu.memory_space<semaphore_mem>>, %arg18: memref<!tpu.dma_semaphore, #tpu.memory_space<semaphore_mem>>, %arg19: memref<!tpu.dma_semaphore, #tpu.memory_space<semaphore_mem>>, %arg20: memref<!tpu.dma_semaphore, #tpu.memory_space<semaphore_mem>>, %arg21: memref<!tpu.dma_semaphore, #tpu.memory_space<semaphore_mem>>) attributes {dimension_semantics = [#tpu.dimension_semantics<core_parallel>, #tpu.dimension_semantics<subcore_parallel>], iteration_bounds = array<i64: 2, 16>, scalar_prefetch = 0 : i64, scratch_operands = 17 : i64, tpu.core_type = #tpu.core_type<sc_vector_subcore>, window_params = [{transform_indices = #map}, {transform_indices = #map1}, {transform_indices = #map}]} {
    %mul3A = arith.constant 64 : i32
    %mul3A_0 = arith.muli %arg0, %mul3A : i32
    %mul3A_1 = arith.constant 6256 : i32
    %mul3A_2 = arith.muli %arg1, %mul3A_1 : i32
    %scan3A = arith.constant 0 : i32
    %scan3A_3 = arith.constant 0 : i32
    %scan3A_4 = arith.constant 48 : i32
    %scan3A_5 = arith.addi %scan3A_3, %scan3A_4 : i32
    %scan3A_6 = arith.constant 1 : i32
    %scan3A_7 = scf.for %scan3A_243 = %scan3A_3 to %scan3A_5 step %scan3A_6 iter_args(%scan3A_244 = %scan3A) -> (i32)  : i32 {
      %mul3A_245 = arith.constant 128 : i32
      %mul3A_246 = arith.muli %scan3A_243, %mul3A_245 : i32
      %add3A_247 = arith.addi %mul3A_2, %mul3A_246 : i32
      %dma_start3A_248 = arith.constant 0 : i32
      %dma_start3A_249 = tpu.memref_slice %arg5[%scan3A_243, %dma_start3A_248] : memref<48x128xi32, #tpu.memory_space<vmem>> -> memref<1x128xi32, #tpu.memory_space<vmem>>
      %dma_start3A_250 = tpu.memref_squeeze %dma_start3A_249 : memref<1x128xi32, #tpu.memory_space<vmem>> -> memref<128xi32, #tpu.memory_space<vmem>>
      %dma_start3A_251 = tpu.memref_slice %arg3[%add3A_247] : memref<100000xi32, #tpu.memory_space<hbm>> -> memref<128xi32, #tpu.memory_space<hbm>>
      %dma_start3A_252 = arith.constant 0 : i32
      %dma_start3A_253 = tpu.memref_slice %arg5[%scan3A_243, %dma_start3A_252] : memref<48x128xi32, #tpu.memory_space<vmem>> -> memref<1x128xi32, #tpu.memory_space<vmem>>
      %dma_start3A_254 = tpu.memref_squeeze %dma_start3A_253 : memref<1x128xi32, #tpu.memory_space<vmem>> -> memref<128xi32, #tpu.memory_space<vmem>>
      %dma_start3A_255 = tpu.memref_slice %arg3[%add3A_247] : memref<100000xi32, #tpu.memory_space<hbm>> -> memref<128xi32, #tpu.memory_space<hbm>>
      tpu.enqueue_dma source(%dma_start3A_255 : memref<128xi32, #tpu.memory_space<hbm>>) target(%dma_start3A_254 : memref<128xi32, #tpu.memory_space<vmem>>) target_semaphore(%arg15 : memref<!tpu.dma_semaphore, #tpu.memory_space<semaphore_mem>>)
      %scan3A_256 = arith.constant 0 : i32
      scf.yield %scan3A_256 : i32
    }
    %scan3A_8 = arith.constant 48 : i32
    %add3A = arith.constant 0 : i32
    %add3A_9 = arith.addi %mul3A_2, %add3A : i32
    %dma_start3A = arith.constant 0 : i32
    %dma_start3A_10 = arith.constant 0 : i32
    %dma_start3A_11 = arith.constant 0 : i32
    %dma_start3A_12 = tpu.memref_slice %arg8[%dma_start3A, %dma_start3A_10, %dma_start3A_11] : memref<6x128x64xf32, #tpu.memory_space<vmem>> -> memref<1x128x64xf32, #tpu.memory_space<vmem>>
    %dma_start3A_13 = tpu.memref_squeeze %dma_start3A_12 : memref<1x128x64xf32, #tpu.memory_space<vmem>> -> memref<128x64xf32, #tpu.memory_space<vmem>>
    %dma_start3A_14 = tpu.memref_slice %arg2[%add3A_9, %mul3A_0] : memref<100000x128xf32, #tpu.memory_space<hbm>> -> memref<128x64xf32, #tpu.memory_space<hbm>>
    %dma_start3A_15 = arith.constant 0 : i32
    %dma_start3A_16 = arith.constant 0 : i32
    %dma_start3A_17 = tpu.memref_slice %arg8[%dma_start3A, %dma_start3A_15, %dma_start3A_16] : memref<6x128x64xf32, #tpu.memory_space<vmem>> -> memref<1x128x64xf32, #tpu.memory_space<vmem>>
    %dma_start3A_18 = tpu.memref_squeeze %dma_start3A_17 : memref<1x128x64xf32, #tpu.memory_space<vmem>> -> memref<128x64xf32, #tpu.memory_space<vmem>>
    %dma_start3A_19 = tpu.memref_slice %arg2[%add3A_9, %mul3A_0] : memref<100000x128xf32, #tpu.memory_space<hbm>> -> memref<128x64xf32, #tpu.memory_space<hbm>>
    tpu.enqueue_dma source(%dma_start3A_19 : memref<128x64xf32, #tpu.memory_space<hbm>>) target(%dma_start3A_18 : memref<128x64xf32, #tpu.memory_space<vmem>>) target_semaphore(%arg16 : memref<!tpu.dma_semaphore, #tpu.memory_space<semaphore_mem>>)
    %add3A_20 = arith.constant 128 : i32
    %add3A_21 = arith.addi %mul3A_2, %add3A_20 : i32
    %dma_start3A_22 = arith.constant 1 : i32
    %dma_start3A_23 = arith.constant 0 : i32
    %dma_start3A_24 = arith.constant 0 : i32
    %dma_start3A_25 = tpu.memref_slice %arg8[%dma_start3A_22, %dma_start3A_23, %dma_start3A_24] : memref<6x128x64xf32, #tpu.memory_space<vmem>> -> memref<1x128x64xf32, #tpu.memory_space<vmem>>
    %dma_start3A_26 = tpu.memref_squeeze %dma_start3A_25 : memref<1x128x64xf32, #tpu.memory_space<vmem>> -> memref<128x64xf32, #tpu.memory_space<vmem>>
    %dma_start3A_27 = tpu.memref_slice %arg2[%add3A_21, %mul3A_0] : memref<100000x128xf32, #tpu.memory_space<hbm>> -> memref<128x64xf32, #tpu.memory_space<hbm>>
    %dma_start3A_28 = arith.constant 0 : i32
    %dma_start3A_29 = arith.constant 0 : i32
    %dma_start3A_30 = tpu.memref_slice %arg8[%dma_start3A_22, %dma_start3A_28, %dma_start3A_29] : memref<6x128x64xf32, #tpu.memory_space<vmem>> -> memref<1x128x64xf32, #tpu.memory_space<vmem>>
    %dma_start3A_31 = tpu.memref_squeeze %dma_start3A_30 : memref<1x128x64xf32, #tpu.memory_space<vmem>> -> memref<128x64xf32, #tpu.memory_space<vmem>>
    %dma_start3A_32 = tpu.memref_slice %arg2[%add3A_21, %mul3A_0] : memref<100000x128xf32, #tpu.memory_space<hbm>> -> memref<128x64xf32, #tpu.memory_space<hbm>>
    tpu.enqueue_dma source(%dma_start3A_32 : memref<128x64xf32, #tpu.memory_space<hbm>>) target(%dma_start3A_31 : memref<128x64xf32, #tpu.memory_space<vmem>>) target_semaphore(%arg17 : memref<!tpu.dma_semaphore, #tpu.memory_space<semaphore_mem>>)
    %add3A_33 = arith.constant 256 : i32
    %add3A_34 = arith.addi %mul3A_2, %add3A_33 : i32
    %dma_start3A_35 = arith.constant 2 : i32
    %dma_start3A_36 = arith.constant 0 : i32
    %dma_start3A_37 = arith.constant 0 : i32
    %dma_start3A_38 = tpu.memref_slice %arg8[%dma_start3A_35, %dma_start3A_36, %dma_start3A_37] : memref<6x128x64xf32, #tpu.memory_space<vmem>> -> memref<1x128x64xf32, #tpu.memory_space<vmem>>
    %dma_start3A_39 = tpu.memref_squeeze %dma_start3A_38 : memref<1x128x64xf32, #tpu.memory_space<vmem>> -> memref<128x64xf32, #tpu.memory_space<vmem>>
    %dma_start3A_40 = tpu.memref_slice %arg2[%add3A_34, %mul3A_0] : memref<100000x128xf32, #tpu.memory_space<hbm>> -> memref<128x64xf32, #tpu.memory_space<hbm>>
    %dma_start3A_41 = arith.constant 0 : i32
    %dma_start3A_42 = arith.constant 0 : i32
    %dma_start3A_43 = tpu.memref_slice %arg8[%dma_start3A_35, %dma_start3A_41, %dma_start3A_42] : memref<6x128x64xf32, #tpu.memory_space<vmem>> -> memref<1x128x64xf32, #tpu.memory_space<vmem>>
    %dma_start3A_44 = tpu.memref_squeeze %dma_start3A_43 : memref<1x128x64xf32, #tpu.memory_space<vmem>> -> memref<128x64xf32, #tpu.memory_space<vmem>>
    %dma_start3A_45 = tpu.memref_slice %arg2[%add3A_34, %mul3A_0] : memref<100000x128xf32, #tpu.memory_space<hbm>> -> memref<128x64xf32, #tpu.memory_space<hbm>>
    tpu.enqueue_dma source(%dma_start3A_45 : memref<128x64xf32, #tpu.memory_space<hbm>>) target(%dma_start3A_44 : memref<128x64xf32, #tpu.memory_space<vmem>>) target_semaphore(%arg18 : memref<!tpu.dma_semaphore, #tpu.memory_space<semaphore_mem>>)
    %add3A_46 = arith.constant 384 : i32
    %add3A_47 = arith.addi %mul3A_2, %add3A_46 : i32
    %dma_start3A_48 = arith.constant 3 : i32
    %dma_start3A_49 = arith.constant 0 : i32
    %dma_start3A_50 = arith.constant 0 : i32
    %dma_start3A_51 = tpu.memref_slice %arg8[%dma_start3A_48, %dma_start3A_49, %dma_start3A_50] : memref<6x128x64xf32, #tpu.memory_space<vmem>> -> memref<1x128x64xf32, #tpu.memory_space<vmem>>
    %dma_start3A_52 = tpu.memref_squeeze %dma_start3A_51 : memref<1x128x64xf32, #tpu.memory_space<vmem>> -> memref<128x64xf32, #tpu.memory_space<vmem>>
    %dma_start3A_53 = tpu.memref_slice %arg2[%add3A_47, %mul3A_0] : memref<100000x128xf32, #tpu.memory_space<hbm>> -> memref<128x64xf32, #tpu.memory_space<hbm>>
    %dma_start3A_54 = arith.constant 0 : i32
    %dma_start3A_55 = arith.constant 0 : i32
    %dma_start3A_56 = tpu.memref_slice %arg8[%dma_start3A_48, %dma_start3A_54, %dma_start3A_55] : memref<6x128x64xf32, #tpu.memory_space<vmem>> -> memref<1x128x64xf32, #tpu.memory_space<vmem>>
    %dma_start3A_57 = tpu.memref_squeeze %dma_start3A_56 : memref<1x128x64xf32, #tpu.memory_space<vmem>> -> memref<128x64xf32, #tpu.memory_space<vmem>>
    %dma_start3A_58 = tpu.memref_slice %arg2[%add3A_47, %mul3A_0] : memref<100000x128xf32, #tpu.memory_space<hbm>> -> memref<128x64xf32, #tpu.memory_space<hbm>>
    tpu.enqueue_dma source(%dma_start3A_58 : memref<128x64xf32, #tpu.memory_space<hbm>>) target(%dma_start3A_57 : memref<128x64xf32, #tpu.memory_space<vmem>>) target_semaphore(%arg19 : memref<!tpu.dma_semaphore, #tpu.memory_space<semaphore_mem>>)
    %add3A_59 = arith.constant 512 : i32
    %add3A_60 = arith.addi %mul3A_2, %add3A_59 : i32
    %dma_start3A_61 = arith.constant 4 : i32
    %dma_start3A_62 = arith.constant 0 : i32
    %dma_start3A_63 = arith.constant 0 : i32
    %dma_start3A_64 = tpu.memref_slice %arg8[%dma_start3A_61, %dma_start3A_62, %dma_start3A_63] : memref<6x128x64xf32, #tpu.memory_space<vmem>> -> memref<1x128x64xf32, #tpu.memory_space<vmem>>
    %dma_start3A_65 = tpu.memref_squeeze %dma_start3A_64 : memref<1x128x64xf32, #tpu.memory_space<vmem>> -> memref<128x64xf32, #tpu.memory_space<vmem>>
    %dma_start3A_66 = tpu.memref_slice %arg2[%add3A_60, %mul3A_0] : memref<100000x128xf32, #tpu.memory_space<hbm>> -> memref<128x64xf32, #tpu.memory_space<hbm>>
    %dma_start3A_67 = arith.constant 0 : i32
    %dma_start3A_68 = arith.constant 0 : i32
    %dma_start3A_69 = tpu.memref_slice %arg8[%dma_start3A_61, %dma_start3A_67, %dma_start3A_68] : memref<6x128x64xf32, #tpu.memory_space<vmem>> -> memref<1x128x64xf32, #tpu.memory_space<vmem>>
    %dma_start3A_70 = tpu.memref_squeeze %dma_start3A_69 : memref<1x128x64xf32, #tpu.memory_space<vmem>> -> memref<128x64xf32, #tpu.memory_space<vmem>>
    %dma_start3A_71 = tpu.memref_slice %arg2[%add3A_60, %mul3A_0] : memref<100000x128xf32, #tpu.memory_space<hbm>> -> memref<128x64xf32, #tpu.memory_space<hbm>>
    tpu.enqueue_dma source(%dma_start3A_71 : memref<128x64xf32, #tpu.memory_space<hbm>>) target(%dma_start3A_70 : memref<128x64xf32, #tpu.memory_space<vmem>>) target_semaphore(%arg20 : memref<!tpu.dma_semaphore, #tpu.memory_space<semaphore_mem>>)
    %add3A_72 = arith.constant 640 : i32
    %add3A_73 = arith.addi %mul3A_2, %add3A_72 : i32
    %dma_start3A_74 = arith.constant 5 : i32
    %dma_start3A_75 = arith.constant 0 : i32
    %dma_start3A_76 = arith.constant 0 : i32
    %dma_start3A_77 = tpu.memref_slice %arg8[%dma_start3A_74, %dma_start3A_75, %dma_start3A_76] : memref<6x128x64xf32, #tpu.memory_space<vmem>> -> memref<1x128x64xf32, #tpu.memory_space<vmem>>
    %dma_start3A_78 = tpu.memref_squeeze %dma_start3A_77 : memref<1x128x64xf32, #tpu.memory_space<vmem>> -> memref<128x64xf32, #tpu.memory_space<vmem>>
    %dma_start3A_79 = tpu.memref_slice %arg2[%add3A_73, %mul3A_0] : memref<100000x128xf32, #tpu.memory_space<hbm>> -> memref<128x64xf32, #tpu.memory_space<hbm>>
    %dma_start3A_80 = arith.constant 0 : i32
    %dma_start3A_81 = arith.constant 0 : i32
    %dma_start3A_82 = tpu.memref_slice %arg8[%dma_start3A_74, %dma_start3A_80, %dma_start3A_81] : memref<6x128x64xf32, #tpu.memory_space<vmem>> -> memref<1x128x64xf32, #tpu.memory_space<vmem>>
    %dma_start3A_83 = tpu.memref_squeeze %dma_start3A_82 : memref<1x128x64xf32, #tpu.memory_space<vmem>> -> memref<128x64xf32, #tpu.memory_space<vmem>>
    %dma_start3A_84 = tpu.memref_slice %arg2[%add3A_73, %mul3A_0] : memref<100000x128xf32, #tpu.memory_space<hbm>> -> memref<128x64xf32, #tpu.memory_space<hbm>>
    tpu.enqueue_dma source(%dma_start3A_84 : memref<128x64xf32, #tpu.memory_space<hbm>>) target(%dma_start3A_83 : memref<128x64xf32, #tpu.memory_space<vmem>>) target_semaphore(%arg21 : memref<!tpu.dma_semaphore, #tpu.memory_space<semaphore_mem>>)
    %broadcast_in_dim3A = arith.constant 0.000000e+00 : f32
    %broadcast_in_dim3A_85 = vector.broadcast %broadcast_in_dim3A : f32 to vector<16xf32>
    %scan3A_86 = arith.constant 0 : i32
    %scan3A_87 = arith.constant 0 : i32
    %scan3A_88 = arith.constant 256 : i32
    %scan3A_89 = arith.addi %scan3A_87, %scan3A_88 : i32
    %scan3A_90 = arith.constant 1 : i32
    %scan3A_91 = scf.for %scan3A_243 = %scan3A_87 to %scan3A_89 step %scan3A_90 iter_args(%scan3A_244 = %scan3A_86) -> (i32)  : i32 {
      %swap3A_245 = arith.index_cast %scan3A_243 : i32 to index
      %swap3A_246 = arith.constant 0 : index
      %swap3A_247 = tpu.vector_load %arg11[%swap3A_245, %swap3A_246] {strides = array<i32>} : memref<256x64xf32, #tpu.memory_space<vmem>>, vector<1x16xf32>,
      %swap3A_248 = vector.shape_cast %swap3A_247 : vector<1x16xf32> to vector<16xf32>
      %swap3A_249 = vector.shape_cast %broadcast_in_dim3A_85 : vector<16xf32> to vector<1x16xf32>
      tpu.vector_store %arg11[%swap3A_245, %swap3A_246], %swap3A_249 {strides = array<i32>} : memref<256x64xf32, #tpu.memory_space<vmem>>, vector<1x16xf32>,
      %swap3A_250 = arith.index_cast %scan3A_243 : i32 to index
      %swap3A_251 = arith.constant 16 : index
      %swap3A_252 = tpu.vector_load %arg11[%swap3A_250, %swap3A_251] {strides = array<i32>} : memref<256x64xf32, #tpu.memory_space<vmem>>, vector<1x16xf32>,
      %swap3A_253 = vector.shape_cast %swap3A_252 : vector<1x16xf32> to vector<16xf32>
      %swap3A_254 = vector.shape_cast %broadcast_in_dim3A_85 : vector<16xf32> to vector<1x16xf32>
      tpu.vector_store %arg11[%swap3A_250, %swap3A_251], %swap3A_254 {strides = array<i32>} : memref<256x64xf32, #tpu.memory_space<vmem>>, vector<1x16xf32>,
      %swap3A_255 = arith.index_cast %scan3A_243 : i32 to index
      %swap3A_256 = arith.constant 32 : index
      %swap3A_257 = tpu.vector_load %arg11[%swap3A_255, %swap3A_256] {strides = array<i32>} : memref<256x64xf32, #tpu.memory_space<vmem>>, vector<1x16xf32>,
      %swap3A_258 = vector.shape_cast %swap3A_257 : vector<1x16xf32> to vector<16xf32>
      %swap3A_259 = vector.shape_cast %broadcast_in_dim3A_85 : vector<16xf32> to vector<1x16xf32>
      tpu.vector_store %arg11[%swap3A_255, %swap3A_256], %swap3A_259 {strides = array<i32>} : memref<256x64xf32, #tpu.memory_space<vmem>>, vector<1x16xf32>,
      %swap3A_260 = arith.index_cast %scan3A_243 : i32 to index
      %swap3A_261 = arith.constant 48 : index
      %swap3A_262 = tpu.vector_load %arg11[%swap3A_260, %swap3A_261] {strides = array<i32>} : memref<256x64xf32, #tpu.memory_space<vmem>>, vector<1x16xf32>,
      %swap3A_263 = vector.shape_cast %swap3A_262 : vector<1x16xf32> to vector<16xf32>
      %swap3A_264 = vector.shape_cast %broadcast_in_dim3A_85 : vector<16xf32> to vector<1x16xf32>
      tpu.vector_store %arg11[%swap3A_260, %swap3A_261], %swap3A_264 {strides = array<i32>} : memref<256x64xf32, #tpu.memory_space<vmem>>, vector<1x16xf32>,
      %scan3A_265 = arith.constant 0 : i32
      scf.yield %scan3A_265 : i32
    }
    %scan3A_92 = arith.constant 256 : i32
    %iota3A = tpu.iota {dimensions = array<i32: 0>} : vector<16xi32>
    %add3A_93 = arith.constant 0 : i32
    %add3A_94 = vector.broadcast %add3A_93 : i32 to vector<16xi32>
    %add3A_95 = arith.addi %iota3A, %add3A_94 : vector<16xi32>
    %swap3A = arith.constant 0 : index
    %swap3A_96 = tpu.vector_load %arg12[%swap3A] {strides = array<i32>} : memref<128xi32, #tpu.memory_space<vmem>>, vector<16xi32>,
    %swap3A_97 = vector.shape_cast %swap3A_96 : vector<16xi32> to vector<16xi32>
    %swap3A_98 = vector.shape_cast %add3A_95 : vector<16xi32> to vector<16xi32>
    tpu.vector_store %arg12[%swap3A], %swap3A_98 {strides = array<i32>} : memref<128xi32, #tpu.memory_space<vmem>>, vector<16xi32>,
    %add3A_99 = arith.constant 128 : i32
    %add3A_100 = vector.broadcast %add3A_99 : i32 to vector<16xi32>
    %add3A_101 = arith.addi %iota3A, %add3A_100 : vector<16xi32>
    %swap3A_102 = arith.constant 0 : index
    %swap3A_103 = tpu.vector_load %arg13[%swap3A_102] {strides = array<i32>} : memref<128xi32, #tpu.memory_space<vmem>>, vector<16xi32>,
    %swap3A_104 = vector.shape_cast %swap3A_103 : vector<16xi32> to vector<16xi32>
    %swap3A_105 = vector.shape_cast %add3A_101 : vector<16xi32> to vector<16xi32>
    tpu.vector_store %arg13[%swap3A_102], %swap3A_105 {strides = array<i32>} : memref<128xi32, #tpu.memory_space<vmem>>, vector<16xi32>,
    %iota3A_106 = tpu.iota {dimensions = array<i32: 0>} : vector<16xi32>
    %add3A_107 = arith.constant 16 : i32
    %add3A_108 = vector.broadcast %add3A_107 : i32 to vector<16xi32>
    %add3A_109 = arith.addi %iota3A_106, %add3A_108 : vector<16xi32>
    %swap3A_110 = arith.constant 16 : index
    %swap3A_111 = tpu.vector_load %arg12[%swap3A_110] {strides = array<i32>} : memref<128xi32, #tpu.memory_space<vmem>>, vector<16xi32>,
    %swap3A_112 = vector.shape_cast %swap3A_111 : vector<16xi32> to vector<16xi32>
    %swap3A_113 = vector.shape_cast %add3A_109 : vector<16xi32> to vector<16xi32>
    tpu.vector_store %arg12[%swap3A_110], %swap3A_113 {strides = array<i32>} : memref<128xi32, #tpu.memory_space<vmem>>, vector<16xi32>,
    %add3A_114 = arith.constant 144 : i32
    %add3A_115 = vector.broadcast %add3A_114 : i32 to vector<16xi32>
    %add3A_116 = arith.addi %iota3A_106, %add3A_115 : vector<16xi32>
    %swap3A_117 = arith.constant 16 : index
    %swap3A_118 = tpu.vector_load %arg13[%swap3A_117] {strides = array<i32>} : memref<128xi32, #tpu.memory_space<vmem>>, vector<16xi32>,
    %swap3A_119 = vector.shape_cast %swap3A_118 : vector<16xi32> to vector<16xi32>
    %swap3A_120 = vector.shape_cast %add3A_116 : vector<16xi32> to vector<16xi32>
    tpu.vector_store %arg13[%swap3A_117], %swap3A_120 {strides = array<i32>} : memref<128xi32, #tpu.memory_space<vmem>>, vector<16xi32>,
    %iota3A_121 = tpu.iota {dimensions = array<i32: 0>} : vector<16xi32>
    %add3A_122 = arith.constant 32 : i32
    %add3A_123 = vector.broadcast %add3A_122 : i32 to vector<16xi32>
    %add3A_124 = arith.addi %iota3A_121, %add3A_123 : vector<16xi32>
    %swap3A_125 = arith.constant 32 : index
    %swap3A_126 = tpu.vector_load %arg12[%swap3A_125] {strides = array<i32>} : memref<128xi32, #tpu.memory_space<vmem>>, vector<16xi32>,
    %swap3A_127 = vector.shape_cast %swap3A_126 : vector<16xi32> to vector<16xi32>
    %swap3A_128 = vector.shape_cast %add3A_124 : vector<16xi32> to vector<16xi32>
    tpu.vector_store %arg12[%swap3A_125], %swap3A_128 {strides = array<i32>} : memref<128xi32, #tpu.memory_space<vmem>>, vector<16xi32>,
    %add3A_129 = arith.constant 160 : i32
    %add3A_130 = vector.broadcast %add3A_129 : i32 to vector<16xi32>
    %add3A_131 = arith.addi %iota3A_121, %add3A_130 : vector<16xi32>
    %swap3A_132 = arith.constant 32 : index
    %swap3A_133 = tpu.vector_load %arg13[%swap3A_132] {strides = array<i32>} : memref<128xi32, #tpu.memory_space<vmem>>, vector<16xi32>,
    %swap3A_134 = vector.shape_cast %swap3A_133 : vector<16xi32> to vector<16xi32>
    %swap3A_135 = vector.shape_cast %add3A_131 : vector<16xi32> to vector<16xi32>
    tpu.vector_store %arg13[%swap3A_132], %swap3A_135 {strides = array<i32>} : memref<128xi32, #tpu.memory_space<vmem>>, vector<16xi32>,
    %iota3A_136 = tpu.iota {dimensions = array<i32: 0>} : vector<16xi32>
    %add3A_137 = arith.constant 48 : i32
    %add3A_138 = vector.broadcast %add3A_137 : i32 to vector<16xi32>
    %add3A_139 = arith.addi %iota3A_136, %add3A_138 : vector<16xi32>
    %swap3A_140 = arith.constant 48 : index
    %swap3A_141 = tpu.vector_load %arg12[%swap3A_140] {strides = array<i32>} : memref<128xi32, #tpu.memory_space<vmem>>, vector<16xi32>,
    %swap3A_142 = vector.shape_cast %swap3A_141 : vector<16xi32> to vector<16xi32>
    %swap3A_143 = vector.shape_cast %add3A_139 : vector<16xi32> to vector<16xi32>
    tpu.vector_store %arg12[%swap3A_140], %swap3A_143 {strides = array<i32>} : memref<128xi32, #tpu.memory_space<vmem>>, vector<16xi32>,
    %add3A_144 = arith.constant 176 : i32
    %add3A_145 = vector.broadcast %add3A_144 : i32 to vector<16xi32>
    %add3A_146 = arith.addi %iota3A_136, %add3A_145 : vector<16xi32>
    %swap3A_147 = arith.constant 48 : index
    %swap3A_148 = tpu.vector_load %arg13[%swap3A_147] {strides = array<i32>} : memref<128xi32, #tpu.memory_space<vmem>>, vector<16xi32>,
    %swap3A_149 = vector.shape_cast %swap3A_148 : vector<16xi32> to vector<16xi32>
    %swap3A_150 = vector.shape_cast %add3A_146 : vector<16xi32> to vector<16xi32>
    tpu.vector_store %arg13[%swap3A_147], %swap3A_150 {strides = array<i32>} : memref<128xi32, #tpu.memory_space<vmem>>, vector<16xi32>,
    %iota3A_151 = tpu.iota {dimensions = array<i32: 0>} : vector<16xi32>
    %add3A_152 = arith.constant 64 : i32
    %add3A_153 = vector.broadcast %add3A_152 : i32 to vector<16xi32>
    %add3A_154 = arith.addi %iota3A_151, %add3A_153 : vector<16xi32>
    %swap3A_155 = arith.constant 64 : index
    %swap3A_156 = tpu.vector_load %arg12[%swap3A_155] {strides = array<i32>} : memref<128xi32, #tpu.memory_space<vmem>>, vector<16xi32>,
    %swap3A_157 = vector.shape_cast %swap3A_156 : vector<16xi32> to vector<16xi32>
    %swap3A_158 = vector.shape_cast %add3A_154 : vector<16xi32> to vector<16xi32>
    tpu.vector_store %arg12[%swap3A_155], %swap3A_158 {strides = array<i32>} : memref<128xi32, #tpu.memory_space<vmem>>, vector<16xi32>,
    %add3A_159 = arith.constant 192 : i32
    %add3A_160 = vector.broadcast %add3A_159 : i32 to vector<16xi32>
    %add3A_161 = arith.addi %iota3A_151, %add3A_160 : vector<16xi32>
    %swap3A_162 = arith.constant 64 : index
    %swap3A_163 = tpu.vector_load %arg13[%swap3A_162] {strides = array<i32>} : memref<128xi32, #tpu.memory_space<vmem>>, vector<16xi32>,
    %swap3A_164 = vector.shape_cast %swap3A_163 : vector<16xi32> to vector<16xi32>
    %swap3A_165 = vector.shape_cast %add3A_161 : vector<16xi32> to vector<16xi32>
    tpu.vector_store %arg13[%swap3A_162], %swap3A_165 {strides = array<i32>} : memref<128xi32, #tpu.memory_space<vmem>>, vector<16xi32>,
    %iota3A_166 = tpu.iota {dimensions = array<i32: 0>} : vector<16xi32>
    %add3A_167 = arith.constant 80 : i32
    %add3A_168 = vector.broadcast %add3A_167 : i32 to vector<16xi32>
    %add3A_169 = arith.addi %iota3A_166, %add3A_168 : vector<16xi32>
    %swap3A_170 = arith.constant 80 : index
    %swap3A_171 = tpu.vector_load %arg12[%swap3A_170] {strides = array<i32>} : memref<128xi32, #tpu.memory_space<vmem>>, vector<16xi32>,
    %swap3A_172 = vector.shape_cast %swap3A_171 : vector<16xi32> to vector<16xi32>
    %swap3A_173 = vector.shape_cast %add3A_169 : vector<16xi32> to vector<16xi32>
    tpu.vector_store %arg12[%swap3A_170], %swap3A_173 {strides = array<i32>} : memref<128xi32, #tpu.memory_space<vmem>>, vector<16xi32>,
    %add3A_174 = arith.constant 208 : i32
    %add3A_175 = vector.broadcast %add3A_174 : i32 to vector<16xi32>
    %add3A_176 = arith.addi %iota3A_166, %add3A_175 : vector<16xi32>
    %swap3A_177 = arith.constant 80 : index
    %swap3A_178 = tpu.vector_load %arg13[%swap3A_177] {strides = array<i32>} : memref<128xi32, #tpu.memory_space<vmem>>, vector<16xi32>,
    %swap3A_179 = vector.shape_cast %swap3A_178 : vector<16xi32> to vector<16xi32>
    %swap3A_180 = vector.shape_cast %add3A_176 : vector<16xi32> to vector<16xi32>
    tpu.vector_store %arg13[%swap3A_177], %swap3A_180 {strides = array<i32>} : memref<128xi32, #tpu.memory_space<vmem>>, vector<16xi32>,
    %iota3A_181 = tpu.iota {dimensions = array<i32: 0>} : vector<16xi32>
    %add3A_182 = arith.constant 96 : i32
    %add3A_183 = vector.broadcast %add3A_182 : i32 to vector<16xi32>
    %add3A_184 = arith.addi %iota3A_181, %add3A_183 : vector<16xi32>
    %swap3A_185 = arith.constant 96 : index
    %swap3A_186 = tpu.vector_load %arg12[%swap3A_185] {strides = array<i32>} : memref<128xi32, #tpu.memory_space<vmem>>, vector<16xi32>,
    %swap3A_187 = vector.shape_cast %swap3A_186 : vector<16xi32> to vector<16xi32>
    %swap3A_188 = vector.shape_cast %add3A_184 : vector<16xi32> to vector<16xi32>
    tpu.vector_store %arg12[%swap3A_185], %swap3A_188 {strides = array<i32>} : memref<128xi32, #tpu.memory_space<vmem>>, vector<16xi32>,
    %add3A_189 = arith.constant 224 : i32
    %add3A_190 = vector.broadcast %add3A_189 : i32 to vector<16xi32>
    %add3A_191 = arith.addi %iota3A_181, %add3A_190 : vector<16xi32>
    %swap3A_192 = arith.constant 96 : index
    %swap3A_193 = tpu.vector_load %arg13[%swap3A_192] {strides = array<i32>} : memref<128xi32, #tpu.memory_space<vmem>>, vector<16xi32>,
    %swap3A_194 = vector.shape_cast %swap3A_193 : vector<16xi32> to vector<16xi32>
    %swap3A_195 = vector.shape_cast %add3A_191 : vector<16xi32> to vector<16xi32>
    tpu.vector_store %arg13[%swap3A_192], %swap3A_195 {strides = array<i32>} : memref<128xi32, #tpu.memory_space<vmem>>, vector<16xi32>,
    %iota3A_196 = tpu.iota {dimensions = array<i32: 0>} : vector<16xi32>
    %add3A_197 = arith.constant 112 : i32
    %add3A_198 = vector.broadcast %add3A_197 : i32 to vector<16xi32>
    %add3A_199 = arith.addi %iota3A_196, %add3A_198 : vector<16xi32>
    %swap3A_200 = arith.constant 112 : index
    %swap3A_201 = tpu.vector_load %arg12[%swap3A_200] {strides = array<i32>} : memref<128xi32, #tpu.memory_space<vmem>>, vector<16xi32>,
    %swap3A_202 = vector.shape_cast %swap3A_201 : vector<16xi32> to vector<16xi32>
    %swap3A_203 = vector.shape_cast %add3A_199 : vector<16xi32> to vector<16xi32>
    tpu.vector_store %arg12[%swap3A_200], %swap3A_203 {strides = array<i32>} : memref<128xi32, #tpu.memory_space<vmem>>, vector<16xi32>,
    %add3A_204 = arith.constant 240 : i32
    %add3A_205 = vector.broadcast %add3A_204 : i32 to vector<16xi32>
    %add3A_206 = arith.addi %iota3A_196, %add3A_205 : vector<16xi32>
    %swap3A_207 = arith.constant 112 : index
    %swap3A_208 = tpu.vector_load %arg13[%swap3A_207] {strides = array<i32>} : memref<128xi32, #tpu.memory_space<vmem>>, vector<16xi32>,
    %swap3A_209 = vector.shape_cast %swap3A_208 : vector<16xi32> to vector<16xi32>
    %swap3A_210 = vector.shape_cast %add3A_206 : vector<16xi32> to vector<16xi32>
    tpu.vector_store %arg13[%swap3A_207], %swap3A_210 {strides = array<i32>} : memref<128xi32, #tpu.memory_space<vmem>>, vector<16xi32>,
    %eq3A = arith.constant 0 : i32
    %eq3A_211 = arith.cmpi eq, %arg1, %eq3A : i32
    %convert_element_type3A = arith.extui %eq3A_211 : i1 to i32
    %cond3A = arith.constant 0 : i32
    %cond3A_212 = arith.cmpi ne, %convert_element_type3A, %cond3A : i32
    scf.if %cond3A_212 {
      "tpu.region"() ({
        %run_scoped3A = tpu.sem_alloc : memref<!tpu.dma_semaphore, #tpu.memory_space<semaphore_mem>>
        tpu.enqueue_dma source(%arg11 : memref<256x64xf32, #tpu.memory_space<vmem>>) target(%arg14 : memref<256x64xf32, #tpu.memory_space<vmem_shared>>) target_semaphore(%run_scoped3A : memref<!tpu.dma_semaphore, #tpu.memory_space<semaphore_mem>>)
        tpu.wait_dma2 semaphore(%run_scoped3A : memref<!tpu.dma_semaphore, #tpu.memory_space<semaphore_mem>>) src(%arg11 : memref<256x64xf32, #tpu.memory_space<vmem>>) dst(%arg14 : memref<256x64xf32, #tpu.memory_space<vmem_shared>>)
        tpu.yield
      }) : () -> ()
    } else {
    }
    %scan3A_213 = arith.constant 0 : i32
    %scan3A_214 = arith.constant 0 : i32
    %scan3A_215 = arith.constant 48 : i32
    %scan3A_216 = arith.addi %scan3A_214, %scan3A_215 : i32
    %scan3A_217 = arith.constant 1 : i32
    %scan3A_218 = scf.for %scan3A_243 = %scan3A_214 to %scan3A_216 step %scan3A_217 iter_args(%scan3A_244 = %scan3A_213) -> (i32)  : i32 {
      %mul3A_245 = arith.constant 128 : i32
      %mul3A_246 = arith.muli %scan3A_243, %mul3A_245 : i32
      %add3A_247 = arith.addi %mul3A_2, %mul3A_246 : i32
      %dma_wait3A = arith.constant 0 : i32
      %dma_wait3A_248 = tpu.memref_slice %arg5[%scan3A_243, %dma_wait3A] : memref<48x128xi32, #tpu.memory_space<vmem>> -> memref<1x128xi32, #tpu.memory_space<vmem>>
      %dma_wait3A_249 = tpu.memref_squeeze %dma_wait3A_248 : memref<1x128xi32, #tpu.memory_space<vmem>> -> memref<128xi32, #tpu.memory_space<vmem>>
      %dma_wait3A_250 = tpu.memref_slice %arg3[%add3A_247] : memref<100000xi32, #tpu.memory_space<hbm>> -> memref<128xi32, #tpu.memory_space<hbm>>
      %dma_wait3A_251 = arith.constant 0 : i32
      %dma_wait3A_252 = tpu.memref_slice %arg5[%scan3A_243, %dma_wait3A_251] : memref<48x128xi32, #tpu.memory_space<vmem>> -> memref<1x128xi32, #tpu.memory_space<vmem>>
      %dma_wait3A_253 = tpu.memref_squeeze %dma_wait3A_252 : memref<1x128xi32, #tpu.memory_space<vmem>> -> memref<128xi32, #tpu.memory_space<vmem>>
      %dma_wait3A_254 = tpu.memref_slice %arg3[%add3A_247] : memref<100000xi32, #tpu.memory_space<hbm>> -> memref<128xi32, #tpu.memory_space<hbm>>
      tpu.wait_dma2 semaphore(%arg15 : memref<!tpu.dma_semaphore, #tpu.memory_space<semaphore_mem>>) src(%dma_wait3A_254 : memref<128xi32, #tpu.memory_space<hbm>>) dst(%dma_wait3A_253 : memref<128xi32, #tpu.memory_space<vmem>>)
      %scan3A_255 = arith.constant 0 : i32
      scf.yield %scan3A_255 : i32
    }
    %scan3A_219 = arith.constant 48 : i32
    %barrier3A = arith.constant 0 : index
    tpu.barrier barrier_id(%barrier3A)
    %scan3A_220 = arith.constant 0 : i32
    %scan3A_221 = arith.constant 0 : i32
    %scan3A_222 = arith.constant 8 : i32
    %scan3A_223 = arith.addi %scan3A_221, %scan3A_222 : i32
    %scan3A_224 = arith.constant 1 : i32
    %scan3A_225 = scf.for %scan3A_243 = %scan3A_221 to %scan3A_223 step %scan3A_224 iter_args(%scan3A_244 = %scan3A_220) -> (i32)  : i32 {
      %mul3A_245 = arith.constant 6 : i32
      %mul3A_246 = arith.muli %mul3A_245, %scan3A_243 : i32
      %add3A_247 = arith.constant 0 : i32
      %add3A_248 = arith.addi %mul3A_246, %add3A_247 : i32
      %dma_wait3A = arith.constant 0 : i32
      %dma_wait3A_249 = arith.constant 0 : i32
      %dma_wait3A_250 = arith.constant 0 : i32
      %dma_wait3A_251 = tpu.memref_slice %arg8[%dma_wait3A, %dma_wait3A_249, %dma_wait3A_250] : memref<6x128x64xf32, #tpu.memory_space<vmem>> -> memref<1x128x64xf32, #tpu.memory_space<vmem>>
      %dma_wait3A_252 = tpu.memref_squeeze %dma_wait3A_251 : memref<1x128x64xf32, #tpu.memory_space<vmem>> -> memref<128x64xf32, #tpu.memory_space<vmem>>
      %dma_wait3A_253 = tpu.memref_slice %arg2[%mul3A_2, %mul3A_0] : memref<100000x128xf32, #tpu.memory_space<hbm>> -> memref<128x64xf32, #tpu.memory_space<hbm>>
      %dma_wait3A_254 = arith.constant 0 : i32
      %dma_wait3A_255 = arith.constant 0 : i32
      %dma_wait3A_256 = tpu.memref_slice %arg8[%dma_wait3A, %dma_wait3A_254, %dma_wait3A_255] : memref<6x128x64xf32, #tpu.memory_space<vmem>> -> memref<1x128x64xf32, #tpu.memory_space<vmem>>
      %dma_wait3A_257 = tpu.memref_squeeze %dma_wait3A_256 : memref<1x128x64xf32, #tpu.memory_space<vmem>> -> memref<128x64xf32, #tpu.memory_space<vmem>>
      %dma_wait3A_258 = tpu.memref_slice %arg2[%mul3A_2, %mul3A_0] : memref<100000x128xf32, #tpu.memory_space<hbm>> -> memref<128x64xf32, #tpu.memory_space<hbm>>
      tpu.wait_dma2 semaphore(%arg16 : memref<!tpu.dma_semaphore, #tpu.memory_space<semaphore_mem>>) src(%dma_wait3A_258 : memref<128x64xf32, #tpu.memory_space<hbm>>) dst(%dma_wait3A_257 : memref<128x64xf32, #tpu.memory_space<vmem>>)
      %get3A = arith.index_cast %add3A_248 : i32 to index
      %get3A_259 = arith.constant 0 : index
      %get3A_260 = tpu.vector_load %arg5[%get3A, %get3A_259] {strides = array<i32>} : memref<48x128xi32, #tpu.memory_space<vmem>>, vector<1x16xi32>,
      %get3A_261 = vector.shape_cast %get3A_260 : vector<1x16xi32> to vector<16xi32>
      %get3A_262 = arith.index_cast %add3A_248 : i32 to index
      %get3A_263 = arith.constant 112 : index
      %get3A_264 = tpu.vector_load %arg5[%get3A_262, %get3A_263] {strides = array<i32>} : memref<48x128xi32, #tpu.memory_space<vmem>>, vector<1x16xi32>,
      %get3A_265 = vector.shape_cast %get3A_264 : vector<1x16xi32> to vector<16xi32>
      %slice3A = vector.extract_strided_slice %get3A_261 {offsets = [0], sizes = [1], strides = [1]} : vector<16xi32> to vector<1xi32>
      %squeeze3A = vector.extract %slice3A[0] : i32 from vector<1xi32>
      %slice3A_266 = vector.extract_strided_slice %get3A_265 {offsets = [15], sizes = [1], strides = [1]} : vector<16xi32> to vector<1xi32>
      %squeeze3A_267 = vector.extract %slice3A_266[0] : i32 from vector<1xi32>
      %eq3A_268 = arith.cmpi eq, %squeeze3A, %squeeze3A_267 : i32
      %convert_element_type3A_269 = arith.extui %eq3A_268 : i1 to i32
      %cond3A_270 = arith.constant 0 : i32
      %cond3A_271 = arith.cmpi ne, %convert_element_type3A_269, %cond3A_270 : i32
      scf.if %cond3A_271 {
        %broadcast_in_dim3A_483 = arith.constant 0.000000e+00 : f32
        %broadcast_in_dim3A_484 = vector.broadcast %broadcast_in_dim3A_483 : f32 to vector<16xf32>
        %broadcast_in_dim3A_485 = arith.constant 0.000000e+00 : f32
        %broadcast_in_dim3A_486 = vector.broadcast %broadcast_in_dim3A_485 : f32 to vector<16xf32>
        %broadcast_in_dim3A_487 = arith.constant 0.000000e+00 : f32
        %broadcast_in_dim3A_488 = vector.broadcast %broadcast_in_dim3A_487 : f32 to vector<16xf32>
        %broadcast_in_dim3A_489 = arith.constant 0.000000e+00 : f32
        %broadcast_in_dim3A_490 = vector.broadcast %broadcast_in_dim3A_489 : f32 to vector<16xf32>
        %scan3A_491 = arith.constant 0 : i32
        %scan3A_492 = arith.constant 128 : i32
        %scan3A_493 = arith.addi %scan3A_491, %scan3A_492 : i32
        %scan3A_494 = arith.constant 8 : i32
        %scan3A_495:4 = scf.for %scan3A_537 = %scan3A_491 to %scan3A_493 step %scan3A_494 iter_args(%scan3A_538 = %broadcast_in_dim3A_484, %scan3A_539 = %broadcast_in_dim3A_486, %scan3A_540 = %broadcast_in_dim3A_488, %scan3A_541 = %broadcast_in_dim3A_490) -> (vector<16xf32>, vector<16xf32>, vector<16xf32>, vector<16xf32>)  : i32 {
          %get3A_542 = arith.constant 0 : i32
          %get3A_543 = arith.index_cast %get3A_542 : i32 to index
          %get3A_544 = arith.index_cast %scan3A_537 : i32 to index
          %get3A_545 = arith.constant 0 : index
          %get3A_546 = tpu.vector_load %arg8[%get3A_543, %get3A_544, %get3A_545] {strides = array<i32>} : memref<6x128x64xf32, #tpu.memory_space<vmem>>, vector<1x1x16xf32>,
          %get3A_547 = vector.shape_cast %get3A_546 : vector<1x1x16xf32> to vector<16xf32>
          %add3A_548 = arith.addf %scan3A_538, %get3A_547 : vector<16xf32>
          %get3A_549 = arith.constant 0 : i32
          %get3A_550 = arith.index_cast %get3A_549 : i32 to index
          %get3A_551 = arith.index_cast %scan3A_537 : i32 to index
          %get3A_552 = arith.constant 16 : index
          %get3A_553 = tpu.vector_load %arg8[%get3A_550, %get3A_551, %get3A_552] {strides = array<i32>} : memref<6x128x64xf32, #tpu.memory_space<vmem>>, vector<1x1x16xf32>,
          %get3A_554 = vector.shape_cast %get3A_553 : vector<1x1x16xf32> to vector<16xf32>
          %add3A_555 = arith.addf %scan3A_539, %get3A_554 : vector<16xf32>
          %get3A_556 = arith.constant 0 : i32
          %get3A_557 = arith.index_cast %get3A_556 : i32 to index
          %get3A_558 = arith.index_cast %scan3A_537 : i32 to index
          %get3A_559 = arith.constant 32 : index
          %get3A_560 = tpu.vector_load %arg8[%get3A_557, %get3A_558, %get3A_559] {strides = array<i32>} : memref<6x128x64xf32, #tpu.memory_space<vmem>>, vector<1x1x16xf32>,
          %get3A_561 = vector.shape_cast %get3A_560 : vector<1x1x16xf32> to vector<16xf32>
          %add3A_562 = arith.addf %scan3A_540, %get3A_561 : vector<16xf32>
          %get3A_563 = arith.constant 0 : i32
          %get3A_564 = arith.index_cast %get3A_563 : i32 to index
          %get3A_565 = arith.index_cast %scan3A_537 : i32 to index
          %get3A_566 = arith.constant 48 : index
          %get3A_567 = tpu.vector_load %arg8[%get3A_564, %get3A_565, %get3A_566] {strides = array<i32>} : memref<6x128x64xf32, #tpu.memory_space<vmem>>, vector<1x1x16xf32>,
          %get3A_568 = vector.shape_cast %get3A_567 : vector<1x1x16xf32> to vector<16xf32>
          %add3A_569 = arith.addf %scan3A_541, %get3A_568 : vector<16xf32>
          %scan3A_570 = arith.constant 1 : i32
          %scan3A_571 = arith.addi %scan3A_537, %scan3A_570 : i32
          %get3A_572 = arith.constant 0 : i32
          %get3A_573 = arith.index_cast %get3A_572 : i32 to index
          %get3A_574 = arith.index_cast %scan3A_571 : i32 to index
          %get3A_575 = arith.constant 0 : index
          %get3A_576 = tpu.vector_load %arg8[%get3A_573, %get3A_574, %get3A_575] {strides = array<i32>} : memref<6x128x64xf32, #tpu.memory_space<vmem>>, vector<1x1x16xf32>,
          %get3A_577 = vector.shape_cast %get3A_576 : vector<1x1x16xf32> to vector<16xf32>
          %add3A_578 = arith.addf %add3A_548, %get3A_577 : vector<16xf32>
          %get3A_579 = arith.constant 0 : i32
          %get3A_580 = arith.index_cast %get3A_579 : i32 to index
          %get3A_581 = arith.index_cast %scan3A_571 : i32 to index
          %get3A_582 = arith.constant 16 : index
          %get3A_583 = tpu.vector_load %arg8[%get3A_580, %get3A_581, %get3A_582] {strides = array<i32>} : memref<6x128x64xf32, #tpu.memory_space<vmem>>, vector<1x1x16xf32>,
          %get3A_584 = vector.shape_cast %get3A_583 : vector<1x1x16xf32> to vector<16xf32>
          %add3A_585 = arith.addf %add3A_555, %get3A_584 : vector<16xf32>
          %get3A_586 = arith.constant 0 : i32
          %get3A_587 = arith.index_cast %get3A_586 : i32 to index
          %get3A_588 = arith.index_cast %scan3A_571 : i32 to index
          %get3A_589 = arith.constant 32 : index
          %get3A_590 = tpu.vector_load %arg8[%get3A_587, %get3A_588, %get3A_589] {strides = array<i32>} : memref<6x128x64xf32, #tpu.memory_space<vmem>>, vector<1x1x16xf32>,
          %get3A_591 = vector.shape_cast %get3A_590 : vector<1x1x16xf32> to vector<16xf32>
          %add3A_592 = arith.addf %add3A_562, %get3A_591 : vector<16xf32>
          %get3A_593 = arith.constant 0 : i32
          %get3A_594 = arith.index_cast %get3A_593 : i32 to index
          %get3A_595 = arith.index_cast %scan3A_571 : i32 to index
          %get3A_596 = arith.constant 48 : index
          %get3A_597 = tpu.vector_load %arg8[%get3A_594, %get3A_595, %get3A_596] {strides = array<i32>} : memref<6x128x64xf32, #tpu.memory_space<vmem>>, vector<1x1x16xf32>,
          %get3A_598 = vector.shape_cast %get3A_597 : vector<1x1x16xf32> to vector<16xf32>
          %add3A_599 = arith.addf %add3A_569, %get3A_598 : vector<16xf32>
          %scan3A_600 = arith.constant 2 : i32
          %scan3A_601 = arith.addi %scan3A_537, %scan3A_600 : i32
          %get3A_602 = arith.constant 0 : i32
          %get3A_603 = arith.index_cast %get3A_602 : i32 to index
          %get3A_604 = arith.index_cast %scan3A_601 : i32 to index
          %get3A_605 = arith.constant 0 : index
          %get3A_606 = tpu.vector_load %arg8[%get3A_603, %get3A_604, %get3A_605] {strides = array<i32>} : memref<6x128x64xf32, #tpu.memory_space<vmem>>, vector<1x1x16xf32>,
          %get3A_607 = vector.shape_cast %get3A_606 : vector<1x1x16xf32> to vector<16xf32>
          %add3A_608 = arith.addf %add3A_578, %get3A_607 : vector<16xf32>
          %get3A_609 = arith.constant 0 : i32
          %get3A_610 = arith.index_cast %get3A_609 : i32 to index
          %get3A_611 = arith.index_cast %scan3A_601 : i32 to index
          %get3A_612 = arith.constant 16 : index
          %get3A_613 = tpu.vector_load %arg8[%get3A_610, %get3A_611, %get3A_612] {strides = array<i32>} : memref<6x128x64xf32, #tpu.memory_space<vmem>>, vector<1x1x16xf32>,
          %get3A_614 = vector.shape_cast %get3A_613 : vector<1x1x16xf32> to vector<16xf32>
          %add3A_615 = arith.addf %add3A_585, %get3A_614 : vector<16xf32>
          %get3A_616 = arith.constant 0 : i32
          %get3A_617 = arith.index_cast %get3A_616 : i32 to index
          %get3A_618 = arith.index_cast %scan3A_601 : i32 to index
          %get3A_619 = arith.constant 32 : index
          %get3A_620 = tpu.vector_load %arg8[%get3A_617, %get3A_618, %get3A_619] {strides = array<i32>} : memref<6x128x64xf32, #tpu.memory_space<vmem>>, vector<1x1x16xf32>,
          %get3A_621 = vector.shape_cast %get3A_620 : vector<1x1x16xf32> to vector<16xf32>
          %add3A_622 = arith.addf %add3A_592, %get3A_621 : vector<16xf32>
          %get3A_623 = arith.constant 0 : i32
          %get3A_624 = arith.index_cast %get3A_623 : i32 to index
          %get3A_625 = arith.index_cast %scan3A_601 : i32 to index
          %get3A_626 = arith.constant 48 : index
          %get3A_627 = tpu.vector_load %arg8[%get3A_624, %get3A_625, %get3A_626] {strides = array<i32>} : memref<6x128x64xf32, #tpu.memory_space<vmem>>, vector<1x1x16xf32>,
          %get3A_628 = vector.shape_cast %get3A_627 : vector<1x1x16xf32> to vector<16xf32>
          %add3A_629 = arith.addf %add3A_599, %get3A_628 : vector<16xf32>
          %scan3A_630 = arith.constant 3 : i32
          %scan3A_631 = arith.addi %scan3A_537, %scan3A_630 : i32
          %get3A_632 = arith.constant 0 : i32
          %get3A_633 = arith.index_cast %get3A_632 : i32 to index
          %get3A_634 = arith.index_cast %scan3A_631 : i32 to index
          %get3A_635 = arith.constant 0 : index
          %get3A_636 = tpu.vector_load %arg8[%get3A_633, %get3A_634, %get3A_635] {strides = array<i32>} : memref<6x128x64xf32, #tpu.memory_space<vmem>>, vector<1x1x16xf32>,
          %get3A_637 = vector.shape_cast %get3A_636 : vector<1x1x16xf32> to vector<16xf32>
          %add3A_638 = arith.addf %add3A_608, %get3A_637 : vector<16xf32>
          %get3A_639 = arith.constant 0 : i32
          %get3A_640 = arith.index_cast %get3A_639 : i32 to index
          %get3A_641 = arith.index_cast %scan3A_631 : i32 to index
          %get3A_642 = arith.constant 16 : index
          %get3A_643 = tpu.vector_load %arg8[%get3A_640, %get3A_641, %get3A_642] {strides = array<i32>} : memref<6x128x64xf32, #tpu.memory_space<vmem>>, vector<1x1x16xf32>,
          %get3A_644 = vector.shape_cast %get3A_643 : vector<1x1x16xf32> to vector<16xf32>
          %add3A_645 = arith.addf %add3A_615, %get3A_644 : vector<16xf32>
          %get3A_646 = arith.constant 0 : i32
          %get3A_647 = arith.index_cast %get3A_646 : i32 to index
          %get3A_648 = arith.index_cast %scan3A_631 : i32 to index
          %get3A_649 = arith.constant 32 : index
          %get3A_650 = tpu.vector_load %arg8[%get3A_647, %get3A_648, %get3A_649] {strides = array<i32>} : memref<6x128x64xf32, #tpu.memory_space<vmem>>, vector<1x1x16xf32>,
          %get3A_651 = vector.shape_cast %get3A_650 : vector<1x1x16xf32> to vector<16xf32>
          %add3A_652 = arith.addf %add3A_622, %get3A_651 : vector<16xf32>
          %get3A_653 = arith.constant 0 : i32
          %get3A_654 = arith.index_cast %get3A_653 : i32 to index
          %get3A_655 = arith.index_cast %scan3A_631 : i32 to index
          %get3A_656 = arith.constant 48 : index
          %get3A_657 = tpu.vector_load %arg8[%get3A_654, %get3A_655, %get3A_656] {strides = array<i32>} : memref<6x128x64xf32, #tpu.memory_space<vmem>>, vector<1x1x16xf32>,
          %get3A_658 = vector.shape_cast %get3A_657 : vector<1x1x16xf32> to vector<16xf32>
          %add3A_659 = arith.addf %add3A_629, %get3A_658 : vector<16xf32>
          %scan3A_660 = arith.constant 4 : i32
          %scan3A_661 = arith.addi %scan3A_537, %scan3A_660 : i32
          %get3A_662 = arith.constant 0 : i32
          %get3A_663 = arith.index_cast %get3A_662 : i32 to index
          %get3A_664 = arith.index_cast %scan3A_661 : i32 to index
          %get3A_665 = arith.constant 0 : index
          %get3A_666 = tpu.vector_load %arg8[%get3A_663, %get3A_664, %get3A_665] {strides = array<i32>} : memref<6x128x64xf32, #tpu.memory_space<vmem>>, vector<1x1x16xf32>,
          %get3A_667 = vector.shape_cast %get3A_666 : vector<1x1x16xf32> to vector<16xf32>
          %add3A_668 = arith.addf %add3A_638, %get3A_667 : vector<16xf32>
          %get3A_669 = arith.constant 0 : i32
          %get3A_670 = arith.index_cast %get3A_669 : i32 to index
          %get3A_671 = arith.index_cast %scan3A_661 : i32 to index
          %get3A_672 = arith.constant 16 : index
          %get3A_673 = tpu.vector_load %arg8[%get3A_670, %get3A_671, %get3A_672] {strides = array<i32>} : memref<6x128x64xf32, #tpu.memory_space<vmem>>, vector<1x1x16xf32>,
          %get3A_674 = vector.shape_cast %get3A_673 : vector<1x1x16xf32> to vector<16xf32>
          %add3A_675 = arith.addf %add3A_645, %get3A_674 : vector<16xf32>
          %get3A_676 = arith.constant 0 : i32
          %get3A_677 = arith.index_cast %get3A_676 : i32 to index
          %get3A_678 = arith.index_cast %scan3A_661 : i32 to index
          %get3A_679 = arith.constant 32 : index
          %get3A_680 = tpu.vector_load %arg8[%get3A_677, %get3A_678, %get3A_679] {strides = array<i32>} : memref<6x128x64xf32, #tpu.memory_space<vmem>>, vector<1x1x16xf32>,
          %get3A_681 = vector.shape_cast %get3A_680 : vector<1x1x16xf32> to vector<16xf32>
          %add3A_682 = arith.addf %add3A_652, %get3A_681 : vector<16xf32>
          %get3A_683 = arith.constant 0 : i32
          %get3A_684 = arith.index_cast %get3A_683 : i32 to index
          %get3A_685 = arith.index_cast %scan3A_661 : i32 to index
          %get3A_686 = arith.constant 48 : index
          %get3A_687 = tpu.vector_load %arg8[%get3A_684, %get3A_685, %get3A_686] {strides = array<i32>} : memref<6x128x64xf32, #tpu.memory_space<vmem>>, vector<1x1x16xf32>,
          %get3A_688 = vector.shape_cast %get3A_687 : vector<1x1x16xf32> to vector<16xf32>
          %add3A_689 = arith.addf %add3A_659, %get3A_688 : vector<16xf32>
          %scan3A_690 = arith.constant 5 : i32
          %scan3A_691 = arith.addi %scan3A_537, %scan3A_690 : i32
          %get3A_692 = arith.constant 0 : i32
          %get3A_693 = arith.index_cast %get3A_692 : i32 to index
          %get3A_694 = arith.index_cast %scan3A_691 : i32 to index
          %get3A_695 = arith.constant 0 : index
          %get3A_696 = tpu.vector_load %arg8[%get3A_693, %get3A_694, %get3A_695] {strides = array<i32>} : memref<6x128x64xf32, #tpu.memory_space<vmem>>, vector<1x1x16xf32>,
          %get3A_697 = vector.shape_cast %get3A_696 : vector<1x1x16xf32> to vector<16xf32>
          %add3A_698 = arith.addf %add3A_668, %get3A_697 : vector<16xf32>
          %get3A_699 = arith.constant 0 : i32
          %get3A_700 = arith.index_cast %get3A_699 : i32 to index
          %get3A_701 = arith.index_cast %scan3A_691 : i32 to index
          %get3A_702 = arith.constant 16 : index
          %get3A_703 = tpu.vector_load %arg8[%get3A_700, %get3A_701, %get3A_702] {strides = array<i32>} : memref<6x128x64xf32, #tpu.memory_space<vmem>>, vector<1x1x16xf32>,
          %get3A_704 = vector.shape_cast %get3A_703 : vector<1x1x16xf32> to vector<16xf32>
          %add3A_705 = arith.addf %add3A_675, %get3A_704 : vector<16xf32>
          %get3A_706 = arith.constant 0 : i32
          %get3A_707 = arith.index_cast %get3A_706 : i32 to index
          %get3A_708 = arith.index_cast %scan3A_691 : i32 to index
          %get3A_709 = arith.constant 32 : index
          %get3A_710 = tpu.vector_load %arg8[%get3A_707, %get3A_708, %get3A_709] {strides = array<i32>} : memref<6x128x64xf32, #tpu.memory_space<vmem>>, vector<1x1x16xf32>,
          %get3A_711 = vector.shape_cast %get3A_710 : vector<1x1x16xf32> to vector<16xf32>
          %add3A_712 = arith.addf %add3A_682, %get3A_711 : vector<16xf32>
          %get3A_713 = arith.constant 0 : i32
          %get3A_714 = arith.index_cast %get3A_713 : i32 to index
          %get3A_715 = arith.index_cast %scan3A_691 : i32 to index
          %get3A_716 = arith.constant 48 : index
          %get3A_717 = tpu.vector_load %arg8[%get3A_714, %get3A_715, %get3A_716] {strides = array<i32>} : memref<6x128x64xf32, #tpu.memory_space<vmem>>, vector<1x1x16xf32>,
          %get3A_718 = vector.shape_cast %get3A_717 : vector<1x1x16xf32> to vector<16xf32>
          %add3A_719 = arith.addf %add3A_689, %get3A_718 : vector<16xf32>
          %scan3A_720 = arith.constant 6 : i32
          %scan3A_721 = arith.addi %scan3A_537, %scan3A_720 : i32
          %get3A_722 = arith.constant 0 : i32
          %get3A_723 = arith.index_cast %get3A_722 : i32 to index
          %get3A_724 = arith.index_cast %scan3A_721 : i32 to index
          %get3A_725 = arith.constant 0 : index
          %get3A_726 = tpu.vector_load %arg8[%get3A_723, %get3A_724, %get3A_725] {strides = array<i32>} : memref<6x128x64xf32, #tpu.memory_space<vmem>>, vector<1x1x16xf32>,
          %get3A_727 = vector.shape_cast %get3A_726 : vector<1x1x16xf32> to vector<16xf32>
          %add3A_728 = arith.addf %add3A_698, %get3A_727 : vector<16xf32>
          %get3A_729 = arith.constant 0 : i32
          %get3A_730 = arith.index_cast %get3A_729 : i32 to index
          %get3A_731 = arith.index_cast %scan3A_721 : i32 to index
          %get3A_732 = arith.constant 16 : index
          %get3A_733 = tpu.vector_load %arg8[%get3A_730, %get3A_731, %get3A_732] {strides = array<i32>} : memref<6x128x64xf32, #tpu.memory_space<vmem>>, vector<1x1x16xf32>,
          %get3A_734 = vector.shape_cast %get3A_733 : vector<1x1x16xf32> to vector<16xf32>
          %add3A_735 = arith.addf %add3A_705, %get3A_734 : vector<16xf32>
          %get3A_736 = arith.constant 0 : i32
          %get3A_737 = arith.index_cast %get3A_736 : i32 to index
          %get3A_738 = arith.index_cast %scan3A_721 : i32 to index
          %get3A_739 = arith.constant 32 : index
          %get3A_740 = tpu.vector_load %arg8[%get3A_737, %get3A_738, %get3A_739] {strides = array<i32>} : memref<6x128x64xf32, #tpu.memory_space<vmem>>, vector<1x1x16xf32>,
          %get3A_741 = vector.shape_cast %get3A_740 : vector<1x1x16xf32> to vector<16xf32>
          %add3A_742 = arith.addf %add3A_712, %get3A_741 : vector<16xf32>
          %get3A_743 = arith.constant 0 : i32
          %get3A_744 = arith.index_cast %get3A_743 : i32 to index
          %get3A_745 = arith.index_cast %scan3A_721 : i32 to index
          %get3A_746 = arith.constant 48 : index
          %get3A_747 = tpu.vector_load %arg8[%get3A_744, %get3A_745, %get3A_746] {strides = array<i32>} : memref<6x128x64xf32, #tpu.memory_space<vmem>>, vector<1x1x16xf32>,
          %get3A_748 = vector.shape_cast %get3A_747 : vector<1x1x16xf32> to vector<16xf32>
          %add3A_749 = arith.addf %add3A_719, %get3A_748 : vector<16xf32>
          %scan3A_750 = arith.constant 7 : i32
          %scan3A_751 = arith.addi %scan3A_537, %scan3A_750 : i32
          %get3A_752 = arith.constant 0 : i32
          %get3A_753 = arith.index_cast %get3A_752 : i32 to index
          %get3A_754 = arith.index_cast %scan3A_751 : i32 to index
          %get3A_755 = arith.constant 0 : index
          %get3A_756 = tpu.vector_load %arg8[%get3A_753, %get3A_754, %get3A_755] {strides = array<i32>} : memref<6x128x64xf32, #tpu.memory_space<vmem>>, vector<1x1x16xf32>,
          %get3A_757 = vector.shape_cast %get3A_756 : vector<1x1x16xf32> to vector<16xf32>
          %add3A_758 = arith.addf %add3A_728, %get3A_757 : vector<16xf32>
          %get3A_759 = arith.constant 0 : i32
          %get3A_760 = arith.index_cast %get3A_759 : i32 to index
          %get3A_761 = arith.index_cast %scan3A_751 : i32 to index
          %get3A_762 = arith.constant 16 : index
          %get3A_763 = tpu.vector_load %arg8[%get3A_760, %get3A_761, %get3A_762] {strides = array<i32>} : memref<6x128x64xf32, #tpu.memory_space<vmem>>, vector<1x1x16xf32>,
          %get3A_764 = vector.shape_cast %get3A_763 : vector<1x1x16xf32> to vector<16xf32>
          %add3A_765 = arith.addf %add3A_735, %get3A_764 : vector<16xf32>
          %get3A_766 = arith.constant 0 : i32
          %get3A_767 = arith.index_cast %get3A_766 : i32 to index
          %get3A_768 = arith.index_cast %scan3A_751 : i32 to index
          %get3A_769 = arith.constant 32 : index
          %get3A_770 = tpu.vector_load %arg8[%get3A_767, %get3A_768, %get3A_769] {strides = array<i32>} : memref<6x128x64xf32, #tpu.memory_space<vmem>>, vector<1x1x16xf32>,
          %get3A_771 = vector.shape_cast %get3A_770 : vector<1x1x16xf32> to vector<16xf32>
          %add3A_772 = arith.addf %add3A_742, %get3A_771 : vector<16xf32>
          %get3A_773 = arith.constant 0 : i32
          %get3A_774 = arith.index_cast %get3A_773 : i32 to index
          %get3A_775 = arith.index_cast %scan3A_751 : i32 to index
          %get3A_776 = arith.constant 48 : index
          %get3A_777 = tpu.vector_load %arg8[%get3A_774, %get3A_775, %get3A_776] {strides = array<i32>} : memref<6x128x64xf32, #tpu.memory_space<vmem>>, vector<1x1x16xf32>,
          %get3A_778 = vector.shape_cast %get3A_777 : vector<1x1x16xf32> to vector<16xf32>
          %add3A_779 = arith.addf %add3A_749, %get3A_778 : vector<16xf32>
          scf.yield %add3A_758, %add3A_765, %add3A_772, %add3A_779 : vector<16xf32>, vector<16xf32>, vector<16xf32>, vector<16xf32>
        }
        %scan3A_496 = arith.constant 128 : i32
        %get3A_497 = arith.index_cast %squeeze3A : i32 to index
        %get3A_498 = arith.constant 0 : index
        %get3A_499 = tpu.vector_load %arg11[%get3A_497, %get3A_498] {strides = array<i32>} : memref<256x64xf32, #tpu.memory_space<vmem>>, vector<1x16xf32>,
        %get3A_500 = vector.shape_cast %get3A_499 : vector<1x16xf32> to vector<16xf32>
        %add3A_501 = arith.addf %get3A_500, %scan3A_495#0 : vector<16xf32>
        %swap3A_502 = arith.index_cast %squeeze3A : i32 to index
        %swap3A_503 = arith.constant 0 : index
        %swap3A_504 = tpu.vector_load %arg11[%swap3A_502, %swap3A_503] {strides = array<i32>} : memref<256x64xf32, #tpu.memory_space<vmem>>, vector<1x16xf32>,
        %swap3A_505 = vector.shape_cast %swap3A_504 : vector<1x16xf32> to vector<16xf32>
        %swap3A_506 = vector.shape_cast %add3A_501 : vector<16xf32> to vector<1x16xf32>
        tpu.vector_store %arg11[%swap3A_502, %swap3A_503], %swap3A_506 {strides = array<i32>} : memref<256x64xf32, #tpu.memory_space<vmem>>, vector<1x16xf32>,
        %get3A_507 = arith.index_cast %squeeze3A : i32 to index
        %get3A_508 = arith.constant 16 : index
        %get3A_509 = tpu.vector_load %arg11[%get3A_507, %get3A_508] {strides = array<i32>} : memref<256x64xf32, #tpu.memory_space<vmem>>, vector<1x16xf32>,
        %get3A_510 = vector.shape_cast %get3A_509 : vector<1x16xf32> to vector<16xf32>
        %add3A_511 = arith.addf %get3A_510, %scan3A_495#1 : vector<16xf32>
        %swap3A_512 = arith.index_cast %squeeze3A : i32 to index
        %swap3A_513 = arith.constant 16 : index
        %swap3A_514 = tpu.vector_load %arg11[%swap3A_512, %swap3A_513] {strides = array<i32>} : memref<256x64xf32, #tpu.memory_space<vmem>>, vector<1x16xf32>,
        %swap3A_515 = vector.shape_cast %swap3A_514 : vector<1x16xf32> to vector<16xf32>
        %swap3A_516 = vector.shape_cast %add3A_511 : vector<16xf32> to vector<1x16xf32>
        tpu.vector_store %arg11[%swap3A_512, %swap3A_513], %swap3A_516 {strides = array<i32>} : memref<256x64xf32, #tpu.memory_space<vmem>>, vector<1x16xf32>,
        %get3A_517 = arith.index_cast %squeeze3A : i32 to index
        %get3A_518 = arith.constant 32 : index
        %get3A_519 = tpu.vector_load %arg11[%get3A_517, %get3A_518] {strides = array<i32>} : memref<256x64xf32, #tpu.memory_space<vmem>>, vector<1x16xf32>,
        %get3A_520 = vector.shape_cast %get3A_519 : vector<1x16xf32> to vector<16xf32>
        %add3A_521 = arith.addf %get3A_520, %scan3A_495#2 : vector<16xf32>
        %swap3A_522 = arith.index_cast %squeeze3A : i32 to index
        %swap3A_523 = arith.constant 32 : index
        %swap3A_524 = tpu.vector_load %arg11[%swap3A_522, %swap3A_523] {strides = array<i32>} : memref<256x64xf32, #tpu.memory_space<vmem>>, vector<1x16xf32>,
        %swap3A_525 = vector.shape_cast %swap3A_524 : vector<1x16xf32> to vector<16xf32>
        %swap3A_526 = vector.shape_cast %add3A_521 : vector<16xf32> to vector<1x16xf32>
        tpu.vector_store %arg11[%swap3A_522, %swap3A_523], %swap3A_526 {strides = array<i32>} : memref<256x64xf32, #tpu.memory_space<vmem>>, vector<1x16xf32>,
        %get3A_527 = arith.index_cast %squeeze3A : i32 to index
        %get3A_528 = arith.constant 48 : index
        %get3A_529 = tpu.vector_load %arg11[%get3A_527, %get3A_528] {strides = array<i32>} : memref<256x64xf32, #tpu.memory_space<vmem>>, vector<1x16xf32>,
        %get3A_530 = vector.shape_cast %get3A_529 : vector<1x16xf32> to vector<16xf32>
        %add3A_531 = arith.addf %get3A_530, %scan3A_495#3 : vector<16xf32>
        %swap3A_532 = arith.index_cast %squeeze3A : i32 to index
        %swap3A_533 = arith.constant 48 : index
        %swap3A_534 = tpu.vector_load %arg11[%swap3A_532, %swap3A_533] {strides = array<i32>} : memref<256x64xf32, #tpu.memory_space<vmem>>, vector<1x16xf32>,
        %swap3A_535 = vector.shape_cast %swap3A_534 : vector<1x16xf32> to vector<16xf32>
        %swap3A_536 = vector.shape_cast %add3A_531 : vector<16xf32> to vector<1x16xf32>
        tpu.vector_store %arg11[%swap3A_532, %swap3A_533], %swap3A_536 {strides = array<i32>} : memref<256x64xf32, #tpu.memory_space<vmem>>, vector<1x16xf32>,
      } else {
      }
      %ne3A = arith.cmpi ne, %squeeze3A, %squeeze3A_267 : i32
      %convert_element_type3A_272 = arith.extui %ne3A : i1 to i32
      %cond3A_273 = arith.constant 0 : i32
      %cond3A_274 = arith.cmpi ne, %convert_element_type3A_272, %cond3A_273 : i32
      scf.if %cond3A_274 {
        %run_scoped3A = arith.constant 0 : i32
        "tpu.region"() ({
          %run_scoped3A_483 = tpu.sem_alloc : memref<!tpu.dma_semaphore, #tpu.memory_space<semaphore_mem>>
          %dma_start3A_484 = arith.constant 0 : i32
          %dma_start3A_485 = arith.constant 0 : i32
          %dma_start3A_486 = tpu.memref_slice %arg8[%run_scoped3A, %dma_start3A_484, %dma_start3A_485] : memref<6x128x64xf32, #tpu.memory_space<vmem>> -> memref<1x128x64xf32, #tpu.memory_space<vmem>>
          %dma_start3A_487 = tpu.memref_squeeze %dma_start3A_486 : memref<1x128x64xf32, #tpu.memory_space<vmem>> -> memref<128x64xf32, #tpu.memory_space<vmem>>
          %dma_start3A_488 = arith.constant 0 : i32
          %dma_start3A_489 = tpu.memref_slice %arg5[%add3A_248, %dma_start3A_488] : memref<48x128xi32, #tpu.memory_space<vmem>> -> memref<1x128xi32, #tpu.memory_space<vmem>>
          %dma_start3A_490 = tpu.memref_squeeze %dma_start3A_489 : memref<1x128xi32, #tpu.memory_space<vmem>> -> memref<128xi32, #tpu.memory_space<vmem>>
          %dma_start3A_491 = arith.constant 0 : i32
          %dma_start3A_492 = arith.constant 0 : i32
          %dma_start3A_493 = tpu.memref_slice %arg14[%dma_start3A_491, %dma_start3A_492] : memref<256x64xf32, #tpu.memory_space<vmem_shared>> -> memref<256x64xf32, #tpu.memory_space<vmem_shared>>
          tpu.enqueue_indirect_dma source(%dma_start3A_487 : memref<128x64xf32, #tpu.memory_space<vmem>>) target(%dma_start3A_493 : memref<256x64xf32, #tpu.memory_space<vmem_shared>>) offsets(%dma_start3A_490 : memref<128xi32, #tpu.memory_space<vmem>>) semaphore(%run_scoped3A_483 : memref<!tpu.dma_semaphore, #tpu.memory_space<semaphore_mem>>) {add = true}
          %dma_wait3A_494 = arith.constant 0 : i32
          %dma_wait3A_495 = arith.constant 0 : i32
          %dma_wait3A_496 = tpu.memref_slice %arg8[%run_scoped3A, %dma_wait3A_494, %dma_wait3A_495] : memref<6x128x64xf32, #tpu.memory_space<vmem>> -> memref<1x128x64xf32, #tpu.memory_space<vmem>>
          %dma_wait3A_497 = tpu.memref_squeeze %dma_wait3A_496 : memref<1x128x64xf32, #tpu.memory_space<vmem>> -> memref<128x64xf32, #tpu.memory_space<vmem>>
          %dma_wait3A_498 = arith.constant 0 : i32
          %dma_wait3A_499 = tpu.memref_slice %arg5[%add3A_248, %dma_wait3A_498] : memref<48x128xi32, #tpu.memory_space<vmem>> -> memref<1x128xi32, #tpu.memory_space<vmem>>
          %dma_wait3A_500 = tpu.memref_squeeze %dma_wait3A_499 : memref<1x128xi32, #tpu.memory_space<vmem>> -> memref<128xi32, #tpu.memory_space<vmem>>
          %dma_wait3A_501 = arith.constant 0 : i32
          %dma_wait3A_502 = arith.constant 0 : i32
          %dma_wait3A_503 = tpu.memref_slice %arg14[%dma_wait3A_501, %dma_wait3A_502] : memref<256x64xf32, #tpu.memory_space<vmem_shared>> -> memref<256x64xf32, #tpu.memory_space<vmem_shared>>
          tpu.wait_indirect_dma semaphore(%run_scoped3A_483 : memref<!tpu.dma_semaphore, #tpu.memory_space<semaphore_mem>>) src(%dma_wait3A_497 : memref<128x64xf32, #tpu.memory_space<vmem>>) dst(%dma_wait3A_503 : memref<256x64xf32, #tpu.memory_space<vmem_shared>>)
          tpu.yield
        }) : () -> ()
      } else {
      }
      %add3A_275 = arith.constant 6 : i32
      %add3A_276 = arith.addi %add3A_248, %add3A_275 : i32
      %lt3A_277 = arith.constant 48 : i32
      %lt3A_278 = arith.cmpi slt, %add3A_276, %lt3A_277 : i32
      %convert_element_type3A_279 = arith.extui %lt3A_278 : i1 to i32
      %cond3A_280 = arith.constant 0 : i32
      %cond3A_281 = arith.cmpi ne, %convert_element_type3A_279, %cond3A_280 : i32
      scf.if %cond3A_281 {
        %add3A_483 = arith.constant 6 : i32
        %add3A_484 = arith.addi %add3A_248, %add3A_483 : i32
        %mul3A_485 = arith.constant 128 : i32
        %mul3A_486 = arith.muli %add3A_484, %mul3A_485 : i32
        %add3A_487 = arith.addi %mul3A_2, %mul3A_486 : i32
        %dma_start3A_488 = arith.constant 0 : i32
        %dma_start3A_489 = arith.constant 0 : i32
        %dma_start3A_490 = arith.constant 0 : i32
        %dma_start3A_491 = tpu.memref_slice %arg8[%dma_start3A_488, %dma_start3A_489, %dma_start3A_490] : memref<6x128x64xf32, #tpu.memory_space<vmem>> -> memref<1x128x64xf32, #tpu.memory_space<vmem>>
        %dma_start3A_492 = tpu.memref_squeeze %dma_start3A_491 : memref<1x128x64xf32, #tpu.memory_space<vmem>> -> memref<128x64xf32, #tpu.memory_space<vmem>>
        %dma_start3A_493 = tpu.memref_slice %arg2[%add3A_487, %mul3A_0] : memref<100000x128xf32, #tpu.memory_space<hbm>> -> memref<128x64xf32, #tpu.memory_space<hbm>>
        %dma_start3A_494 = arith.constant 0 : i32
        %dma_start3A_495 = arith.constant 0 : i32
        %dma_start3A_496 = tpu.memref_slice %arg8[%dma_start3A_488, %dma_start3A_494, %dma_start3A_495] : memref<6x128x64xf32, #tpu.memory_space<vmem>> -> memref<1x128x64xf32, #tpu.memory_space<vmem>>
        %dma_start3A_497 = tpu.memref_squeeze %dma_start3A_496 : memref<1x128x64xf32, #tpu.memory_space<vmem>> -> memref<128x64xf32, #tpu.memory_space<vmem>>
        %dma_start3A_498 = tpu.memref_slice %arg2[%add3A_487, %mul3A_0] : memref<100000x128xf32, #tpu.memory_space<hbm>> -> memref<128x64xf32, #tpu.memory_space<hbm>>
        tpu.enqueue_dma source(%dma_start3A_498 : memref<128x64xf32, #tpu.memory_space<hbm>>) target(%dma_start3A_497 : memref<128x64xf32, #tpu.memory_space<vmem>>) target_semaphore(%arg16 : memref<!tpu.dma_semaphore, #tpu.memory_space<semaphore_mem>>)
      } else {
      }
      %add3A_282 = arith.constant 1 : i32
      %add3A_283 = arith.addi %mul3A_246, %add3A_282 : i32
      %dma_wait3A_284 = arith.constant 1 : i32
      %dma_wait3A_285 = arith.constant 0 : i32
      %dma_wait3A_286 = arith.constant 0 : i32
      %dma_wait3A_287 = tpu.memref_slice %arg8[%dma_wait3A_284, %dma_wait3A_285, %dma_wait3A_286] : memref<6x128x64xf32, #tpu.memory_space<vmem>> -> memref<1x128x64xf32, #tpu.memory_space<vmem>>
      %dma_wait3A_288 = tpu.memref_squeeze %dma_wait3A_287 : memref<1x128x64xf32, #tpu.memory_space<vmem>> -> memref<128x64xf32, #tpu.memory_space<vmem>>
      %dma_wait3A_289 = tpu.memref_slice %arg2[%mul3A_2, %mul3A_0] : memref<100000x128xf32, #tpu.memory_space<hbm>> -> memref<128x64xf32, #tpu.memory_space<hbm>>
      %dma_wait3A_290 = arith.constant 0 : i32
      %dma_wait3A_291 = arith.constant 0 : i32
      %dma_wait3A_292 = tpu.memref_slice %arg8[%dma_wait3A_284, %dma_wait3A_290, %dma_wait3A_291] : memref<6x128x64xf32, #tpu.memory_space<vmem>> -> memref<1x128x64xf32, #tpu.memory_space<vmem>>
      %dma_wait3A_293 = tpu.memref_squeeze %dma_wait3A_292 : memref<1x128x64xf32, #tpu.memory_space<vmem>> -> memref<128x64xf32, #tpu.memory_space<vmem>>
      %dma_wait3A_294 = tpu.memref_slice %arg2[%mul3A_2, %mul3A_0] : memref<100000x128xf32, #tpu.memory_space<hbm>> -> memref<128x64xf32, #tpu.memory_space<hbm>>
      tpu.wait_dma2 semaphore(%arg17 : memref<!tpu.dma_semaphore, #tpu.memory_space<semaphore_mem>>) src(%dma_wait3A_294 : memref<128x64xf32, #tpu.memory_space<hbm>>) dst(%dma_wait3A_293 : memref<128x64xf32, #tpu.memory_space<vmem>>)
      %get3A_295 = arith.index_cast %add3A_283 : i32 to index
      %get3A_296 = arith.constant 0 : index
      %get3A_297 = tpu.vector_load %arg5[%get3A_295, %get3A_296] {strides = array<i32>} : memref<48x128xi32, #tpu.memory_space<vmem>>, vector<1x16xi32>,
      %get3A_298 = vector.shape_cast %get3A_297 : vector<1x16xi32> to vector<16xi32>
      %get3A_299 = arith.index_cast %add3A_283 : i32 to index
      %get3A_300 = arith.constant 112 : index
      %get3A_301 = tpu.vector_load %arg5[%get3A_299, %get3A_300] {strides = array<i32>} : memref<48x128xi32, #tpu.memory_space<vmem>>, vector<1x16xi32>,
      %get3A_302 = vector.shape_cast %get3A_301 : vector<1x16xi32> to vector<16xi32>
      %slice3A_303 = vector.extract_strided_slice %get3A_298 {offsets = [0], sizes = [1], strides = [1]} : vector<16xi32> to vector<1xi32>
      %squeeze3A_304 = vector.extract %slice3A_303[0] : i32 from vector<1xi32>
      %slice3A_305 = vector.extract_strided_slice %get3A_302 {offsets = [15], sizes = [1], strides = [1]} : vector<16xi32> to vector<1xi32>
      %squeeze3A_306 = vector.extract %slice3A_305[0] : i32 from vector<1xi32>
      %eq3A_307 = arith.cmpi eq, %squeeze3A_304, %squeeze3A_306 : i32
      %convert_element_type3A_308 = arith.extui %eq3A_307 : i1 to i32
      %cond3A_309 = arith.constant 0 : i32
      %cond3A_310 = arith.cmpi ne, %convert_element_type3A_308, %cond3A_309 : i32
      scf.if %cond3A_310 {
        %broadcast_in_dim3A_483 = arith.constant 0.000000e+00 : f32
        %broadcast_in_dim3A_484 = vector.broadcast %broadcast_in_dim3A_483 : f32 to vector<16xf32>
        %broadcast_in_dim3A_485 = arith.constant 0.000000e+00 : f32
        %broadcast_in_dim3A_486 = vector.broadcast %broadcast_in_dim3A_485 : f32 to vector<16xf32>
        %broadcast_in_dim3A_487 = arith.constant 0.000000e+00 : f32
        %broadcast_in_dim3A_488 = vector.broadcast %broadcast_in_dim3A_487 : f32 to vector<16xf32>
        %broadcast_in_dim3A_489 = arith.constant 0.000000e+00 : f32
        %broadcast_in_dim3A_490 = vector.broadcast %broadcast_in_dim3A_489 : f32 to vector<16xf32>
        %scan3A_491 = arith.constant 0 : i32
        %scan3A_492 = arith.constant 128 : i32
        %scan3A_493 = arith.addi %scan3A_491, %scan3A_492 : i32
        %scan3A_494 = arith.constant 8 : i32
        %scan3A_495:4 = scf.for %scan3A_537 = %scan3A_491 to %scan3A_493 step %scan3A_494 iter_args(%scan3A_538 = %broadcast_in_dim3A_484, %scan3A_539 = %broadcast_in_dim3A_486, %scan3A_540 = %broadcast_in_dim3A_488, %scan3A_541 = %broadcast_in_dim3A_490) -> (vector<16xf32>, vector<16xf32>, vector<16xf32>, vector<16xf32>)  : i32 {
          %get3A_542 = arith.constant 1 : i32
          %get3A_543 = arith.index_cast %get3A_542 : i32 to index
          %get3A_544 = arith.index_cast %scan3A_537 : i32 to index
          %get3A_545 = arith.constant 0 : index
          %get3A_546 = tpu.vector_load %arg8[%get3A_543, %get3A_544, %get3A_545] {strides = array<i32>} : memref<6x128x64xf32, #tpu.memory_space<vmem>>, vector<1x1x16xf32>,
          %get3A_547 = vector.shape_cast %get3A_546 : vector<1x1x16xf32> to vector<16xf32>
          %add3A_548 = arith.addf %scan3A_538, %get3A_547 : vector<16xf32>
          %get3A_549 = arith.constant 1 : i32
          %get3A_550 = arith.index_cast %get3A_549 : i32 to index
          %get3A_551 = arith.index_cast %scan3A_537 : i32 to index
          %get3A_552 = arith.constant 16 : index
          %get3A_553 = tpu.vector_load %arg8[%get3A_550, %get3A_551, %get3A_552] {strides = array<i32>} : memref<6x128x64xf32, #tpu.memory_space<vmem>>, vector<1x1x16xf32>,
          %get3A_554 = vector.shape_cast %get3A_553 : vector<1x1x16xf32> to vector<16xf32>
          %add3A_555 = arith.addf %scan3A_539, %get3A_554 : vector<16xf32>
          %get3A_556 = arith.constant 1 : i32
          %get3A_557 = arith.index_cast %get3A_556 : i32 to index
          %get3A_558 = arith.index_cast %scan3A_537 : i32 to index
          %get3A_559 = arith.constant 32 : index
          %get3A_560 = tpu.vector_load %arg8[%get3A_557, %get3A_558, %get3A_559] {strides = array<i32>} : memref<6x128x64xf32, #tpu.memory_space<vmem>>, vector<1x1x16xf32>,
          %get3A_561 = vector.shape_cast %get3A_560 : vector<1x1x16xf32> to vector<16xf32>
          %add3A_562 = arith.addf %scan3A_540, %get3A_561 : vector<16xf32>
          %get3A_563 = arith.constant 1 : i32
          %get3A_564 = arith.index_cast %get3A_563 : i32 to index
          %get3A_565 = arith.index_cast %scan3A_537 : i32 to index
          %get3A_566 = arith.constant 48 : index
          %get3A_567 = tpu.vector_load %arg8[%get3A_564, %get3A_565, %get3A_566] {strides = array<i32>} : memref<6x128x64xf32, #tpu.memory_space<vmem>>, vector<1x1x16xf32>,
          %get3A_568 = vector.shape_cast %get3A_567 : vector<1x1x16xf32> to vector<16xf32>
          %add3A_569 = arith.addf %scan3A_541, %get3A_568 : vector<16xf32>
          %scan3A_570 = arith.constant 1 : i32
          %scan3A_571 = arith.addi %scan3A_537, %scan3A_570 : i32
          %get3A_572 = arith.constant 1 : i32
          %get3A_573 = arith.index_cast %get3A_572 : i32 to index
          %get3A_574 = arith.index_cast %scan3A_571 : i32 to index
          %get3A_575 = arith.constant 0 : index
          %get3A_576 = tpu.vector_load %arg8[%get3A_573, %get3A_574, %get3A_575] {strides = array<i32>} : memref<6x128x64xf32, #tpu.memory_space<vmem>>, vector<1x1x16xf32>,
          %get3A_577 = vector.shape_cast %get3A_576 : vector<1x1x16xf32> to vector<16xf32>
          %add3A_578 = arith.addf %add3A_548, %get3A_577 : vector<16xf32>
          %get3A_579 = arith.constant 1 : i32
          %get3A_580 = arith.index_cast %get3A_579 : i32 to index
          %get3A_581 = arith.index_cast %scan3A_571 : i32 to index
          %get3A_582 = arith.constant 16 : index
          %get3A_583 = tpu.vector_load %arg8[%get3A_580, %get3A_581, %get3A_582] {strides = array<i32>} : memref<6x128x64xf32, #tpu.memory_space<vmem>>, vector<1x1x16xf32>,
          %get3A_584 = vector.shape_cast %get3A_583 : vector<1x1x16xf32> to vector<16xf32>
          %add3A_585 = arith.addf %add3A_555, %get3A_584 : vector<16xf32>
          %get3A_586 = arith.constant 1 : i32
          %get3A_587 = arith.index_cast %get3A_586 : i32 to index
          %get3A_588 = arith.index_cast %scan3A_571 : i32 to index
          %get3A_589 = arith.constant 32 : index
          %get3A_590 = tpu.vector_load %arg8[%get3A_587, %get3A_588, %get3A_589] {strides = array<i32>} : memref<6x128x64xf32, #tpu.memory_space<vmem>>, vector<1x1x16xf32>,
          %get3A_591 = vector.shape_cast %get3A_590 : vector<1x1x16xf32> to vector<16xf32>
          %add3A_592 = arith.addf %add3A_562, %get3A_591 : vector<16xf32>
          %get3A_593 = arith.constant 1 : i32
          %get3A_594 = arith.index_cast %get3A_593 : i32 to index
          %get3A_595 = arith.index_cast %scan3A_571 : i32 to index
          %get3A_596 = arith.constant 48 : index
          %get3A_597 = tpu.vector_load %arg8[%get3A_594, %get3A_595, %get3A_596] {strides = array<i32>} : memref<6x128x64xf32, #tpu.memory_space<vmem>>, vector<1x1x16xf32>,
          %get3A_598 = vector.shape_cast %get3A_597 : vector<1x1x16xf32> to vector<16xf32>
          %add3A_599 = arith.addf %add3A_569, %get3A_598 : vector<16xf32>
          %scan3A_600 = arith.constant 2 : i32
          %scan3A_601 = arith.addi %scan3A_537, %scan3A_600 : i32
          %get3A_602 = arith.constant 1 : i32
          %get3A_603 = arith.index_cast %get3A_602 : i32 to index
          %get3A_604 = arith.index_cast %scan3A_601 : i32 to index
          %get3A_605 = arith.constant 0 : index
          %get3A_606 = tpu.vector_load %arg8[%get3A_603, %get3A_604, %get3A_605] {strides = array<i32>} : memref<6x128x64xf32, #tpu.memory_space<vmem>>, vector<1x1x16xf32>,
          %get3A_607 = vector.shape_cast %get3A_606 : vector<1x1x16xf32> to vector<16xf32>
          %add3A_608 = arith.addf %add3A_578, %get3A_607 : vector<16xf32>
          %get3A_609 = arith.constant 1 : i32
          %get3A_610 = arith.index_cast %get3A_609 : i32 to index
          %get3A_611 = arith.index_cast %scan3A_601 : i32 to index
          %get3A_612 = arith.constant 16 : index
          %get3A_613 = tpu.vector_load %arg8[%get3A_610, %get3A_611, %get3A_612] {strides = array<i32>} : memref<6x128x64xf32, #tpu.memory_space<vmem>>, vector<1x1x16xf32>,
          %get3A_614 = vector.shape_cast %get3A_613 : vector<1x1x16xf32> to vector<16xf32>
          %add3A_615 = arith.addf %add3A_585, %get3A_614 : vector<16xf32>
          %get3A_616 = arith.constant 1 : i32
          %get3A_617 = arith.index_cast %get3A_616 : i32 to index
          %get3A_618 = arith.index_cast %scan3A_601 : i32 to index
          %get3A_619 = arith.constant 32 : index
          %get3A_620 = tpu.vector_load %arg8[%get3A_617, %get3A_618, %get3A_619] {strides = array<i32>} : memref<6x128x64xf32, #tpu.memory_space<vmem>>, vector<1x1x16xf32>,
          %get3A_621 = vector.shape_cast %get3A_620 : vector<1x1x16xf32> to vector<16xf32>
          %add3A_622 = arith.addf %add3A_592, %get3A_621 : vector<16xf32>
          %get3A_623 = arith.constant 1 : i32
          %get3A_624 = arith.index_cast %get3A_623 : i32 to index
          %get3A_625 = arith.index_cast %scan3A_601 : i32 to index
          %get3A_626 = arith.constant 48 : index
          %get3A_627 = tpu.vector_load %arg8[%get3A_624, %get3A_625, %get3A_626] {strides = array<i32>} : memref<6x128x64xf32, #tpu.memory_space<vmem>>, vector<1x1x16xf32>,
          %get3A_628 = vector.shape_cast %get3A_627 : vector<1x1x16xf32> to vector<16xf32>
          %add3A_629 = arith.addf %add3A_599, %get3A_628 : vector<16xf32>
          %scan3A_630 = arith.constant 3 : i32
          %scan3A_631 = arith.addi %scan3A_537, %scan3A_630 : i32
          %get3A_632 = arith.constant 1 : i32
          %get3A_633 = arith.index_cast %get3A_632 : i32 to index
          %get3A_634 = arith.index_cast %scan3A_631 : i32 to index
          %get3A_635 = arith.constant 0 : index
          %get3A_636 = tpu.vector_load %arg8[%get3A_633, %get3A_634, %get3A_635] {strides = array<i32>} : memref<6x128x64xf32, #tpu.memory_space<vmem>>, vector<1x1x16xf32>,
          %get3A_637 = vector.shape_cast %get3A_636 : vector<1x1x16xf32> to vector<16xf32>
          %add3A_638 = arith.addf %add3A_608, %get3A_637 : vector<16xf32>
          %get3A_639 = arith.constant 1 : i32
          %get3A_640 = arith.index_cast %get3A_639 : i32 to index
          %get3A_641 = arith.index_cast %scan3A_631 : i32 to index
          %get3A_642 = arith.constant 16 : index
          %get3A_643 = tpu.vector_load %arg8[%get3A_640, %get3A_641, %get3A_642] {strides = array<i32>} : memref<6x128x64xf32, #tpu.memory_space<vmem>>, vector<1x1x16xf32>,
          %get3A_644 = vector.shape_cast %get3A_643 : vector<1x1x16xf32> to vector<16xf32>
          %add3A_645 = arith.addf %add3A_615, %get3A_644 : vector<16xf32>
          %get3A_646 = arith.constant 1 : i32
          %get3A_647 = arith.index_cast %get3A_646 : i32 to index
          %get3A_648 = arith.index_cast %scan3A_631 : i32 to index
          %get3A_649 = arith.constant 32 : index
          %get3A_650 = tpu.vector_load %arg8[%get3A_647, %get3A_648, %get3A_649] {strides = array<i32>} : memref<6x128x64xf32, #tpu.memory_space<vmem>>, vector<1x1x16xf32>,
          %get3A_651 = vector.shape_cast %get3A_650 : vector<1x1x16xf32> to vector<16xf32>
          %add3A_652 = arith.addf %add3A_622, %get3A_651 : vector<16xf32>
          %get3A_653 = arith.constant 1 : i32
          %get3A_654 = arith.index_cast %get3A_653 : i32 to index
          %get3A_655 = arith.index_cast %scan3A_631 : i32 to index
          %get3A_656 = arith.constant 48 : index
          %get3A_657 = tpu.vector_load %arg8[%get3A_654, %get3A_655, %get3A_656] {strides = array<i32>} : memref<6x128x64xf32, #tpu.memory_space<vmem>>, vector<1x1x16xf32>,
          %get3A_658 = vector.shape_cast %get3A_657 : vector<1x1x16xf32> to vector<16xf32>
          %add3A_659 = arith.addf %add3A_629, %get3A_658 : vector<16xf32>
          %scan3A_660 = arith.constant 4 : i32
          %scan3A_661 = arith.addi %scan3A_537, %scan3A_660 : i32
          %get3A_662 = arith.constant 1 : i32
          %get3A_663 = arith.index_cast %get3A_662 : i32 to index
          %get3A_664 = arith.index_cast %scan3A_661 : i32 to index
          %get3A_665 = arith.constant 0 : index
          %get3A_666 = tpu.vector_load %arg8[%get3A_663, %get3A_664, %get3A_665] {strides = array<i32>} : memref<6x128x64xf32, #tpu.memory_space<vmem>>, vector<1x1x16xf32>,
          %get3A_667 = vector.shape_cast %get3A_666 : vector<1x1x16xf32> to vector<16xf32>
          %add3A_668 = arith.addf %add3A_638, %get3A_667 : vector<16xf32>
          %get3A_669 = arith.constant 1 : i32
          %get3A_670 = arith.index_cast %get3A_669 : i32 to index
          %get3A_671 = arith.index_cast %scan3A_661 : i32 to index
          %get3A_672 = arith.constant 16 : index
          %get3A_673 = tpu.vector_load %arg8[%get3A_670, %get3A_671, %get3A_672] {strides = array<i32>} : memref<6x128x64xf32, #tpu.memory_space<vmem>>, vector<1x1x16xf32>,
          %get3A_674 = vector.shape_cast %get3A_673 : vector<1x1x16xf32> to vector<16xf32>
          %add3A_675 = arith.addf %add3A_645, %get3A_674 : vector<16xf32>
          %get3A_676 = arith.constant 1 : i32
          %get3A_677 = arith.index_cast %get3A_676 : i32 to index
          %get3A_678 = arith.index_cast %scan3A_661 : i32 to index
          %get3A_679 = arith.constant 32 : index
          %get3A_680 = tpu.vector_load %arg8[%get3A_677, %get3A_678, %get3A_679] {strides = array<i32>} : memref<6x128x64xf32, #tpu.memory_space<vmem>>, vector<1x1x16xf32>,
          %get3A_681 = vector.shape_cast %get3A_680 : vector<1x1x16xf32> to vector<16xf32>
          %add3A_682 = arith.addf %add3A_652, %get3A_681 : vector<16xf32>
          %get3A_683 = arith.constant 1 : i32
          %get3A_684 = arith.index_cast %get3A_683 : i32 to index
          %get3A_685 = arith.index_cast %scan3A_661 : i32 to index
          %get3A_686 = arith.constant 48 : index
          %get3A_687 = tpu.vector_load %arg8[%get3A_684, %get3A_685, %get3A_686] {strides = array<i32>} : memref<6x128x64xf32, #tpu.memory_space<vmem>>, vector<1x1x16xf32>,
          %get3A_688 = vector.shape_cast %get3A_687 : vector<1x1x16xf32> to vector<16xf32>
          %add3A_689 = arith.addf %add3A_659, %get3A_688 : vector<16xf32>
          %scan3A_690 = arith.constant 5 : i32
          %scan3A_691 = arith.addi %scan3A_537, %scan3A_690 : i32
          %get3A_692 = arith.constant 1 : i32
          %get3A_693 = arith.index_cast %get3A_692 : i32 to index
          %get3A_694 = arith.index_cast %scan3A_691 : i32 to index
          %get3A_695 = arith.constant 0 : index
          %get3A_696 = tpu.vector_load %arg8[%get3A_693, %get3A_694, %get3A_695] {strides = array<i32>} : memref<6x128x64xf32, #tpu.memory_space<vmem>>, vector<1x1x16xf32>,
          %get3A_697 = vector.shape_cast %get3A_696 : vector<1x1x16xf32> to vector<16xf32>
          %add3A_698 = arith.addf %add3A_668, %get3A_697 : vector<16xf32>
          %get3A_699 = arith.constant 1 : i32
          %get3A_700 = arith.index_cast %get3A_699 : i32 to index
          %get3A_701 = arith.index_cast %scan3A_691 : i32 to index
          %get3A_702 = arith.constant 16 : index
          %get3A_703 = tpu.vector_load %arg8[%get3A_700, %get3A_701, %get3A_702] {strides = array<i32>} : memref<6x128x64xf32, #tpu.memory_space<vmem>>, vector<1x1x16xf32>,
          %get3A_704 = vector.shape_cast %get3A_703 : vector<1x1x16xf32> to vector<16xf32>
          %add3A_705 = arith.addf %add3A_675, %get3A_704 : vector<16xf32>
          %get3A_706 = arith.constant 1 : i32
          %get3A_707 = arith.index_cast %get3A_706 : i32 to index
          %get3A_708 = arith.index_cast %scan3A_691 : i32 to index
          %get3A_709 = arith.constant 32 : index
          %get3A_710 = tpu.vector_load %arg8[%get3A_707, %get3A_708, %get3A_709] {strides = array<i32>} : memref<6x128x64xf32, #tpu.memory_space<vmem>>, vector<1x1x16xf32>,
          %get3A_711 = vector.shape_cast %get3A_710 : vector<1x1x16xf32> to vector<16xf32>
          %add3A_712 = arith.addf %add3A_682, %get3A_711 : vector<16xf32>
          %get3A_713 = arith.constant 1 : i32
          %get3A_714 = arith.index_cast %get3A_713 : i32 to index
          %get3A_715 = arith.index_cast %scan3A_691 : i32 to index
          %get3A_716 = arith.constant 48 : index
          %get3A_717 = tpu.vector_load %arg8[%get3A_714, %get3A_715, %get3A_716] {strides = array<i32>} : memref<6x128x64xf32, #tpu.memory_space<vmem>>, vector<1x1x16xf32>,
          %get3A_718 = vector.shape_cast %get3A_717 : vector<1x1x16xf32> to vector<16xf32>
          %add3A_719 = arith.addf %add3A_689, %get3A_718 : vector<16xf32>
          %scan3A_720 = arith.constant 6 : i32
          %scan3A_721 = arith.addi %scan3A_537, %scan3A_720 : i32
          %get3A_722 = arith.constant 1 : i32
          %get3A_723 = arith.index_cast %get3A_722 : i32 to index
          %get3A_724 = arith.index_cast %scan3A_721 : i32 to index
          %get3A_725 = arith.constant 0 : index
          %get3A_726 = tpu.vector_load %arg8[%get3A_723, %get3A_724, %get3A_725] {strides = array<i32>} : memref<6x128x64xf32, #tpu.memory_space<vmem>>, vector<1x1x16xf32>,
          %get3A_727 = vector.shape_cast %get3A_726 : vector<1x1x16xf32> to vector<16xf32>
          %add3A_728 = arith.addf %add3A_698, %get3A_727 : vector<16xf32>
          %get3A_729 = arith.constant 1 : i32
          %get3A_730 = arith.index_cast %get3A_729 : i32 to index
          %get3A_731 = arith.index_cast %scan3A_721 : i32 to index
          %get3A_732 = arith.constant 16 : index
          %get3A_733 = tpu.vector_load %arg8[%get3A_730, %get3A_731, %get3A_732] {strides = array<i32>} : memref<6x128x64xf32, #tpu.memory_space<vmem>>, vector<1x1x16xf32>,
          %get3A_734 = vector.shape_cast %get3A_733 : vector<1x1x16xf32> to vector<16xf32>
          %add3A_735 = arith.addf %add3A_705, %get3A_734 : vector<16xf32>
          %get3A_736 = arith.constant 1 : i32
          %get3A_737 = arith.index_cast %get3A_736 : i32 to index
          %get3A_738 = arith.index_cast %scan3A_721 : i32 to index
          %get3A_739 = arith.constant 32 : index
          %get3A_740 = tpu.vector_load %arg8[%get3A_737, %get3A_738, %get3A_739] {strides = array<i32>} : memref<6x128x64xf32, #tpu.memory_space<vmem>>, vector<1x1x16xf32>,
          %get3A_741 = vector.shape_cast %get3A_740 : vector<1x1x16xf32> to vector<16xf32>
          %add3A_742 = arith.addf %add3A_712, %get3A_741 : vector<16xf32>
          %get3A_743 = arith.constant 1 : i32
          %get3A_744 = arith.index_cast %get3A_743 : i32 to index
          %get3A_745 = arith.index_cast %scan3A_721 : i32 to index
          %get3A_746 = arith.constant 48 : index
          %get3A_747 = tpu.vector_load %arg8[%get3A_744, %get3A_745, %get3A_746] {strides = array<i32>} : memref<6x128x64xf32, #tpu.memory_space<vmem>>, vector<1x1x16xf32>,
          %get3A_748 = vector.shape_cast %get3A_747 : vector<1x1x16xf32> to vector<16xf32>
          %add3A_749 = arith.addf %add3A_719, %get3A_748 : vector<16xf32>
          %scan3A_750 = arith.constant 7 : i32
          %scan3A_751 = arith.addi %scan3A_537, %scan3A_750 : i32
          %get3A_752 = arith.constant 1 : i32
          %get3A_753 = arith.index_cast %get3A_752 : i32 to index
          %get3A_754 = arith.index_cast %scan3A_751 : i32 to index
          %get3A_755 = arith.constant 0 : index
          %get3A_756 = tpu.vector_load %arg8[%get3A_753, %get3A_754, %get3A_755] {strides = array<i32>} : memref<6x128x64xf32, #tpu.memory_space<vmem>>, vector<1x1x16xf32>,
          %get3A_757 = vector.shape_cast %get3A_756 : vector<1x1x16xf32> to vector<16xf32>
          %add3A_758 = arith.addf %add3A_728, %get3A_757 : vector<16xf32>
          %get3A_759 = arith.constant 1 : i32
          %get3A_760 = arith.index_cast %get3A_759 : i32 to index
          %get3A_761 = arith.index_cast %scan3A_751 : i32 to index
          %get3A_762 = arith.constant 16 : index
          %get3A_763 = tpu.vector_load %arg8[%get3A_760, %get3A_761, %get3A_762] {strides = array<i32>} : memref<6x128x64xf32, #tpu.memory_space<vmem>>, vector<1x1x16xf32>,
          %get3A_764 = vector.shape_cast %get3A_763 : vector<1x1x16xf32> to vector<16xf32>
          %add3A_765 = arith.addf %add3A_735, %get3A_764 : vector<16xf32>
          %get3A_766 = arith.constant 1 : i32
          %get3A_767 = arith.index_cast %get3A_766 : i32 to index
          %get3A_768 = arith.index_cast %scan3A_751 : i32 to index
          %get3A_769 = arith.constant 32 : index
          %get3A_770 = tpu.vector_load %arg8[%get3A_767, %get3A_768, %get3A_769] {strides = array<i32>} : memref<6x128x64xf32, #tpu.memory_space<vmem>>, vector<1x1x16xf32>,
          %get3A_771 = vector.shape_cast %get3A_770 : vector<1x1x16xf32> to vector<16xf32>
          %add3A_772 = arith.addf %add3A_742, %get3A_771 : vector<16xf32>
          %get3A_773 = arith.constant 1 : i32
          %get3A_774 = arith.index_cast %get3A_773 : i32 to index
          %get3A_775 = arith.index_cast %scan3A_751 : i32 to index
          %get3A_776 = arith.constant 48 : index
          %get3A_777 = tpu.vector_load %arg8[%get3A_774, %get3A_775, %get3A_776] {strides = array<i32>} : memref<6x128x64xf32, #tpu.memory_space<vmem>>, vector<1x1x16xf32>,
          %get3A_778 = vector.shape_cast %get3A_777 : vector<1x1x16xf32> to vector<16xf32>
          %add3A_779 = arith.addf %add3A_749, %get3A_778 : vector<16xf32>
          scf.yield %add3A_758, %add3A_765, %add3A_772, %add3A_779 : vector<16xf32>, vector<16xf32>, vector<16xf32>, vector<16xf32>
        }
        %scan3A_496 = arith.constant 128 : i32
        %get3A_497 = arith.index_cast %squeeze3A_304 : i32 to index
        %get3A_498 = arith.constant 0 : index
        %get3A_499 = tpu.vector_load %arg11[%get3A_497, %get3A_498] {strides = array<i32>} : memref<256x64xf32, #tpu.memory_space<vmem>>, vector<1x16xf32>,
        %get3A_500 = vector.shape_cast %get3A_499 : vector<1x16xf32> to vector<16xf32>
        %add3A_501 = arith.addf %get3A_500, %scan3A_495#0 : vector<16xf32>
        %swap3A_502 = arith.index_cast %squeeze3A_304 : i32 to index
        %swap3A_503 = arith.constant 0 : index
        %swap3A_504 = tpu.vector_load %arg11[%swap3A_502, %swap3A_503] {strides = array<i32>} : memref<256x64xf32, #tpu.memory_space<vmem>>, vector<1x16xf32>,
        %swap3A_505 = vector.shape_cast %swap3A_504 : vector<1x16xf32> to vector<16xf32>
        %swap3A_506 = vector.shape_cast %add3A_501 : vector<16xf32> to vector<1x16xf32>
        tpu.vector_store %arg11[%swap3A_502, %swap3A_503], %swap3A_506 {strides = array<i32>} : memref<256x64xf32, #tpu.memory_space<vmem>>, vector<1x16xf32>,
        %get3A_507 = arith.index_cast %squeeze3A_304 : i32 to index
        %get3A_508 = arith.constant 16 : index
        %get3A_509 = tpu.vector_load %arg11[%get3A_507, %get3A_508] {strides = array<i32>} : memref<256x64xf32, #tpu.memory_space<vmem>>, vector<1x16xf32>,
        %get3A_510 = vector.shape_cast %get3A_509 : vector<1x16xf32> to vector<16xf32>
        %add3A_511 = arith.addf %get3A_510, %scan3A_495#1 : vector<16xf32>
        %swap3A_512 = arith.index_cast %squeeze3A_304 : i32 to index
        %swap3A_513 = arith.constant 16 : index
        %swap3A_514 = tpu.vector_load %arg11[%swap3A_512, %swap3A_513] {strides = array<i32>} : memref<256x64xf32, #tpu.memory_space<vmem>>, vector<1x16xf32>,
        %swap3A_515 = vector.shape_cast %swap3A_514 : vector<1x16xf32> to vector<16xf32>
        %swap3A_516 = vector.shape_cast %add3A_511 : vector<16xf32> to vector<1x16xf32>
        tpu.vector_store %arg11[%swap3A_512, %swap3A_513], %swap3A_516 {strides = array<i32>} : memref<256x64xf32, #tpu.memory_space<vmem>>, vector<1x16xf32>,
        %get3A_517 = arith.index_cast %squeeze3A_304 : i32 to index
        %get3A_518 = arith.constant 32 : index
        %get3A_519 = tpu.vector_load %arg11[%get3A_517, %get3A_518] {strides = array<i32>} : memref<256x64xf32, #tpu.memory_space<vmem>>, vector<1x16xf32>,
        %get3A_520 = vector.shape_cast %get3A_519 : vector<1x16xf32> to vector<16xf32>
        %add3A_521 = arith.addf %get3A_520, %scan3A_495#2 : vector<16xf32>
        %swap3A_522 = arith.index_cast %squeeze3A_304 : i32 to index
        %swap3A_523 = arith.constant 32 : index
        %swap3A_524 = tpu.vector_load %arg11[%swap3A_522, %swap3A_523] {strides = array<i32>} : memref<256x64xf32, #tpu.memory_space<vmem>>, vector<1x16xf32>,
        %swap3A_525 = vector.shape_cast %swap3A_524 : vector<1x16xf32> to vector<16xf32>
        %swap3A_526 = vector.shape_cast %add3A_521 : vector<16xf32> to vector<1x16xf32>
        tpu.vector_store %arg11[%swap3A_522, %swap3A_523], %swap3A_526 {strides = array<i32>} : memref<256x64xf32, #tpu.memory_space<vmem>>, vector<1x16xf32>,
        %get3A_527 = arith.index_cast %squeeze3A_304 : i32 to index
        %get3A_528 = arith.constant 48 : index
        %get3A_529 = tpu.vector_load %arg11[%get3A_527, %get3A_528] {strides = array<i32>} : memref<256x64xf32, #tpu.memory_space<vmem>>, vector<1x16xf32>,
        %get3A_530 = vector.shape_cast %get3A_529 : vector<1x16xf32> to vector<16xf32>
        %add3A_531 = arith.addf %get3A_530, %scan3A_495#3 : vector<16xf32>
        %swap3A_532 = arith.index_cast %squeeze3A_304 : i32 to index
        %swap3A_533 = arith.constant 48 : index
        %swap3A_534 = tpu.vector_load %arg11[%swap3A_532, %swap3A_533] {strides = array<i32>} : memref<256x64xf32, #tpu.memory_space<vmem>>, vector<1x16xf32>,
        %swap3A_535 = vector.shape_cast %swap3A_534 : vector<1x16xf32> to vector<16xf32>
        %swap3A_536 = vector.shape_cast %add3A_531 : vector<16xf32> to vector<1x16xf32>
        tpu.vector_store %arg11[%swap3A_532, %swap3A_533], %swap3A_536 {strides = array<i32>} : memref<256x64xf32, #tpu.memory_space<vmem>>, vector<1x16xf32>,
      } else {
      }
      %ne3A_311 = arith.cmpi ne, %squeeze3A_304, %squeeze3A_306 : i32
      %convert_element_type3A_312 = arith.extui %ne3A_311 : i1 to i32
      %cond3A_313 = arith.constant 0 : i32
      %cond3A_314 = arith.cmpi ne, %convert_element_type3A_312, %cond3A_313 : i32
      scf.if %cond3A_314 {
        %run_scoped3A = arith.constant 1 : i32
        "tpu.region"() ({
          %run_scoped3A_483 = tpu.sem_alloc : memref<!tpu.dma_semaphore, #tpu.memory_space<semaphore_mem>>
          %dma_start3A_484 = arith.constant 0 : i32
          %dma_start3A_485 = arith.constant 0 : i32
          %dma_start3A_486 = tpu.memref_slice %arg8[%run_scoped3A, %dma_start3A_484, %dma_start3A_485] : memref<6x128x64xf32, #tpu.memory_space<vmem>> -> memref<1x128x64xf32, #tpu.memory_space<vmem>>
          %dma_start3A_487 = tpu.memref_squeeze %dma_start3A_486 : memref<1x128x64xf32, #tpu.memory_space<vmem>> -> memref<128x64xf32, #tpu.memory_space<vmem>>
          %dma_start3A_488 = arith.constant 0 : i32
          %dma_start3A_489 = tpu.memref_slice %arg5[%add3A_283, %dma_start3A_488] : memref<48x128xi32, #tpu.memory_space<vmem>> -> memref<1x128xi32, #tpu.memory_space<vmem>>
          %dma_start3A_490 = tpu.memref_squeeze %dma_start3A_489 : memref<1x128xi32, #tpu.memory_space<vmem>> -> memref<128xi32, #tpu.memory_space<vmem>>
          %dma_start3A_491 = arith.constant 0 : i32
          %dma_start3A_492 = arith.constant 0 : i32
          %dma_start3A_493 = tpu.memref_slice %arg14[%dma_start3A_491, %dma_start3A_492] : memref<256x64xf32, #tpu.memory_space<vmem_shared>> -> memref<256x64xf32, #tpu.memory_space<vmem_shared>>
          tpu.enqueue_indirect_dma source(%dma_start3A_487 : memref<128x64xf32, #tpu.memory_space<vmem>>) target(%dma_start3A_493 : memref<256x64xf32, #tpu.memory_space<vmem_shared>>) offsets(%dma_start3A_490 : memref<128xi32, #tpu.memory_space<vmem>>) semaphore(%run_scoped3A_483 : memref<!tpu.dma_semaphore, #tpu.memory_space<semaphore_mem>>) {add = true}
          %dma_wait3A_494 = arith.constant 0 : i32
          %dma_wait3A_495 = arith.constant 0 : i32
          %dma_wait3A_496 = tpu.memref_slice %arg8[%run_scoped3A, %dma_wait3A_494, %dma_wait3A_495] : memref<6x128x64xf32, #tpu.memory_space<vmem>> -> memref<1x128x64xf32, #tpu.memory_space<vmem>>
          %dma_wait3A_497 = tpu.memref_squeeze %dma_wait3A_496 : memref<1x128x64xf32, #tpu.memory_space<vmem>> -> memref<128x64xf32, #tpu.memory_space<vmem>>
          %dma_wait3A_498 = arith.constant 0 : i32
          %dma_wait3A_499 = tpu.memref_slice %arg5[%add3A_283, %dma_wait3A_498] : memref<48x128xi32, #tpu.memory_space<vmem>> -> memref<1x128xi32, #tpu.memory_space<vmem>>
          %dma_wait3A_500 = tpu.memref_squeeze %dma_wait3A_499 : memref<1x128xi32, #tpu.memory_space<vmem>> -> memref<128xi32, #tpu.memory_space<vmem>>
          %dma_wait3A_501 = arith.constant 0 : i32
          %dma_wait3A_502 = arith.constant 0 : i32
          %dma_wait3A_503 = tpu.memref_slice %arg14[%dma_wait3A_501, %dma_wait3A_502] : memref<256x64xf32, #tpu.memory_space<vmem_shared>> -> memref<256x64xf32, #tpu.memory_space<vmem_shared>>
          tpu.wait_indirect_dma semaphore(%run_scoped3A_483 : memref<!tpu.dma_semaphore, #tpu.memory_space<semaphore_mem>>) src(%dma_wait3A_497 : memref<128x64xf32, #tpu.memory_space<vmem>>) dst(%dma_wait3A_503 : memref<256x64xf32, #tpu.memory_space<vmem_shared>>)
          tpu.yield
        }) : () -> ()
      } else {
      }
      %add3A_315 = arith.constant 6 : i32
      %add3A_316 = arith.addi %add3A_283, %add3A_315 : i32
      %lt3A_317 = arith.constant 48 : i32
      %lt3A_318 = arith.cmpi slt, %add3A_316, %lt3A_317 : i32
      %convert_element_type3A_319 = arith.extui %lt3A_318 : i1 to i32
      %cond3A_320 = arith.constant 0 : i32
      %cond3A_321 = arith.cmpi ne, %convert_element_type3A_319, %cond3A_320 : i32
      scf.if %cond3A_321 {
        %add3A_483 = arith.constant 6 : i32
        %add3A_484 = arith.addi %add3A_283, %add3A_483 : i32
        %mul3A_485 = arith.constant 128 : i32
        %mul3A_486 = arith.muli %add3A_484, %mul3A_485 : i32
        %add3A_487 = arith.addi %mul3A_2, %mul3A_486 : i32
        %dma_start3A_488 = arith.constant 1 : i32
        %dma_start3A_489 = arith.constant 0 : i32
        %dma_start3A_490 = arith.constant 0 : i32
        %dma_start3A_491 = tpu.memref_slice %arg8[%dma_start3A_488, %dma_start3A_489, %dma_start3A_490] : memref<6x128x64xf32, #tpu.memory_space<vmem>> -> memref<1x128x64xf32, #tpu.memory_space<vmem>>
        %dma_start3A_492 = tpu.memref_squeeze %dma_start3A_491 : memref<1x128x64xf32, #tpu.memory_space<vmem>> -> memref<128x64xf32, #tpu.memory_space<vmem>>
        %dma_start3A_493 = tpu.memref_slice %arg2[%add3A_487, %mul3A_0] : memref<100000x128xf32, #tpu.memory_space<hbm>> -> memref<128x64xf32, #tpu.memory_space<hbm>>
        %dma_start3A_494 = arith.constant 0 : i32
        %dma_start3A_495 = arith.constant 0 : i32
        %dma_start3A_496 = tpu.memref_slice %arg8[%dma_start3A_488, %dma_start3A_494, %dma_start3A_495] : memref<6x128x64xf32, #tpu.memory_space<vmem>> -> memref<1x128x64xf32, #tpu.memory_space<vmem>>
        %dma_start3A_497 = tpu.memref_squeeze %dma_start3A_496 : memref<1x128x64xf32, #tpu.memory_space<vmem>> -> memref<128x64xf32, #tpu.memory_space<vmem>>
        %dma_start3A_498 = tpu.memref_slice %arg2[%add3A_487, %mul3A_0] : memref<100000x128xf32, #tpu.memory_space<hbm>> -> memref<128x64xf32, #tpu.memory_space<hbm>>
        tpu.enqueue_dma source(%dma_start3A_498 : memref<128x64xf32, #tpu.memory_space<hbm>>) target(%dma_start3A_497 : memref<128x64xf32, #tpu.memory_space<vmem>>) target_semaphore(%arg17 : memref<!tpu.dma_semaphore, #tpu.memory_space<semaphore_mem>>)
      } else {
      }
      %add3A_322 = arith.constant 2 : i32
      %add3A_323 = arith.addi %mul3A_246, %add3A_322 : i32
      %dma_wait3A_324 = arith.constant 2 : i32
      %dma_wait3A_325 = arith.constant 0 : i32
      %dma_wait3A_326 = arith.constant 0 : i32
      %dma_wait3A_327 = tpu.memref_slice %arg8[%dma_wait3A_324, %dma_wait3A_325, %dma_wait3A_326] : memref<6x128x64xf32, #tpu.memory_space<vmem>> -> memref<1x128x64xf32, #tpu.memory_space<vmem>>
      %dma_wait3A_328 = tpu.memref_squeeze %dma_wait3A_327 : memref<1x128x64xf32, #tpu.memory_space<vmem>> -> memref<128x64xf32, #tpu.memory_space<vmem>>
      %dma_wait3A_329 = tpu.memref_slice %arg2[%mul3A_2, %mul3A_0] : memref<100000x128xf32, #tpu.memory_space<hbm>> -> memref<128x64xf32, #tpu.memory_space<hbm>>
      %dma_wait3A_330 = arith.constant 0 : i32
      %dma_wait3A_331 = arith.constant 0 : i32
      %dma_wait3A_332 = tpu.memref_slice %arg8[%dma_wait3A_324, %dma_wait3A_330, %dma_wait3A_331] : memref<6x128x64xf32, #tpu.memory_space<vmem>> -> memref<1x128x64xf32, #tpu.memory_space<vmem>>
      %dma_wait3A_333 = tpu.memref_squeeze %dma_wait3A_332 : memref<1x128x64xf32, #tpu.memory_space<vmem>> -> memref<128x64xf32, #tpu.memory_space<vmem>>
      %dma_wait3A_334 = tpu.memref_slice %arg2[%mul3A_2, %mul3A_0] : memref<100000x128xf32, #tpu.memory_space<hbm>> -> memref<128x64xf32, #tpu.memory_space<hbm>>
      tpu.wait_dma2 semaphore(%arg18 : memref<!tpu.dma_semaphore, #tpu.memory_space<semaphore_mem>>) src(%dma_wait3A_334 : memref<128x64xf32, #tpu.memory_space<hbm>>) dst(%dma_wait3A_333 : memref<128x64xf32, #tpu.memory_space<vmem>>)
      %get3A_335 = arith.index_cast %add3A_323 : i32 to index
      %get3A_336 = arith.constant 0 : index
      %get3A_337 = tpu.vector_load %arg5[%get3A_335, %get3A_336] {strides = array<i32>} : memref<48x128xi32, #tpu.memory_space<vmem>>, vector<1x16xi32>,
      %get3A_338 = vector.shape_cast %get3A_337 : vector<1x16xi32> to vector<16xi32>
      %get3A_339 = arith.index_cast %add3A_323 : i32 to index
      %get3A_340 = arith.constant 112 : index
      %get3A_341 = tpu.vector_load %arg5[%get3A_339, %get3A_340] {strides = array<i32>} : memref<48x128xi32, #tpu.memory_space<vmem>>, vector<1x16xi32>,
      %get3A_342 = vector.shape_cast %get3A_341 : vector<1x16xi32> to vector<16xi32>
      %slice3A_343 = vector.extract_strided_slice %get3A_338 {offsets = [0], sizes = [1], strides = [1]} : vector<16xi32> to vector<1xi32>
      %squeeze3A_344 = vector.extract %slice3A_343[0] : i32 from vector<1xi32>
      %slice3A_345 = vector.extract_strided_slice %get3A_342 {offsets = [15], sizes = [1], strides = [1]} : vector<16xi32> to vector<1xi32>
      %squeeze3A_346 = vector.extract %slice3A_345[0] : i32 from vector<1xi32>
      %eq3A_347 = arith.cmpi eq, %squeeze3A_344, %squeeze3A_346 : i32
      %convert_element_type3A_348 = arith.extui %eq3A_347 : i1 to i32
      %cond3A_349 = arith.constant 0 : i32
      %cond3A_350 = arith.cmpi ne, %convert_element_type3A_348, %cond3A_349 : i32
      scf.if %cond3A_350 {
        %broadcast_in_dim3A_483 = arith.constant 0.000000e+00 : f32
        %broadcast_in_dim3A_484 = vector.broadcast %broadcast_in_dim3A_483 : f32 to vector<16xf32>
        %broadcast_in_dim3A_485 = arith.constant 0.000000e+00 : f32
        %broadcast_in_dim3A_486 = vector.broadcast %broadcast_in_dim3A_485 : f32 to vector<16xf32>
        %broadcast_in_dim3A_487 = arith.constant 0.000000e+00 : f32
        %broadcast_in_dim3A_488 = vector.broadcast %broadcast_in_dim3A_487 : f32 to vector<16xf32>
        %broadcast_in_dim3A_489 = arith.constant 0.000000e+00 : f32
        %broadcast_in_dim3A_490 = vector.broadcast %broadcast_in_dim3A_489 : f32 to vector<16xf32>
        %scan3A_491 = arith.constant 0 : i32
        %scan3A_492 = arith.constant 128 : i32
        %scan3A_493 = arith.addi %scan3A_491, %scan3A_492 : i32
        %scan3A_494 = arith.constant 8 : i32
        %scan3A_495:4 = scf.for %scan3A_537 = %scan3A_491 to %scan3A_493 step %scan3A_494 iter_args(%scan3A_538 = %broadcast_in_dim3A_484, %scan3A_539 = %broadcast_in_dim3A_486, %scan3A_540 = %broadcast_in_dim3A_488, %scan3A_541 = %broadcast_in_dim3A_490) -> (vector<16xf32>, vector<16xf32>, vector<16xf32>, vector<16xf32>)  : i32 {
          %get3A_542 = arith.constant 2 : i32
          %get3A_543 = arith.index_cast %get3A_542 : i32 to index
          %get3A_544 = arith.index_cast %scan3A_537 : i32 to index
          %get3A_545 = arith.constant 0 : index
          %get3A_546 = tpu.vector_load %arg8[%get3A_543, %get3A_544, %get3A_545] {strides = array<i32>} : memref<6x128x64xf32, #tpu.memory_space<vmem>>, vector<1x1x16xf32>,
          %get3A_547 = vector.shape_cast %get3A_546 : vector<1x1x16xf32> to vector<16xf32>
          %add3A_548 = arith.addf %scan3A_538, %get3A_547 : vector<16xf32>
          %get3A_549 = arith.constant 2 : i32
          %get3A_550 = arith.index_cast %get3A_549 : i32 to index
          %get3A_551 = arith.index_cast %scan3A_537 : i32 to index
          %get3A_552 = arith.constant 16 : index
          %get3A_553 = tpu.vector_load %arg8[%get3A_550, %get3A_551, %get3A_552] {strides = array<i32>} : memref<6x128x64xf32, #tpu.memory_space<vmem>>, vector<1x1x16xf32>,
          %get3A_554 = vector.shape_cast %get3A_553 : vector<1x1x16xf32> to vector<16xf32>
          %add3A_555 = arith.addf %scan3A_539, %get3A_554 : vector<16xf32>
          %get3A_556 = arith.constant 2 : i32
          %get3A_557 = arith.index_cast %get3A_556 : i32 to index
          %get3A_558 = arith.index_cast %scan3A_537 : i32 to index
          %get3A_559 = arith.constant 32 : index
          %get3A_560 = tpu.vector_load %arg8[%get3A_557, %get3A_558, %get3A_559] {strides = array<i32>} : memref<6x128x64xf32, #tpu.memory_space<vmem>>, vector<1x1x16xf32>,
          %get3A_561 = vector.shape_cast %get3A_560 : vector<1x1x16xf32> to vector<16xf32>
          %add3A_562 = arith.addf %scan3A_540, %get3A_561 : vector<16xf32>
          %get3A_563 = arith.constant 2 : i32
          %get3A_564 = arith.index_cast %get3A_563 : i32 to index
          %get3A_565 = arith.index_cast %scan3A_537 : i32 to index
          %get3A_566 = arith.constant 48 : index
          %get3A_567 = tpu.vector_load %arg8[%get3A_564, %get3A_565, %get3A_566] {strides = array<i32>} : memref<6x128x64xf32, #tpu.memory_space<vmem>>, vector<1x1x16xf32>,
          %get3A_568 = vector.shape_cast %get3A_567 : vector<1x1x16xf32> to vector<16xf32>
          %add3A_569 = arith.addf %scan3A_541, %get3A_568 : vector<16xf32>
          %scan3A_570 = arith.constant 1 : i32
          %scan3A_571 = arith.addi %scan3A_537, %scan3A_570 : i32
          %get3A_572 = arith.constant 2 : i32
          %get3A_573 = arith.index_cast %get3A_572 : i32 to index
          %get3A_574 = arith.index_cast %scan3A_571 : i32 to index
          %get3A_575 = arith.constant 0 : index
          %get3A_576 = tpu.vector_load %arg8[%get3A_573, %get3A_574, %get3A_575] {strides = array<i32>} : memref<6x128x64xf32, #tpu.memory_space<vmem>>, vector<1x1x16xf32>,
          %get3A_577 = vector.shape_cast %get3A_576 : vector<1x1x16xf32> to vector<16xf32>
          %add3A_578 = arith.addf %add3A_548, %get3A_577 : vector<16xf32>
          %get3A_579 = arith.constant 2 : i32
          %get3A_580 = arith.index_cast %get3A_579 : i32 to index
          %get3A_581 = arith.index_cast %scan3A_571 : i32 to index
          %get3A_582 = arith.constant 16 : index
          %get3A_583 = tpu.vector_load %arg8[%get3A_580, %get3A_581, %get3A_582] {strides = array<i32>} : memref<6x128x64xf32, #tpu.memory_space<vmem>>, vector<1x1x16xf32>,
          %get3A_584 = vector.shape_cast %get3A_583 : vector<1x1x16xf32> to vector<16xf32>
          %add3A_585 = arith.addf %add3A_555, %get3A_584 : vector<16xf32>
          %get3A_586 = arith.constant 2 : i32
          %get3A_587 = arith.index_cast %get3A_586 : i32 to index
          %get3A_588 = arith.index_cast %scan3A_571 : i32 to index
          %get3A_589 = arith.constant 32 : index
          %get3A_590 = tpu.vector_load %arg8[%get3A_587, %get3A_588, %get3A_589] {strides = array<i32>} : memref<6x128x64xf32, #tpu.memory_space<vmem>>, vector<1x1x16xf32>,
          %get3A_591 = vector.shape_cast %get3A_590 : vector<1x1x16xf32> to vector<16xf32>
          %add3A_592 = arith.addf %add3A_562, %get3A_591 : vector<16xf32>
          %get3A_593 = arith.constant 2 : i32
          %get3A_594 = arith.index_cast %get3A_593 : i32 to index
          %get3A_595 = arith.index_cast %scan3A_571 : i32 to index
          %get3A_596 = arith.constant 48 : index
          %get3A_597 = tpu.vector_load %arg8[%get3A_594, %get3A_595, %get3A_596] {strides = array<i32>} : memref<6x128x64xf32, #tpu.memory_space<vmem>>, vector<1x1x16xf32>,
          %get3A_598 = vector.shape_cast %get3A_597 : vector<1x1x16xf32> to vector<16xf32>
          %add3A_599 = arith.addf %add3A_569, %get3A_598 : vector<16xf32>
          %scan3A_600 = arith.constant 2 : i32
          %scan3A_601 = arith.addi %scan3A_537, %scan3A_600 : i32
          %get3A_602 = arith.constant 2 : i32
          %get3A_603 = arith.index_cast %get3A_602 : i32 to index
          %get3A_604 = arith.index_cast %scan3A_601 : i32 to index
          %get3A_605 = arith.constant 0 : index
          %get3A_606 = tpu.vector_load %arg8[%get3A_603, %get3A_604, %get3A_605] {strides = array<i32>} : memref<6x128x64xf32, #tpu.memory_space<vmem>>, vector<1x1x16xf32>,
          %get3A_607 = vector.shape_cast %get3A_606 : vector<1x1x16xf32> to vector<16xf32>
          %add3A_608 = arith.addf %add3A_578, %get3A_607 : vector<16xf32>
          %get3A_609 = arith.constant 2 : i32
          %get3A_610 = arith.index_cast %get3A_609 : i32 to index
          %get3A_611 = arith.index_cast %scan3A_601 : i32 to index
          %get3A_612 = arith.constant 16 : index
          %get3A_613 = tpu.vector_load %arg8[%get3A_610, %get3A_611, %get3A_612] {strides = array<i32>} : memref<6x128x64xf32, #tpu.memory_space<vmem>>, vector<1x1x16xf32>,
          %get3A_614 = vector.shape_cast %get3A_613 : vector<1x1x16xf32> to vector<16xf32>
          %add3A_615 = arith.addf %add3A_585, %get3A_614 : vector<16xf32>
          %get3A_616 = arith.constant 2 : i32
          %get3A_617 = arith.index_cast %get3A_616 : i32 to index
          %get3A_618 = arith.index_cast %scan3A_601 : i32 to index
          %get3A_619 = arith.constant 32 : index
          %get3A_620 = tpu.vector_load %arg8[%get3A_617, %get3A_618, %get3A_619] {strides = array<i32>} : memref<6x128x64xf32, #tpu.memory_space<vmem>>, vector<1x1x16xf32>,
          %get3A_621 = vector.shape_cast %get3A_620 : vector<1x1x16xf32> to vector<16xf32>
          %add3A_622 = arith.addf %add3A_592, %get3A_621 : vector<16xf32>
          %get3A_623 = arith.constant 2 : i32
          %get3A_624 = arith.index_cast %get3A_623 : i32 to index
          %get3A_625 = arith.index_cast %scan3A_601 : i32 to index
          %get3A_626 = arith.constant 48 : index
          %get3A_627 = tpu.vector_load %arg8[%get3A_624, %get3A_625, %get3A_626] {strides = array<i32>} : memref<6x128x64xf32, #tpu.memory_space<vmem>>, vector<1x1x16xf32>,
          %get3A_628 = vector.shape_cast %get3A_627 : vector<1x1x16xf32> to vector<16xf32>
          %add3A_629 = arith.addf %add3A_599, %get3A_628 : vector<16xf32>
          %scan3A_630 = arith.constant 3 : i32
          %scan3A_631 = arith.addi %scan3A_537, %scan3A_630 : i32
          %get3A_632 = arith.constant 2 : i32
          %get3A_633 = arith.index_cast %get3A_632 : i32 to index
          %get3A_634 = arith.index_cast %scan3A_631 : i32 to index
          %get3A_635 = arith.constant 0 : index
          %get3A_636 = tpu.vector_load %arg8[%get3A_633, %get3A_634, %get3A_635] {strides = array<i32>} : memref<6x128x64xf32, #tpu.memory_space<vmem>>, vector<1x1x16xf32>,
          %get3A_637 = vector.shape_cast %get3A_636 : vector<1x1x16xf32> to vector<16xf32>
          %add3A_638 = arith.addf %add3A_608, %get3A_637 : vector<16xf32>
          %get3A_639 = arith.constant 2 : i32
          %get3A_640 = arith.index_cast %get3A_639 : i32 to index
          %get3A_641 = arith.index_cast %scan3A_631 : i32 to index
          %get3A_642 = arith.constant 16 : index
          %get3A_643 = tpu.vector_load %arg8[%get3A_640, %get3A_641, %get3A_642] {strides = array<i32>} : memref<6x128x64xf32, #tpu.memory_space<vmem>>, vector<1x1x16xf32>,
          %get3A_644 = vector.shape_cast %get3A_643 : vector<1x1x16xf32> to vector<16xf32>
          %add3A_645 = arith.addf %add3A_615, %get3A_644 : vector<16xf32>
          %get3A_646 = arith.constant 2 : i32
          %get3A_647 = arith.index_cast %get3A_646 : i32 to index
          %get3A_648 = arith.index_cast %scan3A_631 : i32 to index
          %get3A_649 = arith.constant 32 : index
          %get3A_650 = tpu.vector_load %arg8[%get3A_647, %get3A_648, %get3A_649] {strides = array<i32>} : memref<6x128x64xf32, #tpu.memory_space<vmem>>, vector<1x1x16xf32>,
          %get3A_651 = vector.shape_cast %get3A_650 : vector<1x1x16xf32> to vector<16xf32>
          %add3A_652 = arith.addf %add3A_622, %get3A_651 : vector<16xf32>
          %get3A_653 = arith.constant 2 : i32
          %get3A_654 = arith.index_cast %get3A_653 : i32 to index
          %get3A_655 = arith.index_cast %scan3A_631 : i32 to index
          %get3A_656 = arith.constant 48 : index
          %get3A_657 = tpu.vector_load %arg8[%get3A_654, %get3A_655, %get3A_656] {strides = array<i32>} : memref<6x128x64xf32, #tpu.memory_space<vmem>>, vector<1x1x16xf32>,
          %get3A_658 = vector.shape_cast %get3A_657 : vector<1x1x16xf32> to vector<16xf32>
          %add3A_659 = arith.addf %add3A_629, %get3A_658 : vector<16xf32>
          %scan3A_660 = arith.constant 4 : i32
          %scan3A_661 = arith.addi %scan3A_537, %scan3A_660 : i32
          %get3A_662 = arith.constant 2 : i32
          %get3A_663 = arith.index_cast %get3A_662 : i32 to index
          %get3A_664 = arith.index_cast %scan3A_661 : i32 to index
          %get3A_665 = arith.constant 0 : index
          %get3A_666 = tpu.vector_load %arg8[%get3A_663, %get3A_664, %get3A_665] {strides = array<i32>} : memref<6x128x64xf32, #tpu.memory_space<vmem>>, vector<1x1x16xf32>,
          %get3A_667 = vector.shape_cast %get3A_666 : vector<1x1x16xf32> to vector<16xf32>
          %add3A_668 = arith.addf %add3A_638, %get3A_667 : vector<16xf32>
          %get3A_669 = arith.constant 2 : i32
          %get3A_670 = arith.index_cast %get3A_669 : i32 to index
          %get3A_671 = arith.index_cast %scan3A_661 : i32 to index
          %get3A_672 = arith.constant 16 : index
          %get3A_673 = tpu.vector_load %arg8[%get3A_670, %get3A_671, %get3A_672] {strides = array<i32>} : memref<6x128x64xf32, #tpu.memory_space<vmem>>, vector<1x1x16xf32>,
          %get3A_674 = vector.shape_cast %get3A_673 : vector<1x1x16xf32> to vector<16xf32>
          %add3A_675 = arith.addf %add3A_645, %get3A_674 : vector<16xf32>
          %get3A_676 = arith.constant 2 : i32
          %get3A_677 = arith.index_cast %get3A_676 : i32 to index
          %get3A_678 = arith.index_cast %scan3A_661 : i32 to index
          %get3A_679 = arith.constant 32 : index
          %get3A_680 = tpu.vector_load %arg8[%get3A_677, %get3A_678, %get3A_679] {strides = array<i32>} : memref<6x128x64xf32, #tpu.memory_space<vmem>>, vector<1x1x16xf32>,
          %get3A_681 = vector.shape_cast %get3A_680 : vector<1x1x16xf32> to vector<16xf32>
          %add3A_682 = arith.addf %add3A_652, %get3A_681 : vector<16xf32>
          %get3A_683 = arith.constant 2 : i32
          %get3A_684 = arith.index_cast %get3A_683 : i32 to index
          %get3A_685 = arith.index_cast %scan3A_661 : i32 to index
          %get3A_686 = arith.constant 48 : index
          %get3A_687 = tpu.vector_load %arg8[%get3A_684, %get3A_685, %get3A_686] {strides = array<i32>} : memref<6x128x64xf32, #tpu.memory_space<vmem>>, vector<1x1x16xf32>,
          %get3A_688 = vector.shape_cast %get3A_687 : vector<1x1x16xf32> to vector<16xf32>
          %add3A_689 = arith.addf %add3A_659, %get3A_688 : vector<16xf32>
          %scan3A_690 = arith.constant 5 : i32
          %scan3A_691 = arith.addi %scan3A_537, %scan3A_690 : i32
          %get3A_692 = arith.constant 2 : i32
          %get3A_693 = arith.index_cast %get3A_692 : i32 to index
          %get3A_694 = arith.index_cast %scan3A_691 : i32 to index
          %get3A_695 = arith.constant 0 : index
          %get3A_696 = tpu.vector_load %arg8[%get3A_693, %get3A_694, %get3A_695] {strides = array<i32>} : memref<6x128x64xf32, #tpu.memory_space<vmem>>, vector<1x1x16xf32>,
          %get3A_697 = vector.shape_cast %get3A_696 : vector<1x1x16xf32> to vector<16xf32>
          %add3A_698 = arith.addf %add3A_668, %get3A_697 : vector<16xf32>
          %get3A_699 = arith.constant 2 : i32
          %get3A_700 = arith.index_cast %get3A_699 : i32 to index
          %get3A_701 = arith.index_cast %scan3A_691 : i32 to index
          %get3A_702 = arith.constant 16 : index
          %get3A_703 = tpu.vector_load %arg8[%get3A_700, %get3A_701, %get3A_702] {strides = array<i32>} : memref<6x128x64xf32, #tpu.memory_space<vmem>>, vector<1x1x16xf32>,
          %get3A_704 = vector.shape_cast %get3A_703 : vector<1x1x16xf32> to vector<16xf32>
          %add3A_705 = arith.addf %add3A_675, %get3A_704 : vector<16xf32>
          %get3A_706 = arith.constant 2 : i32
          %get3A_707 = arith.index_cast %get3A_706 : i32 to index
          %get3A_708 = arith.index_cast %scan3A_691 : i32 to index
          %get3A_709 = arith.constant 32 : index
          %get3A_710 = tpu.vector_load %arg8[%get3A_707, %get3A_708, %get3A_709] {strides = array<i32>} : memref<6x128x64xf32, #tpu.memory_space<vmem>>, vector<1x1x16xf32>,
          %get3A_711 = vector.shape_cast %get3A_710 : vector<1x1x16xf32> to vector<16xf32>
          %add3A_712 = arith.addf %add3A_682, %get3A_711 : vector<16xf32>
          %get3A_713 = arith.constant 2 : i32
          %get3A_714 = arith.index_cast %get3A_713 : i32 to index
          %get3A_715 = arith.index_cast %scan3A_691 : i32 to index
          %get3A_716 = arith.constant 48 : index
          %get3A_717 = tpu.vector_load %arg8[%get3A_714, %get3A_715, %get3A_716] {strides = array<i32>} : memref<6x128x64xf32, #tpu.memory_space<vmem>>, vector<1x1x16xf32>,
          %get3A_718 = vector.shape_cast %get3A_717 : vector<1x1x16xf32> to vector<16xf32>
          %add3A_719 = arith.addf %add3A_689, %get3A_718 : vector<16xf32>
          %scan3A_720 = arith.constant 6 : i32
          %scan3A_721 = arith.addi %scan3A_537, %scan3A_720 : i32
          %get3A_722 = arith.constant 2 : i32
          %get3A_723 = arith.index_cast %get3A_722 : i32 to index
          %get3A_724 = arith.index_cast %scan3A_721 : i32 to index
          %get3A_725 = arith.constant 0 : index
          %get3A_726 = tpu.vector_load %arg8[%get3A_723, %get3A_724, %get3A_725] {strides = array<i32>} : memref<6x128x64xf32, #tpu.memory_space<vmem>>, vector<1x1x16xf32>,
          %get3A_727 = vector.shape_cast %get3A_726 : vector<1x1x16xf32> to vector<16xf32>
          %add3A_728 = arith.addf %add3A_698, %get3A_727 : vector<16xf32>
          %get3A_729 = arith.constant 2 : i32
          %get3A_730 = arith.index_cast %get3A_729 : i32 to index
          %get3A_731 = arith.index_cast %scan3A_721 : i32 to index
          %get3A_732 = arith.constant 16 : index
          %get3A_733 = tpu.vector_load %arg8[%get3A_730, %get3A_731, %get3A_732] {strides = array<i32>} : memref<6x128x64xf32, #tpu.memory_space<vmem>>, vector<1x1x16xf32>,
          %get3A_734 = vector.shape_cast %get3A_733 : vector<1x1x16xf32> to vector<16xf32>
          %add3A_735 = arith.addf %add3A_705, %get3A_734 : vector<16xf32>
          %get3A_736 = arith.constant 2 : i32
          %get3A_737 = arith.index_cast %get3A_736 : i32 to index
          %get3A_738 = arith.index_cast %scan3A_721 : i32 to index
          %get3A_739 = arith.constant 32 : index
          %get3A_740 = tpu.vector_load %arg8[%get3A_737, %get3A_738, %get3A_739] {strides = array<i32>} : memref<6x128x64xf32, #tpu.memory_space<vmem>>, vector<1x1x16xf32>,
          %get3A_741 = vector.shape_cast %get3A_740 : vector<1x1x16xf32> to vector<16xf32>
          %add3A_742 = arith.addf %add3A_712, %get3A_741 : vector<16xf32>
          %get3A_743 = arith.constant 2 : i32
          %get3A_744 = arith.index_cast %get3A_743 : i32 to index
          %get3A_745 = arith.index_cast %scan3A_721 : i32 to index
          %get3A_746 = arith.constant 48 : index
          %get3A_747 = tpu.vector_load %arg8[%get3A_744, %get3A_745, %get3A_746] {strides = array<i32>} : memref<6x128x64xf32, #tpu.memory_space<vmem>>, vector<1x1x16xf32>,
          %get3A_748 = vector.shape_cast %get3A_747 : vector<1x1x16xf32> to vector<16xf32>
          %add3A_749 = arith.addf %add3A_719, %get3A_748 : vector<16xf32>
          %scan3A_750 = arith.constant 7 : i32
          %scan3A_751 = arith.addi %scan3A_537, %scan3A_750 : i32
          %get3A_752 = arith.constant 2 : i32
          %get3A_753 = arith.index_cast %get3A_752 : i32 to index
          %get3A_754 = arith.index_cast %scan3A_751 : i32 to index
          %get3A_755 = arith.constant 0 : index
          %get3A_756 = tpu.vector_load %arg8[%get3A_753, %get3A_754, %get3A_755] {strides = array<i32>} : memref<6x128x64xf32, #tpu.memory_space<vmem>>, vector<1x1x16xf32>,
          %get3A_757 = vector.shape_cast %get3A_756 : vector<1x1x16xf32> to vector<16xf32>
          %add3A_758 = arith.addf %add3A_728, %get3A_757 : vector<16xf32>
          %get3A_759 = arith.constant 2 : i32
          %get3A_760 = arith.index_cast %get3A_759 : i32 to index
          %get3A_761 = arith.index_cast %scan3A_751 : i32 to index
          %get3A_762 = arith.constant 16 : index
          %get3A_763 = tpu.vector_load %arg8[%get3A_760, %get3A_761, %get3A_762] {strides = array<i32>} : memref<6x128x64xf32, #tpu.memory_space<vmem>>, vector<1x1x16xf32>,
          %get3A_764 = vector.shape_cast %get3A_763 : vector<1x1x16xf32> to vector<16xf32>
          %add3A_765 = arith.addf %add3A_735, %get3A_764 : vector<16xf32>
          %get3A_766 = arith.constant 2 : i32
          %get3A_767 = arith.index_cast %get3A_766 : i32 to index
          %get3A_768 = arith.index_cast %scan3A_751 : i32 to index
          %get3A_769 = arith.constant 32 : index
          %get3A_770 = tpu.vector_load %arg8[%get3A_767, %get3A_768, %get3A_769] {strides = array<i32>} : memref<6x128x64xf32, #tpu.memory_space<vmem>>, vector<1x1x16xf32>,
          %get3A_771 = vector.shape_cast %get3A_770 : vector<1x1x16xf32> to vector<16xf32>
          %add3A_772 = arith.addf %add3A_742, %get3A_771 : vector<16xf32>
          %get3A_773 = arith.constant 2 : i32
          %get3A_774 = arith.index_cast %get3A_773 : i32 to index
          %get3A_775 = arith.index_cast %scan3A_751 : i32 to index
          %get3A_776 = arith.constant 48 : index
          %get3A_777 = tpu.vector_load %arg8[%get3A_774, %get3A_775, %get3A_776] {strides = array<i32>} : memref<6x128x64xf32, #tpu.memory_space<vmem>>, vector<1x1x16xf32>,
          %get3A_778 = vector.shape_cast %get3A_777 : vector<1x1x16xf32> to vector<16xf32>
          %add3A_779 = arith.addf %add3A_749, %get3A_778 : vector<16xf32>
          scf.yield %add3A_758, %add3A_765, %add3A_772, %add3A_779 : vector<16xf32>, vector<16xf32>, vector<16xf32>, vector<16xf32>
        }
        %scan3A_496 = arith.constant 128 : i32
        %get3A_497 = arith.index_cast %squeeze3A_344 : i32 to index
        %get3A_498 = arith.constant 0 : index
        %get3A_499 = tpu.vector_load %arg11[%get3A_497, %get3A_498] {strides = array<i32>} : memref<256x64xf32, #tpu.memory_space<vmem>>, vector<1x16xf32>,
        %get3A_500 = vector.shape_cast %get3A_499 : vector<1x16xf32> to vector<16xf32>
        %add3A_501 = arith.addf %get3A_500, %scan3A_495#0 : vector<16xf32>
        %swap3A_502 = arith.index_cast %squeeze3A_344 : i32 to index
        %swap3A_503 = arith.constant 0 : index
        %swap3A_504 = tpu.vector_load %arg11[%swap3A_502, %swap3A_503] {strides = array<i32>} : memref<256x64xf32, #tpu.memory_space<vmem>>, vector<1x16xf32>,
        %swap3A_505 = vector.shape_cast %swap3A_504 : vector<1x16xf32> to vector<16xf32>
        %swap3A_506 = vector.shape_cast %add3A_501 : vector<16xf32> to vector<1x16xf32>
        tpu.vector_store %arg11[%swap3A_502, %swap3A_503], %swap3A_506 {strides = array<i32>} : memref<256x64xf32, #tpu.memory_space<vmem>>, vector<1x16xf32>,
        %get3A_507 = arith.index_cast %squeeze3A_344 : i32 to index
        %get3A_508 = arith.constant 16 : index
        %get3A_509 = tpu.vector_load %arg11[%get3A_507, %get3A_508] {strides = array<i32>} : memref<256x64xf32, #tpu.memory_space<vmem>>, vector<1x16xf32>,
        %get3A_510 = vector.shape_cast %get3A_509 : vector<1x16xf32> to vector<16xf32>
        %add3A_511 = arith.addf %get3A_510, %scan3A_495#1 : vector<16xf32>
        %swap3A_512 = arith.index_cast %squeeze3A_344 : i32 to index
        %swap3A_513 = arith.constant 16 : index
        %swap3A_514 = tpu.vector_load %arg11[%swap3A_512, %swap3A_513] {strides = array<i32>} : memref<256x64xf32, #tpu.memory_space<vmem>>, vector<1x16xf32>,
        %swap3A_515 = vector.shape_cast %swap3A_514 : vector<1x16xf32> to vector<16xf32>
        %swap3A_516 = vector.shape_cast %add3A_511 : vector<16xf32> to vector<1x16xf32>
        tpu.vector_store %arg11[%swap3A_512, %swap3A_513], %swap3A_516 {strides = array<i32>} : memref<256x64xf32, #tpu.memory_space<vmem>>, vector<1x16xf32>,
        %get3A_517 = arith.index_cast %squeeze3A_344 : i32 to index
        %get3A_518 = arith.constant 32 : index
        %get3A_519 = tpu.vector_load %arg11[%get3A_517, %get3A_518] {strides = array<i32>} : memref<256x64xf32, #tpu.memory_space<vmem>>, vector<1x16xf32>,
        %get3A_520 = vector.shape_cast %get3A_519 : vector<1x16xf32> to vector<16xf32>
        %add3A_521 = arith.addf %get3A_520, %scan3A_495#2 : vector<16xf32>
        %swap3A_522 = arith.index_cast %squeeze3A_344 : i32 to index
        %swap3A_523 = arith.constant 32 : index
        %swap3A_524 = tpu.vector_load %arg11[%swap3A_522, %swap3A_523] {strides = array<i32>} : memref<256x64xf32, #tpu.memory_space<vmem>>, vector<1x16xf32>,
        %swap3A_525 = vector.shape_cast %swap3A_524 : vector<1x16xf32> to vector<16xf32>
        %swap3A_526 = vector.shape_cast %add3A_521 : vector<16xf32> to vector<1x16xf32>
        tpu.vector_store %arg11[%swap3A_522, %swap3A_523], %swap3A_526 {strides = array<i32>} : memref<256x64xf32, #tpu.memory_space<vmem>>, vector<1x16xf32>,
        %get3A_527 = arith.index_cast %squeeze3A_344 : i32 to index
        %get3A_528 = arith.constant 48 : index
        %get3A_529 = tpu.vector_load %arg11[%get3A_527, %get3A_528] {strides = array<i32>} : memref<256x64xf32, #tpu.memory_space<vmem>>, vector<1x16xf32>,
        %get3A_530 = vector.shape_cast %get3A_529 : vector<1x16xf32> to vector<16xf32>
        %add3A_531 = arith.addf %get3A_530, %scan3A_495#3 : vector<16xf32>
        %swap3A_532 = arith.index_cast %squeeze3A_344 : i32 to index
        %swap3A_533 = arith.constant 48 : index
        %swap3A_534 = tpu.vector_load %arg11[%swap3A_532, %swap3A_533] {strides = array<i32>} : memref<256x64xf32, #tpu.memory_space<vmem>>, vector<1x16xf32>,
        %swap3A_535 = vector.shape_cast %swap3A_534 : vector<1x16xf32> to vector<16xf32>
        %swap3A_536 = vector.shape_cast %add3A_531 : vector<16xf32> to vector<1x16xf32>
        tpu.vector_store %arg11[%swap3A_532, %swap3A_533], %swap3A_536 {strides = array<i32>} : memref<256x64xf32, #tpu.memory_space<vmem>>, vector<1x16xf32>,
      } else {
      }
      %ne3A_351 = arith.cmpi ne, %squeeze3A_344, %squeeze3A_346 : i32
      %convert_element_type3A_352 = arith.extui %ne3A_351 : i1 to i32
      %cond3A_353 = arith.constant 0 : i32
      %cond3A_354 = arith.cmpi ne, %convert_element_type3A_352, %cond3A_353 : i32
      scf.if %cond3A_354 {
        %run_scoped3A = arith.constant 2 : i32
        "tpu.region"() ({
          %run_scoped3A_483 = tpu.sem_alloc : memref<!tpu.dma_semaphore, #tpu.memory_space<semaphore_mem>>
          %dma_start3A_484 = arith.constant 0 : i32
          %dma_start3A_485 = arith.constant 0 : i32
          %dma_start3A_486 = tpu.memref_slice %arg8[%run_scoped3A, %dma_start3A_484, %dma_start3A_485] : memref<6x128x64xf32, #tpu.memory_space<vmem>> -> memref<1x128x64xf32, #tpu.memory_space<vmem>>
          %dma_start3A_487 = tpu.memref_squeeze %dma_start3A_486 : memref<1x128x64xf32, #tpu.memory_space<vmem>> -> memref<128x64xf32, #tpu.memory_space<vmem>>
          %dma_start3A_488 = arith.constant 0 : i32
          %dma_start3A_489 = tpu.memref_slice %arg5[%add3A_323, %dma_start3A_488] : memref<48x128xi32, #tpu.memory_space<vmem>> -> memref<1x128xi32, #tpu.memory_space<vmem>>
          %dma_start3A_490 = tpu.memref_squeeze %dma_start3A_489 : memref<1x128xi32, #tpu.memory_space<vmem>> -> memref<128xi32, #tpu.memory_space<vmem>>
          %dma_start3A_491 = arith.constant 0 : i32
          %dma_start3A_492 = arith.constant 0 : i32
          %dma_start3A_493 = tpu.memref_slice %arg14[%dma_start3A_491, %dma_start3A_492] : memref<256x64xf32, #tpu.memory_space<vmem_shared>> -> memref<256x64xf32, #tpu.memory_space<vmem_shared>>
          tpu.enqueue_indirect_dma source(%dma_start3A_487 : memref<128x64xf32, #tpu.memory_space<vmem>>) target(%dma_start3A_493 : memref<256x64xf32, #tpu.memory_space<vmem_shared>>) offsets(%dma_start3A_490 : memref<128xi32, #tpu.memory_space<vmem>>) semaphore(%run_scoped3A_483 : memref<!tpu.dma_semaphore, #tpu.memory_space<semaphore_mem>>) {add = true}
          %dma_wait3A_494 = arith.constant 0 : i32
          %dma_wait3A_495 = arith.constant 0 : i32
          %dma_wait3A_496 = tpu.memref_slice %arg8[%run_scoped3A, %dma_wait3A_494, %dma_wait3A_495] : memref<6x128x64xf32, #tpu.memory_space<vmem>> -> memref<1x128x64xf32, #tpu.memory_space<vmem>>
          %dma_wait3A_497 = tpu.memref_squeeze %dma_wait3A_496 : memref<1x128x64xf32, #tpu.memory_space<vmem>> -> memref<128x64xf32, #tpu.memory_space<vmem>>
          %dma_wait3A_498 = arith.constant 0 : i32
          %dma_wait3A_499 = tpu.memref_slice %arg5[%add3A_323, %dma_wait3A_498] : memref<48x128xi32, #tpu.memory_space<vmem>> -> memref<1x128xi32, #tpu.memory_space<vmem>>
          %dma_wait3A_500 = tpu.memref_squeeze %dma_wait3A_499 : memref<1x128xi32, #tpu.memory_space<vmem>> -> memref<128xi32, #tpu.memory_space<vmem>>
          %dma_wait3A_501 = arith.constant 0 : i32
          %dma_wait3A_502 = arith.constant 0 : i32
          %dma_wait3A_503 = tpu.memref_slice %arg14[%dma_wait3A_501, %dma_wait3A_502] : memref<256x64xf32, #tpu.memory_space<vmem_shared>> -> memref<256x64xf32, #tpu.memory_space<vmem_shared>>
          tpu.wait_indirect_dma semaphore(%run_scoped3A_483 : memref<!tpu.dma_semaphore, #tpu.memory_space<semaphore_mem>>) src(%dma_wait3A_497 : memref<128x64xf32, #tpu.memory_space<vmem>>) dst(%dma_wait3A_503 : memref<256x64xf32, #tpu.memory_space<vmem_shared>>)
          tpu.yield
        }) : () -> ()
      } else {
      }
      %add3A_355 = arith.constant 6 : i32
      %add3A_356 = arith.addi %add3A_323, %add3A_355 : i32
      %lt3A_357 = arith.constant 48 : i32
      %lt3A_358 = arith.cmpi slt, %add3A_356, %lt3A_357 : i32
      %convert_element_type3A_359 = arith.extui %lt3A_358 : i1 to i32
      %cond3A_360 = arith.constant 0 : i32
      %cond3A_361 = arith.cmpi ne, %convert_element_type3A_359, %cond3A_360 : i32
      scf.if %cond3A_361 {
        %add3A_483 = arith.constant 6 : i32
        %add3A_484 = arith.addi %add3A_323, %add3A_483 : i32
        %mul3A_485 = arith.constant 128 : i32
        %mul3A_486 = arith.muli %add3A_484, %mul3A_485 : i32
        %add3A_487 = arith.addi %mul3A_2, %mul3A_486 : i32
        %dma_start3A_488 = arith.constant 2 : i32
        %dma_start3A_489 = arith.constant 0 : i32
        %dma_start3A_490 = arith.constant 0 : i32
        %dma_start3A_491 = tpu.memref_slice %arg8[%dma_start3A_488, %dma_start3A_489, %dma_start3A_490] : memref<6x128x64xf32, #tpu.memory_space<vmem>> -> memref<1x128x64xf32, #tpu.memory_space<vmem>>
        %dma_start3A_492 = tpu.memref_squeeze %dma_start3A_491 : memref<1x128x64xf32, #tpu.memory_space<vmem>> -> memref<128x64xf32, #tpu.memory_space<vmem>>
        %dma_start3A_493 = tpu.memref_slice %arg2[%add3A_487, %mul3A_0] : memref<100000x128xf32, #tpu.memory_space<hbm>> -> memref<128x64xf32, #tpu.memory_space<hbm>>
        %dma_start3A_494 = arith.constant 0 : i32
        %dma_start3A_495 = arith.constant 0 : i32
        %dma_start3A_496 = tpu.memref_slice %arg8[%dma_start3A_488, %dma_start3A_494, %dma_start3A_495] : memref<6x128x64xf32, #tpu.memory_space<vmem>> -> memref<1x128x64xf32, #tpu.memory_space<vmem>>
        %dma_start3A_497 = tpu.memref_squeeze %dma_start3A_496 : memref<1x128x64xf32, #tpu.memory_space<vmem>> -> memref<128x64xf32, #tpu.memory_space<vmem>>
        %dma_start3A_498 = tpu.memref_slice %arg2[%add3A_487, %mul3A_0] : memref<100000x128xf32, #tpu.memory_space<hbm>> -> memref<128x64xf32, #tpu.memory_space<hbm>>
        tpu.enqueue_dma source(%dma_start3A_498 : memref<128x64xf32, #tpu.memory_space<hbm>>) target(%dma_start3A_497 : memref<128x64xf32, #tpu.memory_space<vmem>>) target_semaphore(%arg18 : memref<!tpu.dma_semaphore, #tpu.memory_space<semaphore_mem>>)
      } else {
      }
      %add3A_362 = arith.constant 3 : i32
      %add3A_363 = arith.addi %mul3A_246, %add3A_362 : i32
      %dma_wait3A_364 = arith.constant 3 : i32
      %dma_wait3A_365 = arith.constant 0 : i32
      %dma_wait3A_366 = arith.constant 0 : i32
      %dma_wait3A_367 = tpu.memref_slice %arg8[%dma_wait3A_364, %dma_wait3A_365, %dma_wait3A_366] : memref<6x128x64xf32, #tpu.memory_space<vmem>> -> memref<1x128x64xf32, #tpu.memory_space<vmem>>
      %dma_wait3A_368 = tpu.memref_squeeze %dma_wait3A_367 : memref<1x128x64xf32, #tpu.memory_space<vmem>> -> memref<128x64xf32, #tpu.memory_space<vmem>>
      %dma_wait3A_369 = tpu.memref_slice %arg2[%mul3A_2, %mul3A_0] : memref<100000x128xf32, #tpu.memory_space<hbm>> -> memref<128x64xf32, #tpu.memory_space<hbm>>
      %dma_wait3A_370 = arith.constant 0 : i32
      %dma_wait3A_371 = arith.constant 0 : i32
      %dma_wait3A_372 = tpu.memref_slice %arg8[%dma_wait3A_364, %dma_wait3A_370, %dma_wait3A_371] : memref<6x128x64xf32, #tpu.memory_space<vmem>> -> memref<1x128x64xf32, #tpu.memory_space<vmem>>
      %dma_wait3A_373 = tpu.memref_squeeze %dma_wait3A_372 : memref<1x128x64xf32, #tpu.memory_space<vmem>> -> memref<128x64xf32, #tpu.memory_space<vmem>>
      %dma_wait3A_374 = tpu.memref_slice %arg2[%mul3A_2, %mul3A_0] : memref<100000x128xf32, #tpu.memory_space<hbm>> -> memref<128x64xf32, #tpu.memory_space<hbm>>
      tpu.wait_dma2 semaphore(%arg19 : memref<!tpu.dma_semaphore, #tpu.memory_space<semaphore_mem>>) src(%dma_wait3A_374 : memref<128x64xf32, #tpu.memory_space<hbm>>) dst(%dma_wait3A_373 : memref<128x64xf32, #tpu.memory_space<vmem>>)
      %get3A_375 = arith.index_cast %add3A_363 : i32 to index
      %get3A_376 = arith.constant 0 : index
      %get3A_377 = tpu.vector_load %arg5[%get3A_375, %get3A_376] {strides = array<i32>} : memref<48x128xi32, #tpu.memory_space<vmem>>, vector<1x16xi32>,
      %get3A_378 = vector.shape_cast %get3A_377 : vector<1x16xi32> to vector<16xi32>
      %get3A_379 = arith.index_cast %add3A_363 : i32 to index
      %get3A_380 = arith.constant 112 : index
      %get3A_381 = tpu.vector_load %arg5[%get3A_379, %get3A_380] {strides = array<i32>} : memref<48x128xi32, #tpu.memory_space<vmem>>, vector<1x16xi32>,
      %get3A_382 = vector.shape_cast %get3A_381 : vector<1x16xi32> to vector<16xi32>
      %slice3A_383 = vector.extract_strided_slice %get3A_378 {offsets = [0], sizes = [1], strides = [1]} : vector<16xi32> to vector<1xi32>
      %squeeze3A_384 = vector.extract %slice3A_383[0] : i32 from vector<1xi32>
      %slice3A_385 = vector.extract_strided_slice %get3A_382 {offsets = [15], sizes = [1], strides = [1]} : vector<16xi32> to vector<1xi32>
      %squeeze3A_386 = vector.extract %slice3A_385[0] : i32 from vector<1xi32>
      %eq3A_387 = arith.cmpi eq, %squeeze3A_384, %squeeze3A_386 : i32
      %convert_element_type3A_388 = arith.extui %eq3A_387 : i1 to i32
      %cond3A_389 = arith.constant 0 : i32
      %cond3A_390 = arith.cmpi ne, %convert_element_type3A_388, %cond3A_389 : i32
      scf.if %cond3A_390 {
        %broadcast_in_dim3A_483 = arith.constant 0.000000e+00 : f32
        %broadcast_in_dim3A_484 = vector.broadcast %broadcast_in_dim3A_483 : f32 to vector<16xf32>
        %broadcast_in_dim3A_485 = arith.constant 0.000000e+00 : f32
        %broadcast_in_dim3A_486 = vector.broadcast %broadcast_in_dim3A_485 : f32 to vector<16xf32>
        %broadcast_in_dim3A_487 = arith.constant 0.000000e+00 : f32
        %broadcast_in_dim3A_488 = vector.broadcast %broadcast_in_dim3A_487 : f32 to vector<16xf32>
        %broadcast_in_dim3A_489 = arith.constant 0.000000e+00 : f32
        %broadcast_in_dim3A_490 = vector.broadcast %broadcast_in_dim3A_489 : f32 to vector<16xf32>
        %scan3A_491 = arith.constant 0 : i32
        %scan3A_492 = arith.constant 128 : i32
        %scan3A_493 = arith.addi %scan3A_491, %scan3A_492 : i32
        %scan3A_494 = arith.constant 8 : i32
        %scan3A_495:4 = scf.for %scan3A_537 = %scan3A_491 to %scan3A_493 step %scan3A_494 iter_args(%scan3A_538 = %broadcast_in_dim3A_484, %scan3A_539 = %broadcast_in_dim3A_486, %scan3A_540 = %broadcast_in_dim3A_488, %scan3A_541 = %broadcast_in_dim3A_490) -> (vector<16xf32>, vector<16xf32>, vector<16xf32>, vector<16xf32>)  : i32 {
          %get3A_542 = arith.constant 3 : i32
          %get3A_543 = arith.index_cast %get3A_542 : i32 to index
          %get3A_544 = arith.index_cast %scan3A_537 : i32 to index
          %get3A_545 = arith.constant 0 : index
          %get3A_546 = tpu.vector_load %arg8[%get3A_543, %get3A_544, %get3A_545] {strides = array<i32>} : memref<6x128x64xf32, #tpu.memory_space<vmem>>, vector<1x1x16xf32>,
          %get3A_547 = vector.shape_cast %get3A_546 : vector<1x1x16xf32> to vector<16xf32>
          %add3A_548 = arith.addf %scan3A_538, %get3A_547 : vector<16xf32>
          %get3A_549 = arith.constant 3 : i32
          %get3A_550 = arith.index_cast %get3A_549 : i32 to index
          %get3A_551 = arith.index_cast %scan3A_537 : i32 to index
          %get3A_552 = arith.constant 16 : index
          %get3A_553 = tpu.vector_load %arg8[%get3A_550, %get3A_551, %get3A_552] {strides = array<i32>} : memref<6x128x64xf32, #tpu.memory_space<vmem>>, vector<1x1x16xf32>,
          %get3A_554 = vector.shape_cast %get3A_553 : vector<1x1x16xf32> to vector<16xf32>
          %add3A_555 = arith.addf %scan3A_539, %get3A_554 : vector<16xf32>
          %get3A_556 = arith.constant 3 : i32
          %get3A_557 = arith.index_cast %get3A_556 : i32 to index
          %get3A_558 = arith.index_cast %scan3A_537 : i32 to index
          %get3A_559 = arith.constant 32 : index
          %get3A_560 = tpu.vector_load %arg8[%get3A_557, %get3A_558, %get3A_559] {strides = array<i32>} : memref<6x128x64xf32, #tpu.memory_space<vmem>>, vector<1x1x16xf32>,
          %get3A_561 = vector.shape_cast %get3A_560 : vector<1x1x16xf32> to vector<16xf32>
          %add3A_562 = arith.addf %scan3A_540, %get3A_561 : vector<16xf32>
          %get3A_563 = arith.constant 3 : i32
          %get3A_564 = arith.index_cast %get3A_563 : i32 to index
          %get3A_565 = arith.index_cast %scan3A_537 : i32 to index
          %get3A_566 = arith.constant 48 : index
          %get3A_567 = tpu.vector_load %arg8[%get3A_564, %get3A_565, %get3A_566] {strides = array<i32>} : memref<6x128x64xf32, #tpu.memory_space<vmem>>, vector<1x1x16xf32>,
          %get3A_568 = vector.shape_cast %get3A_567 : vector<1x1x16xf32> to vector<16xf32>
          %add3A_569 = arith.addf %scan3A_541, %get3A_568 : vector<16xf32>
          %scan3A_570 = arith.constant 1 : i32
          %scan3A_571 = arith.addi %scan3A_537, %scan3A_570 : i32
          %get3A_572 = arith.constant 3 : i32
          %get3A_573 = arith.index_cast %get3A_572 : i32 to index
          %get3A_574 = arith.index_cast %scan3A_571 : i32 to index
          %get3A_575 = arith.constant 0 : index
          %get3A_576 = tpu.vector_load %arg8[%get3A_573, %get3A_574, %get3A_575] {strides = array<i32>} : memref<6x128x64xf32, #tpu.memory_space<vmem>>, vector<1x1x16xf32>,
          %get3A_577 = vector.shape_cast %get3A_576 : vector<1x1x16xf32> to vector<16xf32>
          %add3A_578 = arith.addf %add3A_548, %get3A_577 : vector<16xf32>
          %get3A_579 = arith.constant 3 : i32
          %get3A_580 = arith.index_cast %get3A_579 : i32 to index
          %get3A_581 = arith.index_cast %scan3A_571 : i32 to index
          %get3A_582 = arith.constant 16 : index
          %get3A_583 = tpu.vector_load %arg8[%get3A_580, %get3A_581, %get3A_582] {strides = array<i32>} : memref<6x128x64xf32, #tpu.memory_space<vmem>>, vector<1x1x16xf32>,
          %get3A_584 = vector.shape_cast %get3A_583 : vector<1x1x16xf32> to vector<16xf32>
          %add3A_585 = arith.addf %add3A_555, %get3A_584 : vector<16xf32>
          %get3A_586 = arith.constant 3 : i32
          %get3A_587 = arith.index_cast %get3A_586 : i32 to index
          %get3A_588 = arith.index_cast %scan3A_571 : i32 to index
          %get3A_589 = arith.constant 32 : index
          %get3A_590 = tpu.vector_load %arg8[%get3A_587, %get3A_588, %get3A_589] {strides = array<i32>} : memref<6x128x64xf32, #tpu.memory_space<vmem>>, vector<1x1x16xf32>,
          %get3A_591 = vector.shape_cast %get3A_590 : vector<1x1x16xf32> to vector<16xf32>
          %add3A_592 = arith.addf %add3A_562, %get3A_591 : vector<16xf32>
          %get3A_593 = arith.constant 3 : i32
          %get3A_594 = arith.index_cast %get3A_593 : i32 to index
          %get3A_595 = arith.index_cast %scan3A_571 : i32 to index
          %get3A_596 = arith.constant 48 : index
          %get3A_597 = tpu.vector_load %arg8[%get3A_594, %get3A_595, %get3A_596] {strides = array<i32>} : memref<6x128x64xf32, #tpu.memory_space<vmem>>, vector<1x1x16xf32>,
          %get3A_598 = vector.shape_cast %get3A_597 : vector<1x1x16xf32> to vector<16xf32>
          %add3A_599 = arith.addf %add3A_569, %get3A_598 : vector<16xf32>
          %scan3A_600 = arith.constant 2 : i32
          %scan3A_601 = arith.addi %scan3A_537, %scan3A_600 : i32
          %get3A_602 = arith.constant 3 : i32
          %get3A_603 = arith.index_cast %get3A_602 : i32 to index
          %get3A_604 = arith.index_cast %scan3A_601 : i32 to index
          %get3A_605 = arith.constant 0 : index
          %get3A_606 = tpu.vector_load %arg8[%get3A_603, %get3A_604, %get3A_605] {strides = array<i32>} : memref<6x128x64xf32, #tpu.memory_space<vmem>>, vector<1x1x16xf32>,
          %get3A_607 = vector.shape_cast %get3A_606 : vector<1x1x16xf32> to vector<16xf32>
          %add3A_608 = arith.addf %add3A_578, %get3A_607 : vector<16xf32>
          %get3A_609 = arith.constant 3 : i32
          %get3A_610 = arith.index_cast %get3A_609 : i32 to index
          %get3A_611 = arith.index_cast %scan3A_601 : i32 to index
          %get3A_612 = arith.constant 16 : index
          %get3A_613 = tpu.vector_load %arg8[%get3A_610, %get3A_611, %get3A_612] {strides = array<i32>} : memref<6x128x64xf32, #tpu.memory_space<vmem>>, vector<1x1x16xf32>,
          %get3A_614 = vector.shape_cast %get3A_613 : vector<1x1x16xf32> to vector<16xf32>
          %add3A_615 = arith.addf %add3A_585, %get3A_614 : vector<16xf32>
          %get3A_616 = arith.constant 3 : i32
          %get3A_617 = arith.index_cast %get3A_616 : i32 to index
          %get3A_618 = arith.index_cast %scan3A_601 : i32 to index
          %get3A_619 = arith.constant 32 : index
          %get3A_620 = tpu.vector_load %arg8[%get3A_617, %get3A_618, %get3A_619] {strides = array<i32>} : memref<6x128x64xf32, #tpu.memory_space<vmem>>, vector<1x1x16xf32>,
          %get3A_621 = vector.shape_cast %get3A_620 : vector<1x1x16xf32> to vector<16xf32>
          %add3A_622 = arith.addf %add3A_592, %get3A_621 : vector<16xf32>
          %get3A_623 = arith.constant 3 : i32
          %get3A_624 = arith.index_cast %get3A_623 : i32 to index
          %get3A_625 = arith.index_cast %scan3A_601 : i32 to index
          %get3A_626 = arith.constant 48 : index
          %get3A_627 = tpu.vector_load %arg8[%get3A_624, %get3A_625, %get3A_626] {strides = array<i32>} : memref<6x128x64xf32, #tpu.memory_space<vmem>>, vector<1x1x16xf32>,
          %get3A_628 = vector.shape_cast %get3A_627 : vector<1x1x16xf32> to vector<16xf32>
          %add3A_629 = arith.addf %add3A_599, %get3A_628 : vector<16xf32>
          %scan3A_630 = arith.constant 3 : i32
          %scan3A_631 = arith.addi %scan3A_537, %scan3A_630 : i32
          %get3A_632 = arith.constant 3 : i32
          %get3A_633 = arith.index_cast %get3A_632 : i32 to index
          %get3A_634 = arith.index_cast %scan3A_631 : i32 to index
          %get3A_635 = arith.constant 0 : index
          %get3A_636 = tpu.vector_load %arg8[%get3A_633, %get3A_634, %get3A_635] {strides = array<i32>} : memref<6x128x64xf32, #tpu.memory_space<vmem>>, vector<1x1x16xf32>,
          %get3A_637 = vector.shape_cast %get3A_636 : vector<1x1x16xf32> to vector<16xf32>
          %add3A_638 = arith.addf %add3A_608, %get3A_637 : vector<16xf32>
          %get3A_639 = arith.constant 3 : i32
          %get3A_640 = arith.index_cast %get3A_639 : i32 to index
          %get3A_641 = arith.index_cast %scan3A_631 : i32 to index
          %get3A_642 = arith.constant 16 : index
          %get3A_643 = tpu.vector_load %arg8[%get3A_640, %get3A_641, %get3A_642] {strides = array<i32>} : memref<6x128x64xf32, #tpu.memory_space<vmem>>, vector<1x1x16xf32>,
          %get3A_644 = vector.shape_cast %get3A_643 : vector<1x1x16xf32> to vector<16xf32>
          %add3A_645 = arith.addf %add3A_615, %get3A_644 : vector<16xf32>
          %get3A_646 = arith.constant 3 : i32
          %get3A_647 = arith.index_cast %get3A_646 : i32 to index
          %get3A_648 = arith.index_cast %scan3A_631 : i32 to index
          %get3A_649 = arith.constant 32 : index
          %get3A_650 = tpu.vector_load %arg8[%get3A_647, %get3A_648, %get3A_649] {strides = array<i32>} : memref<6x128x64xf32, #tpu.memory_space<vmem>>, vector<1x1x16xf32>,
          %get3A_651 = vector.shape_cast %get3A_650 : vector<1x1x16xf32> to vector<16xf32>
          %add3A_652 = arith.addf %add3A_622, %get3A_651 : vector<16xf32>
          %get3A_653 = arith.constant 3 : i32
          %get3A_654 = arith.index_cast %get3A_653 : i32 to index
          %get3A_655 = arith.index_cast %scan3A_631 : i32 to index
          %get3A_656 = arith.constant 48 : index
          %get3A_657 = tpu.vector_load %arg8[%get3A_654, %get3A_655, %get3A_656] {strides = array<i32>} : memref<6x128x64xf32, #tpu.memory_space<vmem>>, vector<1x1x16xf32>,
          %get3A_658 = vector.shape_cast %get3A_657 : vector<1x1x16xf32> to vector<16xf32>
          %add3A_659 = arith.addf %add3A_629, %get3A_658 : vector<16xf32>
          %scan3A_660 = arith.constant 4 : i32
          %scan3A_661 = arith.addi %scan3A_537, %scan3A_660 : i32
          %get3A_662 = arith.constant 3 : i32
          %get3A_663 = arith.index_cast %get3A_662 : i32 to index
          %get3A_664 = arith.index_cast %scan3A_661 : i32 to index
          %get3A_665 = arith.constant 0 : index
          %get3A_666 = tpu.vector_load %arg8[%get3A_663, %get3A_664, %get3A_665] {strides = array<i32>} : memref<6x128x64xf32, #tpu.memory_space<vmem>>, vector<1x1x16xf32>,
          %get3A_667 = vector.shape_cast %get3A_666 : vector<1x1x16xf32> to vector<16xf32>
          %add3A_668 = arith.addf %add3A_638, %get3A_667 : vector<16xf32>
          %get3A_669 = arith.constant 3 : i32
          %get3A_670 = arith.index_cast %get3A_669 : i32 to index
          %get3A_671 = arith.index_cast %scan3A_661 : i32 to index
          %get3A_672 = arith.constant 16 : index
          %get3A_673 = tpu.vector_load %arg8[%get3A_670, %get3A_671, %get3A_672] {strides = array<i32>} : memref<6x128x64xf32, #tpu.memory_space<vmem>>, vector<1x1x16xf32>,
          %get3A_674 = vector.shape_cast %get3A_673 : vector<1x1x16xf32> to vector<16xf32>
          %add3A_675 = arith.addf %add3A_645, %get3A_674 : vector<16xf32>
          %get3A_676 = arith.constant 3 : i32
          %get3A_677 = arith.index_cast %get3A_676 : i32 to index
          %get3A_678 = arith.index_cast %scan3A_661 : i32 to index
          %get3A_679 = arith.constant 32 : index
          %get3A_680 = tpu.vector_load %arg8[%get3A_677, %get3A_678, %get3A_679] {strides = array<i32>} : memref<6x128x64xf32, #tpu.memory_space<vmem>>, vector<1x1x16xf32>,
          %get3A_681 = vector.shape_cast %get3A_680 : vector<1x1x16xf32> to vector<16xf32>
          %add3A_682 = arith.addf %add3A_652, %get3A_681 : vector<16xf32>
          %get3A_683 = arith.constant 3 : i32
          %get3A_684 = arith.index_cast %get3A_683 : i32 to index
          %get3A_685 = arith.index_cast %scan3A_661 : i32 to index
          %get3A_686 = arith.constant 48 : index
          %get3A_687 = tpu.vector_load %arg8[%get3A_684, %get3A_685, %get3A_686] {strides = array<i32>} : memref<6x128x64xf32, #tpu.memory_space<vmem>>, vector<1x1x16xf32>,
          %get3A_688 = vector.shape_cast %get3A_687 : vector<1x1x16xf32> to vector<16xf32>
          %add3A_689 = arith.addf %add3A_659, %get3A_688 : vector<16xf32>
          %scan3A_690 = arith.constant 5 : i32
          %scan3A_691 = arith.addi %scan3A_537, %scan3A_690 : i32
          %get3A_692 = arith.constant 3 : i32
          %get3A_693 = arith.index_cast %get3A_692 : i32 to index
          %get3A_694 = arith.index_cast %scan3A_691 : i32 to index
          %get3A_695 = arith.constant 0 : index
          %get3A_696 = tpu.vector_load %arg8[%get3A_693, %get3A_694, %get3A_695] {strides = array<i32>} : memref<6x128x64xf32, #tpu.memory_space<vmem>>, vector<1x1x16xf32>,
          %get3A_697 = vector.shape_cast %get3A_696 : vector<1x1x16xf32> to vector<16xf32>
          %add3A_698 = arith.addf %add3A_668, %get3A_697 : vector<16xf32>
          %get3A_699 = arith.constant 3 : i32
          %get3A_700 = arith.index_cast %get3A_699 : i32 to index
          %get3A_701 = arith.index_cast %scan3A_691 : i32 to index
          %get3A_702 = arith.constant 16 : index
          %get3A_703 = tpu.vector_load %arg8[%get3A_700, %get3A_701, %get3A_702] {strides = array<i32>} : memref<6x128x64xf32, #tpu.memory_space<vmem>>, vector<1x1x16xf32>,
          %get3A_704 = vector.shape_cast %get3A_703 : vector<1x1x16xf32> to vector<16xf32>
          %add3A_705 = arith.addf %add3A_675, %get3A_704 : vector<16xf32>
          %get3A_706 = arith.constant 3 : i32
          %get3A_707 = arith.index_cast %get3A_706 : i32 to index
          %get3A_708 = arith.index_cast %scan3A_691 : i32 to index
          %get3A_709 = arith.constant 32 : index
          %get3A_710 = tpu.vector_load %arg8[%get3A_707, %get3A_708, %get3A_709] {strides = array<i32>} : memref<6x128x64xf32, #tpu.memory_space<vmem>>, vector<1x1x16xf32>,
          %get3A_711 = vector.shape_cast %get3A_710 : vector<1x1x16xf32> to vector<16xf32>
          %add3A_712 = arith.addf %add3A_682, %get3A_711 : vector<16xf32>
          %get3A_713 = arith.constant 3 : i32
          %get3A_714 = arith.index_cast %get3A_713 : i32 to index
          %get3A_715 = arith.index_cast %scan3A_691 : i32 to index
          %get3A_716 = arith.constant 48 : index
          %get3A_717 = tpu.vector_load %arg8[%get3A_714, %get3A_715, %get3A_716] {strides = array<i32>} : memref<6x128x64xf32, #tpu.memory_space<vmem>>, vector<1x1x16xf32>,
          %get3A_718 = vector.shape_cast %get3A_717 : vector<1x1x16xf32> to vector<16xf32>
          %add3A_719 = arith.addf %add3A_689, %get3A_718 : vector<16xf32>
          %scan3A_720 = arith.constant 6 : i32
          %scan3A_721 = arith.addi %scan3A_537, %scan3A_720 : i32
          %get3A_722 = arith.constant 3 : i32
          %get3A_723 = arith.index_cast %get3A_722 : i32 to index
          %get3A_724 = arith.index_cast %scan3A_721 : i32 to index
          %get3A_725 = arith.constant 0 : index
          %get3A_726 = tpu.vector_load %arg8[%get3A_723, %get3A_724, %get3A_725] {strides = array<i32>} : memref<6x128x64xf32, #tpu.memory_space<vmem>>, vector<1x1x16xf32>,
          %get3A_727 = vector.shape_cast %get3A_726 : vector<1x1x16xf32> to vector<16xf32>
          %add3A_728 = arith.addf %add3A_698, %get3A_727 : vector<16xf32>
          %get3A_729 = arith.constant 3 : i32
          %get3A_730 = arith.index_cast %get3A_729 : i32 to index
          %get3A_731 = arith.index_cast %scan3A_721 : i32 to index
          %get3A_732 = arith.constant 16 : index
          %get3A_733 = tpu.vector_load %arg8[%get3A_730, %get3A_731, %get3A_732] {strides = array<i32>} : memref<6x128x64xf32, #tpu.memory_space<vmem>>, vector<1x1x16xf32>,
          %get3A_734 = vector.shape_cast %get3A_733 : vector<1x1x16xf32> to vector<16xf32>
          %add3A_735 = arith.addf %add3A_705, %get3A_734 : vector<16xf32>
          %get3A_736 = arith.constant 3 : i32
          %get3A_737 = arith.index_cast %get3A_736 : i32 to index
          %get3A_738 = arith.index_cast %scan3A_721 : i32 to index
          %get3A_739 = arith.constant 32 : index
          %get3A_740 = tpu.vector_load %arg8[%get3A_737, %get3A_738, %get3A_739] {strides = array<i32>} : memref<6x128x64xf32, #tpu.memory_space<vmem>>, vector<1x1x16xf32>,
          %get3A_741 = vector.shape_cast %get3A_740 : vector<1x1x16xf32> to vector<16xf32>
          %add3A_742 = arith.addf %add3A_712, %get3A_741 : vector<16xf32>
          %get3A_743 = arith.constant 3 : i32
          %get3A_744 = arith.index_cast %get3A_743 : i32 to index
          %get3A_745 = arith.index_cast %scan3A_721 : i32 to index
          %get3A_746 = arith.constant 48 : index
          %get3A_747 = tpu.vector_load %arg8[%get3A_744, %get3A_745, %get3A_746] {strides = array<i32>} : memref<6x128x64xf32, #tpu.memory_space<vmem>>, vector<1x1x16xf32>,
          %get3A_748 = vector.shape_cast %get3A_747 : vector<1x1x16xf32> to vector<16xf32>
          %add3A_749 = arith.addf %add3A_719, %get3A_748 : vector<16xf32>
          %scan3A_750 = arith.constant 7 : i32
          %scan3A_751 = arith.addi %scan3A_537, %scan3A_750 : i32
          %get3A_752 = arith.constant 3 : i32
          %get3A_753 = arith.index_cast %get3A_752 : i32 to index
          %get3A_754 = arith.index_cast %scan3A_751 : i32 to index
          %get3A_755 = arith.constant 0 : index
          %get3A_756 = tpu.vector_load %arg8[%get3A_753, %get3A_754, %get3A_755] {strides = array<i32>} : memref<6x128x64xf32, #tpu.memory_space<vmem>>, vector<1x1x16xf32>,
          %get3A_757 = vector.shape_cast %get3A_756 : vector<1x1x16xf32> to vector<16xf32>
          %add3A_758 = arith.addf %add3A_728, %get3A_757 : vector<16xf32>
          %get3A_759 = arith.constant 3 : i32
          %get3A_760 = arith.index_cast %get3A_759 : i32 to index
          %get3A_761 = arith.index_cast %scan3A_751 : i32 to index
          %get3A_762 = arith.constant 16 : index
          %get3A_763 = tpu.vector_load %arg8[%get3A_760, %get3A_761, %get3A_762] {strides = array<i32>} : memref<6x128x64xf32, #tpu.memory_space<vmem>>, vector<1x1x16xf32>,
          %get3A_764 = vector.shape_cast %get3A_763 : vector<1x1x16xf32> to vector<16xf32>
          %add3A_765 = arith.addf %add3A_735, %get3A_764 : vector<16xf32>
          %get3A_766 = arith.constant 3 : i32
          %get3A_767 = arith.index_cast %get3A_766 : i32 to index
          %get3A_768 = arith.index_cast %scan3A_751 : i32 to index
          %get3A_769 = arith.constant 32 : index
          %get3A_770 = tpu.vector_load %arg8[%get3A_767, %get3A_768, %get3A_769] {strides = array<i32>} : memref<6x128x64xf32, #tpu.memory_space<vmem>>, vector<1x1x16xf32>,
          %get3A_771 = vector.shape_cast %get3A_770 : vector<1x1x16xf32> to vector<16xf32>
          %add3A_772 = arith.addf %add3A_742, %get3A_771 : vector<16xf32>
          %get3A_773 = arith.constant 3 : i32
          %get3A_774 = arith.index_cast %get3A_773 : i32 to index
          %get3A_775 = arith.index_cast %scan3A_751 : i32 to index
          %get3A_776 = arith.constant 48 : index
          %get3A_777 = tpu.vector_load %arg8[%get3A_774, %get3A_775, %get3A_776] {strides = array<i32>} : memref<6x128x64xf32, #tpu.memory_space<vmem>>, vector<1x1x16xf32>,
          %get3A_778 = vector.shape_cast %get3A_777 : vector<1x1x16xf32> to vector<16xf32>
          %add3A_779 = arith.addf %add3A_749, %get3A_778 : vector<16xf32>
          scf.yield %add3A_758, %add3A_765, %add3A_772, %add3A_779 : vector<16xf32>, vector<16xf32>, vector<16xf32>, vector<16xf32>
        }
        %scan3A_496 = arith.constant 128 : i32
        %get3A_497 = arith.index_cast %squeeze3A_384 : i32 to index
        %get3A_498 = arith.constant 0 : index
        %get3A_499 = tpu.vector_load %arg11[%get3A_497, %get3A_498] {strides = array<i32>} : memref<256x64xf32, #tpu.memory_space<vmem>>, vector<1x16xf32>,
        %get3A_500 = vector.shape_cast %get3A_499 : vector<1x16xf32> to vector<16xf32>
        %add3A_501 = arith.addf %get3A_500, %scan3A_495#0 : vector<16xf32>
        %swap3A_502 = arith.index_cast %squeeze3A_384 : i32 to index
        %swap3A_503 = arith.constant 0 : index
        %swap3A_504 = tpu.vector_load %arg11[%swap3A_502, %swap3A_503] {strides = array<i32>} : memref<256x64xf32, #tpu.memory_space<vmem>>, vector<1x16xf32>,
        %swap3A_505 = vector.shape_cast %swap3A_504 : vector<1x16xf32> to vector<16xf32>
        %swap3A_506 = vector.shape_cast %add3A_501 : vector<16xf32> to vector<1x16xf32>
        tpu.vector_store %arg11[%swap3A_502, %swap3A_503], %swap3A_506 {strides = array<i32>} : memref<256x64xf32, #tpu.memory_space<vmem>>, vector<1x16xf32>,
        %get3A_507 = arith.index_cast %squeeze3A_384 : i32 to index
        %get3A_508 = arith.constant 16 : index
        %get3A_509 = tpu.vector_load %arg11[%get3A_507, %get3A_508] {strides = array<i32>} : memref<256x64xf32, #tpu.memory_space<vmem>>, vector<1x16xf32>,
        %get3A_510 = vector.shape_cast %get3A_509 : vector<1x16xf32> to vector<16xf32>
        %add3A_511 = arith.addf %get3A_510, %scan3A_495#1 : vector<16xf32>
        %swap3A_512 = arith.index_cast %squeeze3A_384 : i32 to index
        %swap3A_513 = arith.constant 16 : index
        %swap3A_514 = tpu.vector_load %arg11[%swap3A_512, %swap3A_513] {strides = array<i32>} : memref<256x64xf32, #tpu.memory_space<vmem>>, vector<1x16xf32>,
        %swap3A_515 = vector.shape_cast %swap3A_514 : vector<1x16xf32> to vector<16xf32>
        %swap3A_516 = vector.shape_cast %add3A_511 : vector<16xf32> to vector<1x16xf32>
        tpu.vector_store %arg11[%swap3A_512, %swap3A_513], %swap3A_516 {strides = array<i32>} : memref<256x64xf32, #tpu.memory_space<vmem>>, vector<1x16xf32>,
        %get3A_517 = arith.index_cast %squeeze3A_384 : i32 to index
        %get3A_518 = arith.constant 32 : index
        %get3A_519 = tpu.vector_load %arg11[%get3A_517, %get3A_518] {strides = array<i32>} : memref<256x64xf32, #tpu.memory_space<vmem>>, vector<1x16xf32>,
        %get3A_520 = vector.shape_cast %get3A_519 : vector<1x16xf32> to vector<16xf32>
        %add3A_521 = arith.addf %get3A_520, %scan3A_495#2 : vector<16xf32>
        %swap3A_522 = arith.index_cast %squeeze3A_384 : i32 to index
        %swap3A_523 = arith.constant 32 : index
        %swap3A_524 = tpu.vector_load %arg11[%swap3A_522, %swap3A_523] {strides = array<i32>} : memref<256x64xf32, #tpu.memory_space<vmem>>, vector<1x16xf32>,
        %swap3A_525 = vector.shape_cast %swap3A_524 : vector<1x16xf32> to vector<16xf32>
        %swap3A_526 = vector.shape_cast %add3A_521 : vector<16xf32> to vector<1x16xf32>
        tpu.vector_store %arg11[%swap3A_522, %swap3A_523], %swap3A_526 {strides = array<i32>} : memref<256x64xf32, #tpu.memory_space<vmem>>, vector<1x16xf32>,
        %get3A_527 = arith.index_cast %squeeze3A_384 : i32 to index
        %get3A_528 = arith.constant 48 : index
        %get3A_529 = tpu.vector_load %arg11[%get3A_527, %get3A_528] {strides = array<i32>} : memref<256x64xf32, #tpu.memory_space<vmem>>, vector<1x16xf32>,
        %get3A_530 = vector.shape_cast %get3A_529 : vector<1x16xf32> to vector<16xf32>
        %add3A_531 = arith.addf %get3A_530, %scan3A_495#3 : vector<16xf32>
        %swap3A_532 = arith.index_cast %squeeze3A_384 : i32 to index
        %swap3A_533 = arith.constant 48 : index
        %swap3A_534 = tpu.vector_load %arg11[%swap3A_532, %swap3A_533] {strides = array<i32>} : memref<256x64xf32, #tpu.memory_space<vmem>>, vector<1x16xf32>,
        %swap3A_535 = vector.shape_cast %swap3A_534 : vector<1x16xf32> to vector<16xf32>
        %swap3A_536 = vector.shape_cast %add3A_531 : vector<16xf32> to vector<1x16xf32>
        tpu.vector_store %arg11[%swap3A_532, %swap3A_533], %swap3A_536 {strides = array<i32>} : memref<256x64xf32, #tpu.memory_space<vmem>>, vector<1x16xf32>,
      } else {
      }
      %ne3A_391 = arith.cmpi ne, %squeeze3A_384, %squeeze3A_386 : i32
      %convert_element_type3A_392 = arith.extui %ne3A_391 : i1 to i32
      %cond3A_393 = arith.constant 0 : i32
      %cond3A_394 = arith.cmpi ne, %convert_element_type3A_392, %cond3A_393 : i32
      scf.if %cond3A_394 {
        %run_scoped3A = arith.constant 3 : i32
        "tpu.region"() ({
          %run_scoped3A_483 = tpu.sem_alloc : memref<!tpu.dma_semaphore, #tpu.memory_space<semaphore_mem>>
          %dma_start3A_484 = arith.constant 0 : i32
          %dma_start3A_485 = arith.constant 0 : i32
          %dma_start3A_486 = tpu.memref_slice %arg8[%run_scoped3A, %dma_start3A_484, %dma_start3A_485] : memref<6x128x64xf32, #tpu.memory_space<vmem>> -> memref<1x128x64xf32, #tpu.memory_space<vmem>>
          %dma_start3A_487 = tpu.memref_squeeze %dma_start3A_486 : memref<1x128x64xf32, #tpu.memory_space<vmem>> -> memref<128x64xf32, #tpu.memory_space<vmem>>
          %dma_start3A_488 = arith.constant 0 : i32
          %dma_start3A_489 = tpu.memref_slice %arg5[%add3A_363, %dma_start3A_488] : memref<48x128xi32, #tpu.memory_space<vmem>> -> memref<1x128xi32, #tpu.memory_space<vmem>>
          %dma_start3A_490 = tpu.memref_squeeze %dma_start3A_489 : memref<1x128xi32, #tpu.memory_space<vmem>> -> memref<128xi32, #tpu.memory_space<vmem>>
          %dma_start3A_491 = arith.constant 0 : i32
          %dma_start3A_492 = arith.constant 0 : i32
          %dma_start3A_493 = tpu.memref_slice %arg14[%dma_start3A_491, %dma_start3A_492] : memref<256x64xf32, #tpu.memory_space<vmem_shared>> -> memref<256x64xf32, #tpu.memory_space<vmem_shared>>
          tpu.enqueue_indirect_dma source(%dma_start3A_487 : memref<128x64xf32, #tpu.memory_space<vmem>>) target(%dma_start3A_493 : memref<256x64xf32, #tpu.memory_space<vmem_shared>>) offsets(%dma_start3A_490 : memref<128xi32, #tpu.memory_space<vmem>>) semaphore(%run_scoped3A_483 : memref<!tpu.dma_semaphore, #tpu.memory_space<semaphore_mem>>) {add = true}
          %dma_wait3A_494 = arith.constant 0 : i32
          %dma_wait3A_495 = arith.constant 0 : i32
          %dma_wait3A_496 = tpu.memref_slice %arg8[%run_scoped3A, %dma_wait3A_494, %dma_wait3A_495] : memref<6x128x64xf32, #tpu.memory_space<vmem>> -> memref<1x128x64xf32, #tpu.memory_space<vmem>>
          %dma_wait3A_497 = tpu.memref_squeeze %dma_wait3A_496 : memref<1x128x64xf32, #tpu.memory_space<vmem>> -> memref<128x64xf32, #tpu.memory_space<vmem>>
          %dma_wait3A_498 = arith.constant 0 : i32
          %dma_wait3A_499 = tpu.memref_slice %arg5[%add3A_363, %dma_wait3A_498] : memref<48x128xi32, #tpu.memory_space<vmem>> -> memref<1x128xi32, #tpu.memory_space<vmem>>
          %dma_wait3A_500 = tpu.memref_squeeze %dma_wait3A_499 : memref<1x128xi32, #tpu.memory_space<vmem>> -> memref<128xi32, #tpu.memory_space<vmem>>
          %dma_wait3A_501 = arith.constant 0 : i32
          %dma_wait3A_502 = arith.constant 0 : i32
          %dma_wait3A_503 = tpu.memref_slice %arg14[%dma_wait3A_501, %dma_wait3A_502] : memref<256x64xf32, #tpu.memory_space<vmem_shared>> -> memref<256x64xf32, #tpu.memory_space<vmem_shared>>
          tpu.wait_indirect_dma semaphore(%run_scoped3A_483 : memref<!tpu.dma_semaphore, #tpu.memory_space<semaphore_mem>>) src(%dma_wait3A_497 : memref<128x64xf32, #tpu.memory_space<vmem>>) dst(%dma_wait3A_503 : memref<256x64xf32, #tpu.memory_space<vmem_shared>>)
          tpu.yield
        }) : () -> ()
      } else {
      }
      %add3A_395 = arith.constant 6 : i32
      %add3A_396 = arith.addi %add3A_363, %add3A_395 : i32
      %lt3A_397 = arith.constant 48 : i32
      %lt3A_398 = arith.cmpi slt, %add3A_396, %lt3A_397 : i32
      %convert_element_type3A_399 = arith.extui %lt3A_398 : i1 to i32
      %cond3A_400 = arith.constant 0 : i32
      %cond3A_401 = arith.cmpi ne, %convert_element_type3A_399, %cond3A_400 : i32
      scf.if %cond3A_401 {
        %add3A_483 = arith.constant 6 : i32
        %add3A_484 = arith.addi %add3A_363, %add3A_483 : i32
        %mul3A_485 = arith.constant 128 : i32
        %mul3A_486 = arith.muli %add3A_484, %mul3A_485 : i32
        %add3A_487 = arith.addi %mul3A_2, %mul3A_486 : i32
        %dma_start3A_488 = arith.constant 3 : i32
        %dma_start3A_489 = arith.constant 0 : i32
        %dma_start3A_490 = arith.constant 0 : i32
        %dma_start3A_491 = tpu.memref_slice %arg8[%dma_start3A_488, %dma_start3A_489, %dma_start3A_490] : memref<6x128x64xf32, #tpu.memory_space<vmem>> -> memref<1x128x64xf32, #tpu.memory_space<vmem>>
        %dma_start3A_492 = tpu.memref_squeeze %dma_start3A_491 : memref<1x128x64xf32, #tpu.memory_space<vmem>> -> memref<128x64xf32, #tpu.memory_space<vmem>>
        %dma_start3A_493 = tpu.memref_slice %arg2[%add3A_487, %mul3A_0] : memref<100000x128xf32, #tpu.memory_space<hbm>> -> memref<128x64xf32, #tpu.memory_space<hbm>>
        %dma_start3A_494 = arith.constant 0 : i32
        %dma_start3A_495 = arith.constant 0 : i32
        %dma_start3A_496 = tpu.memref_slice %arg8[%dma_start3A_488, %dma_start3A_494, %dma_start3A_495] : memref<6x128x64xf32, #tpu.memory_space<vmem>> -> memref<1x128x64xf32, #tpu.memory_space<vmem>>
        %dma_start3A_497 = tpu.memref_squeeze %dma_start3A_496 : memref<1x128x64xf32, #tpu.memory_space<vmem>> -> memref<128x64xf32, #tpu.memory_space<vmem>>
        %dma_start3A_498 = tpu.memref_slice %arg2[%add3A_487, %mul3A_0] : memref<100000x128xf32, #tpu.memory_space<hbm>> -> memref<128x64xf32, #tpu.memory_space<hbm>>
        tpu.enqueue_dma source(%dma_start3A_498 : memref<128x64xf32, #tpu.memory_space<hbm>>) target(%dma_start3A_497 : memref<128x64xf32, #tpu.memory_space<vmem>>) target_semaphore(%arg19 : memref<!tpu.dma_semaphore, #tpu.memory_space<semaphore_mem>>)
      } else {
      }
      %add3A_402 = arith.constant 4 : i32
      %add3A_403 = arith.addi %mul3A_246, %add3A_402 : i32
      %dma_wait3A_404 = arith.constant 4 : i32
      %dma_wait3A_405 = arith.constant 0 : i32
      %dma_wait3A_406 = arith.constant 0 : i32
      %dma_wait3A_407 = tpu.memref_slice %arg8[%dma_wait3A_404, %dma_wait3A_405, %dma_wait3A_406] : memref<6x128x64xf32, #tpu.memory_space<vmem>> -> memref<1x128x64xf32, #tpu.memory_space<vmem>>
      %dma_wait3A_408 = tpu.memref_squeeze %dma_wait3A_407 : memref<1x128x64xf32, #tpu.memory_space<vmem>> -> memref<128x64xf32, #tpu.memory_space<vmem>>
      %dma_wait3A_409 = tpu.memref_slice %arg2[%mul3A_2, %mul3A_0] : memref<100000x128xf32, #tpu.memory_space<hbm>> -> memref<128x64xf32, #tpu.memory_space<hbm>>
      %dma_wait3A_410 = arith.constant 0 : i32
      %dma_wait3A_411 = arith.constant 0 : i32
      %dma_wait3A_412 = tpu.memref_slice %arg8[%dma_wait3A_404, %dma_wait3A_410, %dma_wait3A_411] : memref<6x128x64xf32, #tpu.memory_space<vmem>> -> memref<1x128x64xf32, #tpu.memory_space<vmem>>
      %dma_wait3A_413 = tpu.memref_squeeze %dma_wait3A_412 : memref<1x128x64xf32, #tpu.memory_space<vmem>> -> memref<128x64xf32, #tpu.memory_space<vmem>>
      %dma_wait3A_414 = tpu.memref_slice %arg2[%mul3A_2, %mul3A_0] : memref<100000x128xf32, #tpu.memory_space<hbm>> -> memref<128x64xf32, #tpu.memory_space<hbm>>
      tpu.wait_dma2 semaphore(%arg20 : memref<!tpu.dma_semaphore, #tpu.memory_space<semaphore_mem>>) src(%dma_wait3A_414 : memref<128x64xf32, #tpu.memory_space<hbm>>) dst(%dma_wait3A_413 : memref<128x64xf32, #tpu.memory_space<vmem>>)
      %get3A_415 = arith.index_cast %add3A_403 : i32 to index
      %get3A_416 = arith.constant 0 : index
      %get3A_417 = tpu.vector_load %arg5[%get3A_415, %get3A_416] {strides = array<i32>} : memref<48x128xi32, #tpu.memory_space<vmem>>, vector<1x16xi32>,
      %get3A_418 = vector.shape_cast %get3A_417 : vector<1x16xi32> to vector<16xi32>
      %get3A_419 = arith.index_cast %add3A_403 : i32 to index
      %get3A_420 = arith.constant 112 : index
      %get3A_421 = tpu.vector_load %arg5[%get3A_419, %get3A_420] {strides = array<i32>} : memref<48x128xi32, #tpu.memory_space<vmem>>, vector<1x16xi32>,
      %get3A_422 = vector.shape_cast %get3A_421 : vector<1x16xi32> to vector<16xi32>
      %slice3A_423 = vector.extract_strided_slice %get3A_418 {offsets = [0], sizes = [1], strides = [1]} : vector<16xi32> to vector<1xi32>
      %squeeze3A_424 = vector.extract %slice3A_423[0] : i32 from vector<1xi32>
      %slice3A_425 = vector.extract_strided_slice %get3A_422 {offsets = [15], sizes = [1], strides = [1]} : vector<16xi32> to vector<1xi32>
      %squeeze3A_426 = vector.extract %slice3A_425[0] : i32 from vector<1xi32>
      %eq3A_427 = arith.cmpi eq, %squeeze3A_424, %squeeze3A_426 : i32
      %convert_element_type3A_428 = arith.extui %eq3A_427 : i1 to i32
      %cond3A_429 = arith.constant 0 : i32
      %cond3A_430 = arith.cmpi ne, %convert_element_type3A_428, %cond3A_429 : i32
      scf.if %cond3A_430 {
        %broadcast_in_dim3A_483 = arith.constant 0.000000e+00 : f32
        %broadcast_in_dim3A_484 = vector.broadcast %broadcast_in_dim3A_483 : f32 to vector<16xf32>
        %broadcast_in_dim3A_485 = arith.constant 0.000000e+00 : f32
        %broadcast_in_dim3A_486 = vector.broadcast %broadcast_in_dim3A_485 : f32 to vector<16xf32>
        %broadcast_in_dim3A_487 = arith.constant 0.000000e+00 : f32
        %broadcast_in_dim3A_488 = vector.broadcast %broadcast_in_dim3A_487 : f32 to vector<16xf32>
        %broadcast_in_dim3A_489 = arith.constant 0.000000e+00 : f32
        %broadcast_in_dim3A_490 = vector.broadcast %broadcast_in_dim3A_489 : f32 to vector<16xf32>
        %scan3A_491 = arith.constant 0 : i32
        %scan3A_492 = arith.constant 128 : i32
        %scan3A_493 = arith.addi %scan3A_491, %scan3A_492 : i32
        %scan3A_494 = arith.constant 8 : i32
        %scan3A_495:4 = scf.for %scan3A_537 = %scan3A_491 to %scan3A_493 step %scan3A_494 iter_args(%scan3A_538 = %broadcast_in_dim3A_484, %scan3A_539 = %broadcast_in_dim3A_486, %scan3A_540 = %broadcast_in_dim3A_488, %scan3A_541 = %broadcast_in_dim3A_490) -> (vector<16xf32>, vector<16xf32>, vector<16xf32>, vector<16xf32>)  : i32 {
          %get3A_542 = arith.constant 4 : i32
          %get3A_543 = arith.index_cast %get3A_542 : i32 to index
          %get3A_544 = arith.index_cast %scan3A_537 : i32 to index
          %get3A_545 = arith.constant 0 : index
          %get3A_546 = tpu.vector_load %arg8[%get3A_543, %get3A_544, %get3A_545] {strides = array<i32>} : memref<6x128x64xf32, #tpu.memory_space<vmem>>, vector<1x1x16xf32>,
          %get3A_547 = vector.shape_cast %get3A_546 : vector<1x1x16xf32> to vector<16xf32>
          %add3A_548 = arith.addf %scan3A_538, %get3A_547 : vector<16xf32>
          %get3A_549 = arith.constant 4 : i32
          %get3A_550 = arith.index_cast %get3A_549 : i32 to index
          %get3A_551 = arith.index_cast %scan3A_537 : i32 to index
          %get3A_552 = arith.constant 16 : index
          %get3A_553 = tpu.vector_load %arg8[%get3A_550, %get3A_551, %get3A_552] {strides = array<i32>} : memref<6x128x64xf32, #tpu.memory_space<vmem>>, vector<1x1x16xf32>,
          %get3A_554 = vector.shape_cast %get3A_553 : vector<1x1x16xf32> to vector<16xf32>
          %add3A_555 = arith.addf %scan3A_539, %get3A_554 : vector<16xf32>
          %get3A_556 = arith.constant 4 : i32
          %get3A_557 = arith.index_cast %get3A_556 : i32 to index
          %get3A_558 = arith.index_cast %scan3A_537 : i32 to index
          %get3A_559 = arith.constant 32 : index
          %get3A_560 = tpu.vector_load %arg8[%get3A_557, %get3A_558, %get3A_559] {strides = array<i32>} : memref<6x128x64xf32, #tpu.memory_space<vmem>>, vector<1x1x16xf32>,
          %get3A_561 = vector.shape_cast %get3A_560 : vector<1x1x16xf32> to vector<16xf32>
          %add3A_562 = arith.addf %scan3A_540, %get3A_561 : vector<16xf32>
          %get3A_563 = arith.constant 4 : i32
          %get3A_564 = arith.index_cast %get3A_563 : i32 to index
          %get3A_565 = arith.index_cast %scan3A_537 : i32 to index
          %get3A_566 = arith.constant 48 : index
          %get3A_567 = tpu.vector_load %arg8[%get3A_564, %get3A_565, %get3A_566] {strides = array<i32>} : memref<6x128x64xf32, #tpu.memory_space<vmem>>, vector<1x1x16xf32>,
          %get3A_568 = vector.shape_cast %get3A_567 : vector<1x1x16xf32> to vector<16xf32>
          %add3A_569 = arith.addf %scan3A_541, %get3A_568 : vector<16xf32>
          %scan3A_570 = arith.constant 1 : i32
          %scan3A_571 = arith.addi %scan3A_537, %scan3A_570 : i32
          %get3A_572 = arith.constant 4 : i32
          %get3A_573 = arith.index_cast %get3A_572 : i32 to index
          %get3A_574 = arith.index_cast %scan3A_571 : i32 to index
          %get3A_575 = arith.constant 0 : index
          %get3A_576 = tpu.vector_load %arg8[%get3A_573, %get3A_574, %get3A_575] {strides = array<i32>} : memref<6x128x64xf32, #tpu.memory_space<vmem>>, vector<1x1x16xf32>,
          %get3A_577 = vector.shape_cast %get3A_576 : vector<1x1x16xf32> to vector<16xf32>
          %add3A_578 = arith.addf %add3A_548, %get3A_577 : vector<16xf32>
          %get3A_579 = arith.constant 4 : i32
          %get3A_580 = arith.index_cast %get3A_579 : i32 to index
          %get3A_581 = arith.index_cast %scan3A_571 : i32 to index
          %get3A_582 = arith.constant 16 : index
          %get3A_583 = tpu.vector_load %arg8[%get3A_580, %get3A_581, %get3A_582] {strides = array<i32>} : memref<6x128x64xf32, #tpu.memory_space<vmem>>, vector<1x1x16xf32>,
          %get3A_584 = vector.shape_cast %get3A_583 : vector<1x1x16xf32> to vector<16xf32>
          %add3A_585 = arith.addf %add3A_555, %get3A_584 : vector<16xf32>
          %get3A_586 = arith.constant 4 : i32
          %get3A_587 = arith.index_cast %get3A_586 : i32 to index
          %get3A_588 = arith.index_cast %scan3A_571 : i32 to index
          %get3A_589 = arith.constant 32 : index
          %get3A_590 = tpu.vector_load %arg8[%get3A_587, %get3A_588, %get3A_589] {strides = array<i32>} : memref<6x128x64xf32, #tpu.memory_space<vmem>>, vector<1x1x16xf32>,
          %get3A_591 = vector.shape_cast %get3A_590 : vector<1x1x16xf32> to vector<16xf32>
          %add3A_592 = arith.addf %add3A_562, %get3A_591 : vector<16xf32>
          %get3A_593 = arith.constant 4 : i32
          %get3A_594 = arith.index_cast %get3A_593 : i32 to index
          %get3A_595 = arith.index_cast %scan3A_571 : i32 to index
          %get3A_596 = arith.constant 48 : index
          %get3A_597 = tpu.vector_load %arg8[%get3A_594, %get3A_595, %get3A_596] {strides = array<i32>} : memref<6x128x64xf32, #tpu.memory_space<vmem>>, vector<1x1x16xf32>,
          %get3A_598 = vector.shape_cast %get3A_597 : vector<1x1x16xf32> to vector<16xf32>
          %add3A_599 = arith.addf %add3A_569, %get3A_598 : vector<16xf32>
          %scan3A_600 = arith.constant 2 : i32
          %scan3A_601 = arith.addi %scan3A_537, %scan3A_600 : i32
          %get3A_602 = arith.constant 4 : i32
          %get3A_603 = arith.index_cast %get3A_602 : i32 to index
          %get3A_604 = arith.index_cast %scan3A_601 : i32 to index
          %get3A_605 = arith.constant 0 : index
          %get3A_606 = tpu.vector_load %arg8[%get3A_603, %get3A_604, %get3A_605] {strides = array<i32>} : memref<6x128x64xf32, #tpu.memory_space<vmem>>, vector<1x1x16xf32>,
          %get3A_607 = vector.shape_cast %get3A_606 : vector<1x1x16xf32> to vector<16xf32>
          %add3A_608 = arith.addf %add3A_578, %get3A_607 : vector<16xf32>
          %get3A_609 = arith.constant 4 : i32
          %get3A_610 = arith.index_cast %get3A_609 : i32 to index
          %get3A_611 = arith.index_cast %scan3A_601 : i32 to index
          %get3A_612 = arith.constant 16 : index
          %get3A_613 = tpu.vector_load %arg8[%get3A_610, %get3A_611, %get3A_612] {strides = array<i32>} : memref<6x128x64xf32, #tpu.memory_space<vmem>>, vector<1x1x16xf32>,
          %get3A_614 = vector.shape_cast %get3A_613 : vector<1x1x16xf32> to vector<16xf32>
          %add3A_615 = arith.addf %add3A_585, %get3A_614 : vector<16xf32>
          %get3A_616 = arith.constant 4 : i32
          %get3A_617 = arith.index_cast %get3A_616 : i32 to index
          %get3A_618 = arith.index_cast %scan3A_601 : i32 to index
          %get3A_619 = arith.constant 32 : index
          %get3A_620 = tpu.vector_load %arg8[%get3A_617, %get3A_618, %get3A_619] {strides = array<i32>} : memref<6x128x64xf32, #tpu.memory_space<vmem>>, vector<1x1x16xf32>,
          %get3A_621 = vector.shape_cast %get3A_620 : vector<1x1x16xf32> to vector<16xf32>
          %add3A_622 = arith.addf %add3A_592, %get3A_621 : vector<16xf32>
          %get3A_623 = arith.constant 4 : i32
          %get3A_624 = arith.index_cast %get3A_623 : i32 to index
          %get3A_625 = arith.index_cast %scan3A_601 : i32 to index
          %get3A_626 = arith.constant 48 : index
          %get3A_627 = tpu.vector_load %arg8[%get3A_624, %get3A_625, %get3A_626] {strides = array<i32>} : memref<6x128x64xf32, #tpu.memory_space<vmem>>, vector<1x1x16xf32>,
          %get3A_628 = vector.shape_cast %get3A_627 : vector<1x1x16xf32> to vector<16xf32>
          %add3A_629 = arith.addf %add3A_599, %get3A_628 : vector<16xf32>
          %scan3A_630 = arith.constant 3 : i32
          %scan3A_631 = arith.addi %scan3A_537, %scan3A_630 : i32
          %get3A_632 = arith.constant 4 : i32
          %get3A_633 = arith.index_cast %get3A_632 : i32 to index
          %get3A_634 = arith.index_cast %scan3A_631 : i32 to index
          %get3A_635 = arith.constant 0 : index
          %get3A_636 = tpu.vector_load %arg8[%get3A_633, %get3A_634, %get3A_635] {strides = array<i32>} : memref<6x128x64xf32, #tpu.memory_space<vmem>>, vector<1x1x16xf32>,
          %get3A_637 = vector.shape_cast %get3A_636 : vector<1x1x16xf32> to vector<16xf32>
          %add3A_638 = arith.addf %add3A_608, %get3A_637 : vector<16xf32>
          %get3A_639 = arith.constant 4 : i32
          %get3A_640 = arith.index_cast %get3A_639 : i32 to index
          %get3A_641 = arith.index_cast %scan3A_631 : i32 to index
          %get3A_642 = arith.constant 16 : index
          %get3A_643 = tpu.vector_load %arg8[%get3A_640, %get3A_641, %get3A_642] {strides = array<i32>} : memref<6x128x64xf32, #tpu.memory_space<vmem>>, vector<1x1x16xf32>,
          %get3A_644 = vector.shape_cast %get3A_643 : vector<1x1x16xf32> to vector<16xf32>
          %add3A_645 = arith.addf %add3A_615, %get3A_644 : vector<16xf32>
          %get3A_646 = arith.constant 4 : i32
          %get3A_647 = arith.index_cast %get3A_646 : i32 to index
          %get3A_648 = arith.index_cast %scan3A_631 : i32 to index
          %get3A_649 = arith.constant 32 : index
          %get3A_650 = tpu.vector_load %arg8[%get3A_647, %get3A_648, %get3A_649] {strides = array<i32>} : memref<6x128x64xf32, #tpu.memory_space<vmem>>, vector<1x1x16xf32>,
          %get3A_651 = vector.shape_cast %get3A_650 : vector<1x1x16xf32> to vector<16xf32>
          %add3A_652 = arith.addf %add3A_622, %get3A_651 : vector<16xf32>
          %get3A_653 = arith.constant 4 : i32
          %get3A_654 = arith.index_cast %get3A_653 : i32 to index
          %get3A_655 = arith.index_cast %scan3A_631 : i32 to index
          %get3A_656 = arith.constant 48 : index
          %get3A_657 = tpu.vector_load %arg8[%get3A_654, %get3A_655, %get3A_656] {strides = array<i32>} : memref<6x128x64xf32, #tpu.memory_space<vmem>>, vector<1x1x16xf32>,
          %get3A_658 = vector.shape_cast %get3A_657 : vector<1x1x16xf32> to vector<16xf32>
          %add3A_659 = arith.addf %add3A_629, %get3A_658 : vector<16xf32>
          %scan3A_660 = arith.constant 4 : i32
          %scan3A_661 = arith.addi %scan3A_537, %scan3A_660 : i32
          %get3A_662 = arith.constant 4 : i32
          %get3A_663 = arith.index_cast %get3A_662 : i32 to index
          %get3A_664 = arith.index_cast %scan3A_661 : i32 to index
          %get3A_665 = arith.constant 0 : index
          %get3A_666 = tpu.vector_load %arg8[%get3A_663, %get3A_664, %get3A_665] {strides = array<i32>} : memref<6x128x64xf32, #tpu.memory_space<vmem>>, vector<1x1x16xf32>,
          %get3A_667 = vector.shape_cast %get3A_666 : vector<1x1x16xf32> to vector<16xf32>
          %add3A_668 = arith.addf %add3A_638, %get3A_667 : vector<16xf32>
          %get3A_669 = arith.constant 4 : i32
          %get3A_670 = arith.index_cast %get3A_669 : i32 to index
          %get3A_671 = arith.index_cast %scan3A_661 : i32 to index
          %get3A_672 = arith.constant 16 : index
          %get3A_673 = tpu.vector_load %arg8[%get3A_670, %get3A_671, %get3A_672] {strides = array<i32>} : memref<6x128x64xf32, #tpu.memory_space<vmem>>, vector<1x1x16xf32>,
          %get3A_674 = vector.shape_cast %get3A_673 : vector<1x1x16xf32> to vector<16xf32>
          %add3A_675 = arith.addf %add3A_645, %get3A_674 : vector<16xf32>
          %get3A_676 = arith.constant 4 : i32
          %get3A_677 = arith.index_cast %get3A_676 : i32 to index
          %get3A_678 = arith.index_cast %scan3A_661 : i32 to index
          %get3A_679 = arith.constant 32 : index
          %get3A_680 = tpu.vector_load %arg8[%get3A_677, %get3A_678, %get3A_679] {strides = array<i32>} : memref<6x128x64xf32, #tpu.memory_space<vmem>>, vector<1x1x16xf32>,
          %get3A_681 = vector.shape_cast %get3A_680 : vector<1x1x16xf32> to vector<16xf32>
          %add3A_682 = arith.addf %add3A_652, %get3A_681 : vector<16xf32>
          %get3A_683 = arith.constant 4 : i32
          %get3A_684 = arith.index_cast %get3A_683 : i32 to index
          %get3A_685 = arith.index_cast %scan3A_661 : i32 to index
          %get3A_686 = arith.constant 48 : index
          %get3A_687 = tpu.vector_load %arg8[%get3A_684, %get3A_685, %get3A_686] {strides = array<i32>} : memref<6x128x64xf32, #tpu.memory_space<vmem>>, vector<1x1x16xf32>,
          %get3A_688 = vector.shape_cast %get3A_687 : vector<1x1x16xf32> to vector<16xf32>
          %add3A_689 = arith.addf %add3A_659, %get3A_688 : vector<16xf32>
          %scan3A_690 = arith.constant 5 : i32
          %scan3A_691 = arith.addi %scan3A_537, %scan3A_690 : i32
          %get3A_692 = arith.constant 4 : i32
          %get3A_693 = arith.index_cast %get3A_692 : i32 to index
          %get3A_694 = arith.index_cast %scan3A_691 : i32 to index
          %get3A_695 = arith.constant 0 : index
          %get3A_696 = tpu.vector_load %arg8[%get3A_693, %get3A_694, %get3A_695] {strides = array<i32>} : memref<6x128x64xf32, #tpu.memory_space<vmem>>, vector<1x1x16xf32>,
          %get3A_697 = vector.shape_cast %get3A_696 : vector<1x1x16xf32> to vector<16xf32>
          %add3A_698 = arith.addf %add3A_668, %get3A_697 : vector<16xf32>
          %get3A_699 = arith.constant 4 : i32
          %get3A_700 = arith.index_cast %get3A_699 : i32 to index
          %get3A_701 = arith.index_cast %scan3A_691 : i32 to index
          %get3A_702 = arith.constant 16 : index
          %get3A_703 = tpu.vector_load %arg8[%get3A_700, %get3A_701, %get3A_702] {strides = array<i32>} : memref<6x128x64xf32, #tpu.memory_space<vmem>>, vector<1x1x16xf32>,
          %get3A_704 = vector.shape_cast %get3A_703 : vector<1x1x16xf32> to vector<16xf32>
          %add3A_705 = arith.addf %add3A_675, %get3A_704 : vector<16xf32>
          %get3A_706 = arith.constant 4 : i32
          %get3A_707 = arith.index_cast %get3A_706 : i32 to index
          %get3A_708 = arith.index_cast %scan3A_691 : i32 to index
          %get3A_709 = arith.constant 32 : index
          %get3A_710 = tpu.vector_load %arg8[%get3A_707, %get3A_708, %get3A_709] {strides = array<i32>} : memref<6x128x64xf32, #tpu.memory_space<vmem>>, vector<1x1x16xf32>,
          %get3A_711 = vector.shape_cast %get3A_710 : vector<1x1x16xf32> to vector<16xf32>
          %add3A_712 = arith.addf %add3A_682, %get3A_711 : vector<16xf32>
          %get3A_713 = arith.constant 4 : i32
          %get3A_714 = arith.index_cast %get3A_713 : i32 to index
          %get3A_715 = arith.index_cast %scan3A_691 : i32 to index
          %get3A_716 = arith.constant 48 : index
          %get3A_717 = tpu.vector_load %arg8[%get3A_714, %get3A_715, %get3A_716] {strides = array<i32>} : memref<6x128x64xf32, #tpu.memory_space<vmem>>, vector<1x1x16xf32>,
          %get3A_718 = vector.shape_cast %get3A_717 : vector<1x1x16xf32> to vector<16xf32>
          %add3A_719 = arith.addf %add3A_689, %get3A_718 : vector<16xf32>
          %scan3A_720 = arith.constant 6 : i32
          %scan3A_721 = arith.addi %scan3A_537, %scan3A_720 : i32
          %get3A_722 = arith.constant 4 : i32
          %get3A_723 = arith.index_cast %get3A_722 : i32 to index
          %get3A_724 = arith.index_cast %scan3A_721 : i32 to index
          %get3A_725 = arith.constant 0 : index
          %get3A_726 = tpu.vector_load %arg8[%get3A_723, %get3A_724, %get3A_725] {strides = array<i32>} : memref<6x128x64xf32, #tpu.memory_space<vmem>>, vector<1x1x16xf32>,
          %get3A_727 = vector.shape_cast %get3A_726 : vector<1x1x16xf32> to vector<16xf32>
          %add3A_728 = arith.addf %add3A_698, %get3A_727 : vector<16xf32>
          %get3A_729 = arith.constant 4 : i32
          %get3A_730 = arith.index_cast %get3A_729 : i32 to index
          %get3A_731 = arith.index_cast %scan3A_721 : i32 to index
          %get3A_732 = arith.constant 16 : index
          %get3A_733 = tpu.vector_load %arg8[%get3A_730, %get3A_731, %get3A_732] {strides = array<i32>} : memref<6x128x64xf32, #tpu.memory_space<vmem>>, vector<1x1x16xf32>,
          %get3A_734 = vector.shape_cast %get3A_733 : vector<1x1x16xf32> to vector<16xf32>
          %add3A_735 = arith.addf %add3A_705, %get3A_734 : vector<16xf32>
          %get3A_736 = arith.constant 4 : i32
          %get3A_737 = arith.index_cast %get3A_736 : i32 to index
          %get3A_738 = arith.index_cast %scan3A_721 : i32 to index
          %get3A_739 = arith.constant 32 : index
          %get3A_740 = tpu.vector_load %arg8[%get3A_737, %get3A_738, %get3A_739] {strides = array<i32>} : memref<6x128x64xf32, #tpu.memory_space<vmem>>, vector<1x1x16xf32>,
          %get3A_741 = vector.shape_cast %get3A_740 : vector<1x1x16xf32> to vector<16xf32>
          %add3A_742 = arith.addf %add3A_712, %get3A_741 : vector<16xf32>
          %get3A_743 = arith.constant 4 : i32
          %get3A_744 = arith.index_cast %get3A_743 : i32 to index
          %get3A_745 = arith.index_cast %scan3A_721 : i32 to index
          %get3A_746 = arith.constant 48 : index
          %get3A_747 = tpu.vector_load %arg8[%get3A_744, %get3A_745, %get3A_746] {strides = array<i32>} : memref<6x128x64xf32, #tpu.memory_space<vmem>>, vector<1x1x16xf32>,
          %get3A_748 = vector.shape_cast %get3A_747 : vector<1x1x16xf32> to vector<16xf32>
          %add3A_749 = arith.addf %add3A_719, %get3A_748 : vector<16xf32>
          %scan3A_750 = arith.constant 7 : i32
          %scan3A_751 = arith.addi %scan3A_537, %scan3A_750 : i32
          %get3A_752 = arith.constant 4 : i32
          %get3A_753 = arith.index_cast %get3A_752 : i32 to index
          %get3A_754 = arith.index_cast %scan3A_751 : i32 to index
          %get3A_755 = arith.constant 0 : index
          %get3A_756 = tpu.vector_load %arg8[%get3A_753, %get3A_754, %get3A_755] {strides = array<i32>} : memref<6x128x64xf32, #tpu.memory_space<vmem>>, vector<1x1x16xf32>,
          %get3A_757 = vector.shape_cast %get3A_756 : vector<1x1x16xf32> to vector<16xf32>
          %add3A_758 = arith.addf %add3A_728, %get3A_757 : vector<16xf32>
          %get3A_759 = arith.constant 4 : i32
          %get3A_760 = arith.index_cast %get3A_759 : i32 to index
          %get3A_761 = arith.index_cast %scan3A_751 : i32 to index
          %get3A_762 = arith.constant 16 : index
          %get3A_763 = tpu.vector_load %arg8[%get3A_760, %get3A_761, %get3A_762] {strides = array<i32>} : memref<6x128x64xf32, #tpu.memory_space<vmem>>, vector<1x1x16xf32>,
          %get3A_764 = vector.shape_cast %get3A_763 : vector<1x1x16xf32> to vector<16xf32>
          %add3A_765 = arith.addf %add3A_735, %get3A_764 : vector<16xf32>
          %get3A_766 = arith.constant 4 : i32
          %get3A_767 = arith.index_cast %get3A_766 : i32 to index
          %get3A_768 = arith.index_cast %scan3A_751 : i32 to index
          %get3A_769 = arith.constant 32 : index
          %get3A_770 = tpu.vector_load %arg8[%get3A_767, %get3A_768, %get3A_769] {strides = array<i32>} : memref<6x128x64xf32, #tpu.memory_space<vmem>>, vector<1x1x16xf32>,
          %get3A_771 = vector.shape_cast %get3A_770 : vector<1x1x16xf32> to vector<16xf32>
          %add3A_772 = arith.addf %add3A_742, %get3A_771 : vector<16xf32>
          %get3A_773 = arith.constant 4 : i32
          %get3A_774 = arith.index_cast %get3A_773 : i32 to index
          %get3A_775 = arith.index_cast %scan3A_751 : i32 to index
          %get3A_776 = arith.constant 48 : index
          %get3A_777 = tpu.vector_load %arg8[%get3A_774, %get3A_775, %get3A_776] {strides = array<i32>} : memref<6x128x64xf32, #tpu.memory_space<vmem>>, vector<1x1x16xf32>,
          %get3A_778 = vector.shape_cast %get3A_777 : vector<1x1x16xf32> to vector<16xf32>
          %add3A_779 = arith.addf %add3A_749, %get3A_778 : vector<16xf32>
          scf.yield %add3A_758, %add3A_765, %add3A_772, %add3A_779 : vector<16xf32>, vector<16xf32>, vector<16xf32>, vector<16xf32>
        }
        %scan3A_496 = arith.constant 128 : i32
        %get3A_497 = arith.index_cast %squeeze3A_424 : i32 to index
        %get3A_498 = arith.constant 0 : index
        %get3A_499 = tpu.vector_load %arg11[%get3A_497, %get3A_498] {strides = array<i32>} : memref<256x64xf32, #tpu.memory_space<vmem>>, vector<1x16xf32>,
        %get3A_500 = vector.shape_cast %get3A_499 : vector<1x16xf32> to vector<16xf32>
        %add3A_501 = arith.addf %get3A_500, %scan3A_495#0 : vector<16xf32>
        %swap3A_502 = arith.index_cast %squeeze3A_424 : i32 to index
        %swap3A_503 = arith.constant 0 : index
        %swap3A_504 = tpu.vector_load %arg11[%swap3A_502, %swap3A_503] {strides = array<i32>} : memref<256x64xf32, #tpu.memory_space<vmem>>, vector<1x16xf32>,
        %swap3A_505 = vector.shape_cast %swap3A_504 : vector<1x16xf32> to vector<16xf32>
        %swap3A_506 = vector.shape_cast %add3A_501 : vector<16xf32> to vector<1x16xf32>
        tpu.vector_store %arg11[%swap3A_502, %swap3A_503], %swap3A_506 {strides = array<i32>} : memref<256x64xf32, #tpu.memory_space<vmem>>, vector<1x16xf32>,
        %get3A_507 = arith.index_cast %squeeze3A_424 : i32 to index
        %get3A_508 = arith.constant 16 : index
        %get3A_509 = tpu.vector_load %arg11[%get3A_507, %get3A_508] {strides = array<i32>} : memref<256x64xf32, #tpu.memory_space<vmem>>, vector<1x16xf32>,
        %get3A_510 = vector.shape_cast %get3A_509 : vector<1x16xf32> to vector<16xf32>
        %add3A_511 = arith.addf %get3A_510, %scan3A_495#1 : vector<16xf32>
        %swap3A_512 = arith.index_cast %squeeze3A_424 : i32 to index
        %swap3A_513 = arith.constant 16 : index
        %swap3A_514 = tpu.vector_load %arg11[%swap3A_512, %swap3A_513] {strides = array<i32>} : memref<256x64xf32, #tpu.memory_space<vmem>>, vector<1x16xf32>,
        %swap3A_515 = vector.shape_cast %swap3A_514 : vector<1x16xf32> to vector<16xf32>
        %swap3A_516 = vector.shape_cast %add3A_511 : vector<16xf32> to vector<1x16xf32>
        tpu.vector_store %arg11[%swap3A_512, %swap3A_513], %swap3A_516 {strides = array<i32>} : memref<256x64xf32, #tpu.memory_space<vmem>>, vector<1x16xf32>,
        %get3A_517 = arith.index_cast %squeeze3A_424 : i32 to index
        %get3A_518 = arith.constant 32 : index
        %get3A_519 = tpu.vector_load %arg11[%get3A_517, %get3A_518] {strides = array<i32>} : memref<256x64xf32, #tpu.memory_space<vmem>>, vector<1x16xf32>,
        %get3A_520 = vector.shape_cast %get3A_519 : vector<1x16xf32> to vector<16xf32>
        %add3A_521 = arith.addf %get3A_520, %scan3A_495#2 : vector<16xf32>
        %swap3A_522 = arith.index_cast %squeeze3A_424 : i32 to index
        %swap3A_523 = arith.constant 32 : index
        %swap3A_524 = tpu.vector_load %arg11[%swap3A_522, %swap3A_523] {strides = array<i32>} : memref<256x64xf32, #tpu.memory_space<vmem>>, vector<1x16xf32>,
        %swap3A_525 = vector.shape_cast %swap3A_524 : vector<1x16xf32> to vector<16xf32>
        %swap3A_526 = vector.shape_cast %add3A_521 : vector<16xf32> to vector<1x16xf32>
        tpu.vector_store %arg11[%swap3A_522, %swap3A_523], %swap3A_526 {strides = array<i32>} : memref<256x64xf32, #tpu.memory_space<vmem>>, vector<1x16xf32>,
        %get3A_527 = arith.index_cast %squeeze3A_424 : i32 to index
        %get3A_528 = arith.constant 48 : index
        %get3A_529 = tpu.vector_load %arg11[%get3A_527, %get3A_528] {strides = array<i32>} : memref<256x64xf32, #tpu.memory_space<vmem>>, vector<1x16xf32>,
        %get3A_530 = vector.shape_cast %get3A_529 : vector<1x16xf32> to vector<16xf32>
        %add3A_531 = arith.addf %get3A_530, %scan3A_495#3 : vector<16xf32>
        %swap3A_532 = arith.index_cast %squeeze3A_424 : i32 to index
        %swap3A_533 = arith.constant 48 : index
        %swap3A_534 = tpu.vector_load %arg11[%swap3A_532, %swap3A_533] {strides = array<i32>} : memref<256x64xf32, #tpu.memory_space<vmem>>, vector<1x16xf32>,
        %swap3A_535 = vector.shape_cast %swap3A_534 : vector<1x16xf32> to vector<16xf32>
        %swap3A_536 = vector.shape_cast %add3A_531 : vector<16xf32> to vector<1x16xf32>
        tpu.vector_store %arg11[%swap3A_532, %swap3A_533], %swap3A_536 {strides = array<i32>} : memref<256x64xf32, #tpu.memory_space<vmem>>, vector<1x16xf32>,
      } else {
      }
      %ne3A_431 = arith.cmpi ne, %squeeze3A_424, %squeeze3A_426 : i32
      %convert_element_type3A_432 = arith.extui %ne3A_431 : i1 to i32
      %cond3A_433 = arith.constant 0 : i32
      %cond3A_434 = arith.cmpi ne, %convert_element_type3A_432, %cond3A_433 : i32
      scf.if %cond3A_434 {
        %run_scoped3A = arith.constant 4 : i32
        "tpu.region"() ({
          %run_scoped3A_483 = tpu.sem_alloc : memref<!tpu.dma_semaphore, #tpu.memory_space<semaphore_mem>>
          %dma_start3A_484 = arith.constant 0 : i32
          %dma_start3A_485 = arith.constant 0 : i32
          %dma_start3A_486 = tpu.memref_slice %arg8[%run_scoped3A, %dma_start3A_484, %dma_start3A_485] : memref<6x128x64xf32, #tpu.memory_space<vmem>> -> memref<1x128x64xf32, #tpu.memory_space<vmem>>
          %dma_start3A_487 = tpu.memref_squeeze %dma_start3A_486 : memref<1x128x64xf32, #tpu.memory_space<vmem>> -> memref<128x64xf32, #tpu.memory_space<vmem>>
          %dma_start3A_488 = arith.constant 0 : i32
          %dma_start3A_489 = tpu.memref_slice %arg5[%add3A_403, %dma_start3A_488] : memref<48x128xi32, #tpu.memory_space<vmem>> -> memref<1x128xi32, #tpu.memory_space<vmem>>
          %dma_start3A_490 = tpu.memref_squeeze %dma_start3A_489 : memref<1x128xi32, #tpu.memory_space<vmem>> -> memref<128xi32, #tpu.memory_space<vmem>>
          %dma_start3A_491 = arith.constant 0 : i32
          %dma_start3A_492 = arith.constant 0 : i32
          %dma_start3A_493 = tpu.memref_slice %arg14[%dma_start3A_491, %dma_start3A_492] : memref<256x64xf32, #tpu.memory_space<vmem_shared>> -> memref<256x64xf32, #tpu.memory_space<vmem_shared>>
          tpu.enqueue_indirect_dma source(%dma_start3A_487 : memref<128x64xf32, #tpu.memory_space<vmem>>) target(%dma_start3A_493 : memref<256x64xf32, #tpu.memory_space<vmem_shared>>) offsets(%dma_start3A_490 : memref<128xi32, #tpu.memory_space<vmem>>) semaphore(%run_scoped3A_483 : memref<!tpu.dma_semaphore, #tpu.memory_space<semaphore_mem>>) {add = true}
          %dma_wait3A_494 = arith.constant 0 : i32
          %dma_wait3A_495 = arith.constant 0 : i32
          %dma_wait3A_496 = tpu.memref_slice %arg8[%run_scoped3A, %dma_wait3A_494, %dma_wait3A_495] : memref<6x128x64xf32, #tpu.memory_space<vmem>> -> memref<1x128x64xf32, #tpu.memory_space<vmem>>
          %dma_wait3A_497 = tpu.memref_squeeze %dma_wait3A_496 : memref<1x128x64xf32, #tpu.memory_space<vmem>> -> memref<128x64xf32, #tpu.memory_space<vmem>>
          %dma_wait3A_498 = arith.constant 0 : i32
          %dma_wait3A_499 = tpu.memref_slice %arg5[%add3A_403, %dma_wait3A_498] : memref<48x128xi32, #tpu.memory_space<vmem>> -> memref<1x128xi32, #tpu.memory_space<vmem>>
          %dma_wait3A_500 = tpu.memref_squeeze %dma_wait3A_499 : memref<1x128xi32, #tpu.memory_space<vmem>> -> memref<128xi32, #tpu.memory_space<vmem>>
          %dma_wait3A_501 = arith.constant 0 : i32
          %dma_wait3A_502 = arith.constant 0 : i32
          %dma_wait3A_503 = tpu.memref_slice %arg14[%dma_wait3A_501, %dma_wait3A_502] : memref<256x64xf32, #tpu.memory_space<vmem_shared>> -> memref<256x64xf32, #tpu.memory_space<vmem_shared>>
          tpu.wait_indirect_dma semaphore(%run_scoped3A_483 : memref<!tpu.dma_semaphore, #tpu.memory_space<semaphore_mem>>) src(%dma_wait3A_497 : memref<128x64xf32, #tpu.memory_space<vmem>>) dst(%dma_wait3A_503 : memref<256x64xf32, #tpu.memory_space<vmem_shared>>)
          tpu.yield
        }) : () -> ()
      } else {
      }
      %add3A_435 = arith.constant 6 : i32
      %add3A_436 = arith.addi %add3A_403, %add3A_435 : i32
      %lt3A_437 = arith.constant 48 : i32
      %lt3A_438 = arith.cmpi slt, %add3A_436, %lt3A_437 : i32
      %convert_element_type3A_439 = arith.extui %lt3A_438 : i1 to i32
      %cond3A_440 = arith.constant 0 : i32
      %cond3A_441 = arith.cmpi ne, %convert_element_type3A_439, %cond3A_440 : i32
      scf.if %cond3A_441 {
        %add3A_483 = arith.constant 6 : i32
        %add3A_484 = arith.addi %add3A_403, %add3A_483 : i32
        %mul3A_485 = arith.constant 128 : i32
        %mul3A_486 = arith.muli %add3A_484, %mul3A_485 : i32
        %add3A_487 = arith.addi %mul3A_2, %mul3A_486 : i32
        %dma_start3A_488 = arith.constant 4 : i32
        %dma_start3A_489 = arith.constant 0 : i32
        %dma_start3A_490 = arith.constant 0 : i32
        %dma_start3A_491 = tpu.memref_slice %arg8[%dma_start3A_488, %dma_start3A_489, %dma_start3A_490] : memref<6x128x64xf32, #tpu.memory_space<vmem>> -> memref<1x128x64xf32, #tpu.memory_space<vmem>>
        %dma_start3A_492 = tpu.memref_squeeze %dma_start3A_491 : memref<1x128x64xf32, #tpu.memory_space<vmem>> -> memref<128x64xf32, #tpu.memory_space<vmem>>
        %dma_start3A_493 = tpu.memref_slice %arg2[%add3A_487, %mul3A_0] : memref<100000x128xf32, #tpu.memory_space<hbm>> -> memref<128x64xf32, #tpu.memory_space<hbm>>
        %dma_start3A_494 = arith.constant 0 : i32
        %dma_start3A_495 = arith.constant 0 : i32
        %dma_start3A_496 = tpu.memref_slice %arg8[%dma_start3A_488, %dma_start3A_494, %dma_start3A_495] : memref<6x128x64xf32, #tpu.memory_space<vmem>> -> memref<1x128x64xf32, #tpu.memory_space<vmem>>
        %dma_start3A_497 = tpu.memref_squeeze %dma_start3A_496 : memref<1x128x64xf32, #tpu.memory_space<vmem>> -> memref<128x64xf32, #tpu.memory_space<vmem>>
        %dma_start3A_498 = tpu.memref_slice %arg2[%add3A_487, %mul3A_0] : memref<100000x128xf32, #tpu.memory_space<hbm>> -> memref<128x64xf32, #tpu.memory_space<hbm>>
        tpu.enqueue_dma source(%dma_start3A_498 : memref<128x64xf32, #tpu.memory_space<hbm>>) target(%dma_start3A_497 : memref<128x64xf32, #tpu.memory_space<vmem>>) target_semaphore(%arg20 : memref<!tpu.dma_semaphore, #tpu.memory_space<semaphore_mem>>)
      } else {
      }
      %add3A_442 = arith.constant 5 : i32
      %add3A_443 = arith.addi %mul3A_246, %add3A_442 : i32
      %dma_wait3A_444 = arith.constant 5 : i32
      %dma_wait3A_445 = arith.constant 0 : i32
      %dma_wait3A_446 = arith.constant 0 : i32
      %dma_wait3A_447 = tpu.memref_slice %arg8[%dma_wait3A_444, %dma_wait3A_445, %dma_wait3A_446] : memref<6x128x64xf32, #tpu.memory_space<vmem>> -> memref<1x128x64xf32, #tpu.memory_space<vmem>>
      %dma_wait3A_448 = tpu.memref_squeeze %dma_wait3A_447 : memref<1x128x64xf32, #tpu.memory_space<vmem>> -> memref<128x64xf32, #tpu.memory_space<vmem>>
      %dma_wait3A_449 = tpu.memref_slice %arg2[%mul3A_2, %mul3A_0] : memref<100000x128xf32, #tpu.memory_space<hbm>> -> memref<128x64xf32, #tpu.memory_space<hbm>>
      %dma_wait3A_450 = arith.constant 0 : i32
      %dma_wait3A_451 = arith.constant 0 : i32
      %dma_wait3A_452 = tpu.memref_slice %arg8[%dma_wait3A_444, %dma_wait3A_450, %dma_wait3A_451] : memref<6x128x64xf32, #tpu.memory_space<vmem>> -> memref<1x128x64xf32, #tpu.memory_space<vmem>>
      %dma_wait3A_453 = tpu.memref_squeeze %dma_wait3A_452 : memref<1x128x64xf32, #tpu.memory_space<vmem>> -> memref<128x64xf32, #tpu.memory_space<vmem>>
      %dma_wait3A_454 = tpu.memref_slice %arg2[%mul3A_2, %mul3A_0] : memref<100000x128xf32, #tpu.memory_space<hbm>> -> memref<128x64xf32, #tpu.memory_space<hbm>>
      tpu.wait_dma2 semaphore(%arg21 : memref<!tpu.dma_semaphore, #tpu.memory_space<semaphore_mem>>) src(%dma_wait3A_454 : memref<128x64xf32, #tpu.memory_space<hbm>>) dst(%dma_wait3A_453 : memref<128x64xf32, #tpu.memory_space<vmem>>)
      %get3A_455 = arith.index_cast %add3A_443 : i32 to index
      %get3A_456 = arith.constant 0 : index
      %get3A_457 = tpu.vector_load %arg5[%get3A_455, %get3A_456] {strides = array<i32>} : memref<48x128xi32, #tpu.memory_space<vmem>>, vector<1x16xi32>,
      %get3A_458 = vector.shape_cast %get3A_457 : vector<1x16xi32> to vector<16xi32>
      %get3A_459 = arith.index_cast %add3A_443 : i32 to index
      %get3A_460 = arith.constant 112 : index
      %get3A_461 = tpu.vector_load %arg5[%get3A_459, %get3A_460] {strides = array<i32>} : memref<48x128xi32, #tpu.memory_space<vmem>>, vector<1x16xi32>,
      %get3A_462 = vector.shape_cast %get3A_461 : vector<1x16xi32> to vector<16xi32>
      %slice3A_463 = vector.extract_strided_slice %get3A_458 {offsets = [0], sizes = [1], strides = [1]} : vector<16xi32> to vector<1xi32>
      %squeeze3A_464 = vector.extract %slice3A_463[0] : i32 from vector<1xi32>
      %slice3A_465 = vector.extract_strided_slice %get3A_462 {offsets = [15], sizes = [1], strides = [1]} : vector<16xi32> to vector<1xi32>
      %squeeze3A_466 = vector.extract %slice3A_465[0] : i32 from vector<1xi32>
      %eq3A_467 = arith.cmpi eq, %squeeze3A_464, %squeeze3A_466 : i32
      %convert_element_type3A_468 = arith.extui %eq3A_467 : i1 to i32
      %cond3A_469 = arith.constant 0 : i32
      %cond3A_470 = arith.cmpi ne, %convert_element_type3A_468, %cond3A_469 : i32
      scf.if %cond3A_470 {
        %broadcast_in_dim3A_483 = arith.constant 0.000000e+00 : f32
        %broadcast_in_dim3A_484 = vector.broadcast %broadcast_in_dim3A_483 : f32 to vector<16xf32>
        %broadcast_in_dim3A_485 = arith.constant 0.000000e+00 : f32
        %broadcast_in_dim3A_486 = vector.broadcast %broadcast_in_dim3A_485 : f32 to vector<16xf32>
        %broadcast_in_dim3A_487 = arith.constant 0.000000e+00 : f32
        %broadcast_in_dim3A_488 = vector.broadcast %broadcast_in_dim3A_487 : f32 to vector<16xf32>
        %broadcast_in_dim3A_489 = arith.constant 0.000000e+00 : f32
        %broadcast_in_dim3A_490 = vector.broadcast %broadcast_in_dim3A_489 : f32 to vector<16xf32>
        %scan3A_491 = arith.constant 0 : i32
        %scan3A_492 = arith.constant 128 : i32
        %scan3A_493 = arith.addi %scan3A_491, %scan3A_492 : i32
        %scan3A_494 = arith.constant 8 : i32
        %scan3A_495:4 = scf.for %scan3A_537 = %scan3A_491 to %scan3A_493 step %scan3A_494 iter_args(%scan3A_538 = %broadcast_in_dim3A_484, %scan3A_539 = %broadcast_in_dim3A_486, %scan3A_540 = %broadcast_in_dim3A_488, %scan3A_541 = %broadcast_in_dim3A_490) -> (vector<16xf32>, vector<16xf32>, vector<16xf32>, vector<16xf32>)  : i32 {
          %get3A_542 = arith.constant 5 : i32
          %get3A_543 = arith.index_cast %get3A_542 : i32 to index
          %get3A_544 = arith.index_cast %scan3A_537 : i32 to index
          %get3A_545 = arith.constant 0 : index
          %get3A_546 = tpu.vector_load %arg8[%get3A_543, %get3A_544, %get3A_545] {strides = array<i32>} : memref<6x128x64xf32, #tpu.memory_space<vmem>>, vector<1x1x16xf32>,
          %get3A_547 = vector.shape_cast %get3A_546 : vector<1x1x16xf32> to vector<16xf32>
          %add3A_548 = arith.addf %scan3A_538, %get3A_547 : vector<16xf32>
          %get3A_549 = arith.constant 5 : i32
          %get3A_550 = arith.index_cast %get3A_549 : i32 to index
          %get3A_551 = arith.index_cast %scan3A_537 : i32 to index
          %get3A_552 = arith.constant 16 : index
          %get3A_553 = tpu.vector_load %arg8[%get3A_550, %get3A_551, %get3A_552] {strides = array<i32>} : memref<6x128x64xf32, #tpu.memory_space<vmem>>, vector<1x1x16xf32>,
          %get3A_554 = vector.shape_cast %get3A_553 : vector<1x1x16xf32> to vector<16xf32>
          %add3A_555 = arith.addf %scan3A_539, %get3A_554 : vector<16xf32>
          %get3A_556 = arith.constant 5 : i32
          %get3A_557 = arith.index_cast %get3A_556 : i32 to index
          %get3A_558 = arith.index_cast %scan3A_537 : i32 to index
          %get3A_559 = arith.constant 32 : index
          %get3A_560 = tpu.vector_load %arg8[%get3A_557, %get3A_558, %get3A_559] {strides = array<i32>} : memref<6x128x64xf32, #tpu.memory_space<vmem>>, vector<1x1x16xf32>,
          %get3A_561 = vector.shape_cast %get3A_560 : vector<1x1x16xf32> to vector<16xf32>
          %add3A_562 = arith.addf %scan3A_540, %get3A_561 : vector<16xf32>
          %get3A_563 = arith.constant 5 : i32
          %get3A_564 = arith.index_cast %get3A_563 : i32 to index
          %get3A_565 = arith.index_cast %scan3A_537 : i32 to index
          %get3A_566 = arith.constant 48 : index
          %get3A_567 = tpu.vector_load %arg8[%get3A_564, %get3A_565, %get3A_566] {strides = array<i32>} : memref<6x128x64xf32, #tpu.memory_space<vmem>>, vector<1x1x16xf32>,
          %get3A_568 = vector.shape_cast %get3A_567 : vector<1x1x16xf32> to vector<16xf32>
          %add3A_569 = arith.addf %scan3A_541, %get3A_568 : vector<16xf32>
          %scan3A_570 = arith.constant 1 : i32
          %scan3A_571 = arith.addi %scan3A_537, %scan3A_570 : i32
          %get3A_572 = arith.constant 5 : i32
          %get3A_573 = arith.index_cast %get3A_572 : i32 to index
          %get3A_574 = arith.index_cast %scan3A_571 : i32 to index
          %get3A_575 = arith.constant 0 : index
          %get3A_576 = tpu.vector_load %arg8[%get3A_573, %get3A_574, %get3A_575] {strides = array<i32>} : memref<6x128x64xf32, #tpu.memory_space<vmem>>, vector<1x1x16xf32>,
          %get3A_577 = vector.shape_cast %get3A_576 : vector<1x1x16xf32> to vector<16xf32>
          %add3A_578 = arith.addf %add3A_548, %get3A_577 : vector<16xf32>
          %get3A_579 = arith.constant 5 : i32
          %get3A_580 = arith.index_cast %get3A_579 : i32 to index
          %get3A_581 = arith.index_cast %scan3A_571 : i32 to index
          %get3A_582 = arith.constant 16 : index
          %get3A_583 = tpu.vector_load %arg8[%get3A_580, %get3A_581, %get3A_582] {strides = array<i32>} : memref<6x128x64xf32, #tpu.memory_space<vmem>>, vector<1x1x16xf32>,
          %get3A_584 = vector.shape_cast %get3A_583 : vector<1x1x16xf32> to vector<16xf32>
          %add3A_585 = arith.addf %add3A_555, %get3A_584 : vector<16xf32>
          %get3A_586 = arith.constant 5 : i32
          %get3A_587 = arith.index_cast %get3A_586 : i32 to index
          %get3A_588 = arith.index_cast %scan3A_571 : i32 to index
          %get3A_589 = arith.constant 32 : index
          %get3A_590 = tpu.vector_load %arg8[%get3A_587, %get3A_588, %get3A_589] {strides = array<i32>} : memref<6x128x64xf32, #tpu.memory_space<vmem>>, vector<1x1x16xf32>,
          %get3A_591 = vector.shape_cast %get3A_590 : vector<1x1x16xf32> to vector<16xf32>
          %add3A_592 = arith.addf %add3A_562, %get3A_591 : vector<16xf32>
          %get3A_593 = arith.constant 5 : i32
          %get3A_594 = arith.index_cast %get3A_593 : i32 to index
          %get3A_595 = arith.index_cast %scan3A_571 : i32 to index
          %get3A_596 = arith.constant 48 : index
          %get3A_597 = tpu.vector_load %arg8[%get3A_594, %get3A_595, %get3A_596] {strides = array<i32>} : memref<6x128x64xf32, #tpu.memory_space<vmem>>, vector<1x1x16xf32>,
          %get3A_598 = vector.shape_cast %get3A_597 : vector<1x1x16xf32> to vector<16xf32>
          %add3A_599 = arith.addf %add3A_569, %get3A_598 : vector<16xf32>
          %scan3A_600 = arith.constant 2 : i32
          %scan3A_601 = arith.addi %scan3A_537, %scan3A_600 : i32
          %get3A_602 = arith.constant 5 : i32
          %get3A_603 = arith.index_cast %get3A_602 : i32 to index
          %get3A_604 = arith.index_cast %scan3A_601 : i32 to index
          %get3A_605 = arith.constant 0 : index
          %get3A_606 = tpu.vector_load %arg8[%get3A_603, %get3A_604, %get3A_605] {strides = array<i32>} : memref<6x128x64xf32, #tpu.memory_space<vmem>>, vector<1x1x16xf32>,
          %get3A_607 = vector.shape_cast %get3A_606 : vector<1x1x16xf32> to vector<16xf32>
          %add3A_608 = arith.addf %add3A_578, %get3A_607 : vector<16xf32>
          %get3A_609 = arith.constant 5 : i32
          %get3A_610 = arith.index_cast %get3A_609 : i32 to index
          %get3A_611 = arith.index_cast %scan3A_601 : i32 to index
          %get3A_612 = arith.constant 16 : index
          %get3A_613 = tpu.vector_load %arg8[%get3A_610, %get3A_611, %get3A_612] {strides = array<i32>} : memref<6x128x64xf32, #tpu.memory_space<vmem>>, vector<1x1x16xf32>,
          %get3A_614 = vector.shape_cast %get3A_613 : vector<1x1x16xf32> to vector<16xf32>
          %add3A_615 = arith.addf %add3A_585, %get3A_614 : vector<16xf32>
          %get3A_616 = arith.constant 5 : i32
          %get3A_617 = arith.index_cast %get3A_616 : i32 to index
          %get3A_618 = arith.index_cast %scan3A_601 : i32 to index
          %get3A_619 = arith.constant 32 : index
          %get3A_620 = tpu.vector_load %arg8[%get3A_617, %get3A_618, %get3A_619] {strides = array<i32>} : memref<6x128x64xf32, #tpu.memory_space<vmem>>, vector<1x1x16xf32>,
          %get3A_621 = vector.shape_cast %get3A_620 : vector<1x1x16xf32> to vector<16xf32>
          %add3A_622 = arith.addf %add3A_592, %get3A_621 : vector<16xf32>
          %get3A_623 = arith.constant 5 : i32
          %get3A_624 = arith.index_cast %get3A_623 : i32 to index
          %get3A_625 = arith.index_cast %scan3A_601 : i32 to index
          %get3A_626 = arith.constant 48 : index
          %get3A_627 = tpu.vector_load %arg8[%get3A_624, %get3A_625, %get3A_626] {strides = array<i32>} : memref<6x128x64xf32, #tpu.memory_space<vmem>>, vector<1x1x16xf32>,
          %get3A_628 = vector.shape_cast %get3A_627 : vector<1x1x16xf32> to vector<16xf32>
          %add3A_629 = arith.addf %add3A_599, %get3A_628 : vector<16xf32>
          %scan3A_630 = arith.constant 3 : i32
          %scan3A_631 = arith.addi %scan3A_537, %scan3A_630 : i32
          %get3A_632 = arith.constant 5 : i32
          %get3A_633 = arith.index_cast %get3A_632 : i32 to index
          %get3A_634 = arith.index_cast %scan3A_631 : i32 to index
          %get3A_635 = arith.constant 0 : index
          %get3A_636 = tpu.vector_load %arg8[%get3A_633, %get3A_634, %get3A_635] {strides = array<i32>} : memref<6x128x64xf32, #tpu.memory_space<vmem>>, vector<1x1x16xf32>,
          %get3A_637 = vector.shape_cast %get3A_636 : vector<1x1x16xf32> to vector<16xf32>
          %add3A_638 = arith.addf %add3A_608, %get3A_637 : vector<16xf32>
          %get3A_639 = arith.constant 5 : i32
          %get3A_640 = arith.index_cast %get3A_639 : i32 to index
          %get3A_641 = arith.index_cast %scan3A_631 : i32 to index
          %get3A_642 = arith.constant 16 : index
          %get3A_643 = tpu.vector_load %arg8[%get3A_640, %get3A_641, %get3A_642] {strides = array<i32>} : memref<6x128x64xf32, #tpu.memory_space<vmem>>, vector<1x1x16xf32>,
          %get3A_644 = vector.shape_cast %get3A_643 : vector<1x1x16xf32> to vector<16xf32>
          %add3A_645 = arith.addf %add3A_615, %get3A_644 : vector<16xf32>
          %get3A_646 = arith.constant 5 : i32
          %get3A_647 = arith.index_cast %get3A_646 : i32 to index
          %get3A_648 = arith.index_cast %scan3A_631 : i32 to index
          %get3A_649 = arith.constant 32 : index
          %get3A_650 = tpu.vector_load %arg8[%get3A_647, %get3A_648, %get3A_649] {strides = array<i32>} : memref<6x128x64xf32, #tpu.memory_space<vmem>>, vector<1x1x16xf32>,
          %get3A_651 = vector.shape_cast %get3A_650 : vector<1x1x16xf32> to vector<16xf32>
          %add3A_652 = arith.addf %add3A_622, %get3A_651 : vector<16xf32>
          %get3A_653 = arith.constant 5 : i32
          %get3A_654 = arith.index_cast %get3A_653 : i32 to index
          %get3A_655 = arith.index_cast %scan3A_631 : i32 to index
          %get3A_656 = arith.constant 48 : index
          %get3A_657 = tpu.vector_load %arg8[%get3A_654, %get3A_655, %get3A_656] {strides = array<i32>} : memref<6x128x64xf32, #tpu.memory_space<vmem>>, vector<1x1x16xf32>,
          %get3A_658 = vector.shape_cast %get3A_657 : vector<1x1x16xf32> to vector<16xf32>
          %add3A_659 = arith.addf %add3A_629, %get3A_658 : vector<16xf32>
          %scan3A_660 = arith.constant 4 : i32
          %scan3A_661 = arith.addi %scan3A_537, %scan3A_660 : i32
          %get3A_662 = arith.constant 5 : i32
          %get3A_663 = arith.index_cast %get3A_662 : i32 to index
          %get3A_664 = arith.index_cast %scan3A_661 : i32 to index
          %get3A_665 = arith.constant 0 : index
          %get3A_666 = tpu.vector_load %arg8[%get3A_663, %get3A_664, %get3A_665] {strides = array<i32>} : memref<6x128x64xf32, #tpu.memory_space<vmem>>, vector<1x1x16xf32>,
          %get3A_667 = vector.shape_cast %get3A_666 : vector<1x1x16xf32> to vector<16xf32>
          %add3A_668 = arith.addf %add3A_638, %get3A_667 : vector<16xf32>
          %get3A_669 = arith.constant 5 : i32
          %get3A_670 = arith.index_cast %get3A_669 : i32 to index
          %get3A_671 = arith.index_cast %scan3A_661 : i32 to index
          %get3A_672 = arith.constant 16 : index
          %get3A_673 = tpu.vector_load %arg8[%get3A_670, %get3A_671, %get3A_672] {strides = array<i32>} : memref<6x128x64xf32, #tpu.memory_space<vmem>>, vector<1x1x16xf32>,
          %get3A_674 = vector.shape_cast %get3A_673 : vector<1x1x16xf32> to vector<16xf32>
          %add3A_675 = arith.addf %add3A_645, %get3A_674 : vector<16xf32>
          %get3A_676 = arith.constant 5 : i32
          %get3A_677 = arith.index_cast %get3A_676 : i32 to index
          %get3A_678 = arith.index_cast %scan3A_661 : i32 to index
          %get3A_679 = arith.constant 32 : index
          %get3A_680 = tpu.vector_load %arg8[%get3A_677, %get3A_678, %get3A_679] {strides = array<i32>} : memref<6x128x64xf32, #tpu.memory_space<vmem>>, vector<1x1x16xf32>,
          %get3A_681 = vector.shape_cast %get3A_680 : vector<1x1x16xf32> to vector<16xf32>
          %add3A_682 = arith.addf %add3A_652, %get3A_681 : vector<16xf32>
          %get3A_683 = arith.constant 5 : i32
          %get3A_684 = arith.index_cast %get3A_683 : i32 to index
          %get3A_685 = arith.index_cast %scan3A_661 : i32 to index
          %get3A_686 = arith.constant 48 : index
          %get3A_687 = tpu.vector_load %arg8[%get3A_684, %get3A_685, %get3A_686] {strides = array<i32>} : memref<6x128x64xf32, #tpu.memory_space<vmem>>, vector<1x1x16xf32>,
          %get3A_688 = vector.shape_cast %get3A_687 : vector<1x1x16xf32> to vector<16xf32>
          %add3A_689 = arith.addf %add3A_659, %get3A_688 : vector<16xf32>
          %scan3A_690 = arith.constant 5 : i32
          %scan3A_691 = arith.addi %scan3A_537, %scan3A_690 : i32
          %get3A_692 = arith.constant 5 : i32
          %get3A_693 = arith.index_cast %get3A_692 : i32 to index
          %get3A_694 = arith.index_cast %scan3A_691 : i32 to index
          %get3A_695 = arith.constant 0 : index
          %get3A_696 = tpu.vector_load %arg8[%get3A_693, %get3A_694, %get3A_695] {strides = array<i32>} : memref<6x128x64xf32, #tpu.memory_space<vmem>>, vector<1x1x16xf32>,
          %get3A_697 = vector.shape_cast %get3A_696 : vector<1x1x16xf32> to vector<16xf32>
          %add3A_698 = arith.addf %add3A_668, %get3A_697 : vector<16xf32>
          %get3A_699 = arith.constant 5 : i32
          %get3A_700 = arith.index_cast %get3A_699 : i32 to index
          %get3A_701 = arith.index_cast %scan3A_691 : i32 to index
          %get3A_702 = arith.constant 16 : index
          %get3A_703 = tpu.vector_load %arg8[%get3A_700, %get3A_701, %get3A_702] {strides = array<i32>} : memref<6x128x64xf32, #tpu.memory_space<vmem>>, vector<1x1x16xf32>,
          %get3A_704 = vector.shape_cast %get3A_703 : vector<1x1x16xf32> to vector<16xf32>
          %add3A_705 = arith.addf %add3A_675, %get3A_704 : vector<16xf32>
          %get3A_706 = arith.constant 5 : i32
          %get3A_707 = arith.index_cast %get3A_706 : i32 to index
          %get3A_708 = arith.index_cast %scan3A_691 : i32 to index
          %get3A_709 = arith.constant 32 : index
          %get3A_710 = tpu.vector_load %arg8[%get3A_707, %get3A_708, %get3A_709] {strides = array<i32>} : memref<6x128x64xf32, #tpu.memory_space<vmem>>, vector<1x1x16xf32>,
          %get3A_711 = vector.shape_cast %get3A_710 : vector<1x1x16xf32> to vector<16xf32>
          %add3A_712 = arith.addf %add3A_682, %get3A_711 : vector<16xf32>
          %get3A_713 = arith.constant 5 : i32
          %get3A_714 = arith.index_cast %get3A_713 : i32 to index
          %get3A_715 = arith.index_cast %scan3A_691 : i32 to index
          %get3A_716 = arith.constant 48 : index
          %get3A_717 = tpu.vector_load %arg8[%get3A_714, %get3A_715, %get3A_716] {strides = array<i32>} : memref<6x128x64xf32, #tpu.memory_space<vmem>>, vector<1x1x16xf32>,
          %get3A_718 = vector.shape_cast %get3A_717 : vector<1x1x16xf32> to vector<16xf32>
          %add3A_719 = arith.addf %add3A_689, %get3A_718 : vector<16xf32>
          %scan3A_720 = arith.constant 6 : i32
          %scan3A_721 = arith.addi %scan3A_537, %scan3A_720 : i32
          %get3A_722 = arith.constant 5 : i32
          %get3A_723 = arith.index_cast %get3A_722 : i32 to index
          %get3A_724 = arith.index_cast %scan3A_721 : i32 to index
          %get3A_725 = arith.constant 0 : index
          %get3A_726 = tpu.vector_load %arg8[%get3A_723, %get3A_724, %get3A_725] {strides = array<i32>} : memref<6x128x64xf32, #tpu.memory_space<vmem>>, vector<1x1x16xf32>,
          %get3A_727 = vector.shape_cast %get3A_726 : vector<1x1x16xf32> to vector<16xf32>
          %add3A_728 = arith.addf %add3A_698, %get3A_727 : vector<16xf32>
          %get3A_729 = arith.constant 5 : i32
          %get3A_730 = arith.index_cast %get3A_729 : i32 to index
          %get3A_731 = arith.index_cast %scan3A_721 : i32 to index
          %get3A_732 = arith.constant 16 : index
          %get3A_733 = tpu.vector_load %arg8[%get3A_730, %get3A_731, %get3A_732] {strides = array<i32>} : memref<6x128x64xf32, #tpu.memory_space<vmem>>, vector<1x1x16xf32>,
          %get3A_734 = vector.shape_cast %get3A_733 : vector<1x1x16xf32> to vector<16xf32>
          %add3A_735 = arith.addf %add3A_705, %get3A_734 : vector<16xf32>
          %get3A_736 = arith.constant 5 : i32
          %get3A_737 = arith.index_cast %get3A_736 : i32 to index
          %get3A_738 = arith.index_cast %scan3A_721 : i32 to index
          %get3A_739 = arith.constant 32 : index
          %get3A_740 = tpu.vector_load %arg8[%get3A_737, %get3A_738, %get3A_739] {strides = array<i32>} : memref<6x128x64xf32, #tpu.memory_space<vmem>>, vector<1x1x16xf32>,
          %get3A_741 = vector.shape_cast %get3A_740 : vector<1x1x16xf32> to vector<16xf32>
          %add3A_742 = arith.addf %add3A_712, %get3A_741 : vector<16xf32>
          %get3A_743 = arith.constant 5 : i32
          %get3A_744 = arith.index_cast %get3A_743 : i32 to index
          %get3A_745 = arith.index_cast %scan3A_721 : i32 to index
          %get3A_746 = arith.constant 48 : index
          %get3A_747 = tpu.vector_load %arg8[%get3A_744, %get3A_745, %get3A_746] {strides = array<i32>} : memref<6x128x64xf32, #tpu.memory_space<vmem>>, vector<1x1x16xf32>,
          %get3A_748 = vector.shape_cast %get3A_747 : vector<1x1x16xf32> to vector<16xf32>
          %add3A_749 = arith.addf %add3A_719, %get3A_748 : vector<16xf32>
          %scan3A_750 = arith.constant 7 : i32
          %scan3A_751 = arith.addi %scan3A_537, %scan3A_750 : i32
          %get3A_752 = arith.constant 5 : i32
          %get3A_753 = arith.index_cast %get3A_752 : i32 to index
          %get3A_754 = arith.index_cast %scan3A_751 : i32 to index
          %get3A_755 = arith.constant 0 : index
          %get3A_756 = tpu.vector_load %arg8[%get3A_753, %get3A_754, %get3A_755] {strides = array<i32>} : memref<6x128x64xf32, #tpu.memory_space<vmem>>, vector<1x1x16xf32>,
          %get3A_757 = vector.shape_cast %get3A_756 : vector<1x1x16xf32> to vector<16xf32>
          %add3A_758 = arith.addf %add3A_728, %get3A_757 : vector<16xf32>
          %get3A_759 = arith.constant 5 : i32
          %get3A_760 = arith.index_cast %get3A_759 : i32 to index
          %get3A_761 = arith.index_cast %scan3A_751 : i32 to index
          %get3A_762 = arith.constant 16 : index
          %get3A_763 = tpu.vector_load %arg8[%get3A_760, %get3A_761, %get3A_762] {strides = array<i32>} : memref<6x128x64xf32, #tpu.memory_space<vmem>>, vector<1x1x16xf32>,
          %get3A_764 = vector.shape_cast %get3A_763 : vector<1x1x16xf32> to vector<16xf32>
          %add3A_765 = arith.addf %add3A_735, %get3A_764 : vector<16xf32>
          %get3A_766 = arith.constant 5 : i32
          %get3A_767 = arith.index_cast %get3A_766 : i32 to index
          %get3A_768 = arith.index_cast %scan3A_751 : i32 to index
          %get3A_769 = arith.constant 32 : index
          %get3A_770 = tpu.vector_load %arg8[%get3A_767, %get3A_768, %get3A_769] {strides = array<i32>} : memref<6x128x64xf32, #tpu.memory_space<vmem>>, vector<1x1x16xf32>,
          %get3A_771 = vector.shape_cast %get3A_770 : vector<1x1x16xf32> to vector<16xf32>
          %add3A_772 = arith.addf %add3A_742, %get3A_771 : vector<16xf32>
          %get3A_773 = arith.constant 5 : i32
          %get3A_774 = arith.index_cast %get3A_773 : i32 to index
          %get3A_775 = arith.index_cast %scan3A_751 : i32 to index
          %get3A_776 = arith.constant 48 : index
          %get3A_777 = tpu.vector_load %arg8[%get3A_774, %get3A_775, %get3A_776] {strides = array<i32>} : memref<6x128x64xf32, #tpu.memory_space<vmem>>, vector<1x1x16xf32>,
          %get3A_778 = vector.shape_cast %get3A_777 : vector<1x1x16xf32> to vector<16xf32>
          %add3A_779 = arith.addf %add3A_749, %get3A_778 : vector<16xf32>
          scf.yield %add3A_758, %add3A_765, %add3A_772, %add3A_779 : vector<16xf32>, vector<16xf32>, vector<16xf32>, vector<16xf32>
        }
        %scan3A_496 = arith.constant 128 : i32
        %get3A_497 = arith.index_cast %squeeze3A_464 : i32 to index
        %get3A_498 = arith.constant 0 : index
        %get3A_499 = tpu.vector_load %arg11[%get3A_497, %get3A_498] {strides = array<i32>} : memref<256x64xf32, #tpu.memory_space<vmem>>, vector<1x16xf32>,
        %get3A_500 = vector.shape_cast %get3A_499 : vector<1x16xf32> to vector<16xf32>
        %add3A_501 = arith.addf %get3A_500, %scan3A_495#0 : vector<16xf32>
        %swap3A_502 = arith.index_cast %squeeze3A_464 : i32 to index
        %swap3A_503 = arith.constant 0 : index
        %swap3A_504 = tpu.vector_load %arg11[%swap3A_502, %swap3A_503] {strides = array<i32>} : memref<256x64xf32, #tpu.memory_space<vmem>>, vector<1x16xf32>,
        %swap3A_505 = vector.shape_cast %swap3A_504 : vector<1x16xf32> to vector<16xf32>
        %swap3A_506 = vector.shape_cast %add3A_501 : vector<16xf32> to vector<1x16xf32>
        tpu.vector_store %arg11[%swap3A_502, %swap3A_503], %swap3A_506 {strides = array<i32>} : memref<256x64xf32, #tpu.memory_space<vmem>>, vector<1x16xf32>,
        %get3A_507 = arith.index_cast %squeeze3A_464 : i32 to index
        %get3A_508 = arith.constant 16 : index
        %get3A_509 = tpu.vector_load %arg11[%get3A_507, %get3A_508] {strides = array<i32>} : memref<256x64xf32, #tpu.memory_space<vmem>>, vector<1x16xf32>,
        %get3A_510 = vector.shape_cast %get3A_509 : vector<1x16xf32> to vector<16xf32>
        %add3A_511 = arith.addf %get3A_510, %scan3A_495#1 : vector<16xf32>
        %swap3A_512 = arith.index_cast %squeeze3A_464 : i32 to index
        %swap3A_513 = arith.constant 16 : index
        %swap3A_514 = tpu.vector_load %arg11[%swap3A_512, %swap3A_513] {strides = array<i32>} : memref<256x64xf32, #tpu.memory_space<vmem>>, vector<1x16xf32>,
        %swap3A_515 = vector.shape_cast %swap3A_514 : vector<1x16xf32> to vector<16xf32>
        %swap3A_516 = vector.shape_cast %add3A_511 : vector<16xf32> to vector<1x16xf32>
        tpu.vector_store %arg11[%swap3A_512, %swap3A_513], %swap3A_516 {strides = array<i32>} : memref<256x64xf32, #tpu.memory_space<vmem>>, vector<1x16xf32>,
        %get3A_517 = arith.index_cast %squeeze3A_464 : i32 to index
        %get3A_518 = arith.constant 32 : index
        %get3A_519 = tpu.vector_load %arg11[%get3A_517, %get3A_518] {strides = array<i32>} : memref<256x64xf32, #tpu.memory_space<vmem>>, vector<1x16xf32>,
        %get3A_520 = vector.shape_cast %get3A_519 : vector<1x16xf32> to vector<16xf32>
        %add3A_521 = arith.addf %get3A_520, %scan3A_495#2 : vector<16xf32>
        %swap3A_522 = arith.index_cast %squeeze3A_464 : i32 to index
        %swap3A_523 = arith.constant 32 : index
        %swap3A_524 = tpu.vector_load %arg11[%swap3A_522, %swap3A_523] {strides = array<i32>} : memref<256x64xf32, #tpu.memory_space<vmem>>, vector<1x16xf32>,
        %swap3A_525 = vector.shape_cast %swap3A_524 : vector<1x16xf32> to vector<16xf32>
        %swap3A_526 = vector.shape_cast %add3A_521 : vector<16xf32> to vector<1x16xf32>
        tpu.vector_store %arg11[%swap3A_522, %swap3A_523], %swap3A_526 {strides = array<i32>} : memref<256x64xf32, #tpu.memory_space<vmem>>, vector<1x16xf32>,
        %get3A_527 = arith.index_cast %squeeze3A_464 : i32 to index
        %get3A_528 = arith.constant 48 : index
        %get3A_529 = tpu.vector_load %arg11[%get3A_527, %get3A_528] {strides = array<i32>} : memref<256x64xf32, #tpu.memory_space<vmem>>, vector<1x16xf32>,
        %get3A_530 = vector.shape_cast %get3A_529 : vector<1x16xf32> to vector<16xf32>
        %add3A_531 = arith.addf %get3A_530, %scan3A_495#3 : vector<16xf32>
        %swap3A_532 = arith.index_cast %squeeze3A_464 : i32 to index
        %swap3A_533 = arith.constant 48 : index
        %swap3A_534 = tpu.vector_load %arg11[%swap3A_532, %swap3A_533] {strides = array<i32>} : memref<256x64xf32, #tpu.memory_space<vmem>>, vector<1x16xf32>,
        %swap3A_535 = vector.shape_cast %swap3A_534 : vector<1x16xf32> to vector<16xf32>
        %swap3A_536 = vector.shape_cast %add3A_531 : vector<16xf32> to vector<1x16xf32>
        tpu.vector_store %arg11[%swap3A_532, %swap3A_533], %swap3A_536 {strides = array<i32>} : memref<256x64xf32, #tpu.memory_space<vmem>>, vector<1x16xf32>,
      } else {
      }
      %ne3A_471 = arith.cmpi ne, %squeeze3A_464, %squeeze3A_466 : i32
      %convert_element_type3A_472 = arith.extui %ne3A_471 : i1 to i32
      %cond3A_473 = arith.constant 0 : i32
      %cond3A_474 = arith.cmpi ne, %convert_element_type3A_472, %cond3A_473 : i32
      scf.if %cond3A_474 {
        %run_scoped3A = arith.constant 5 : i32
        "tpu.region"() ({
          %run_scoped3A_483 = tpu.sem_alloc : memref<!tpu.dma_semaphore, #tpu.memory_space<semaphore_mem>>
          %dma_start3A_484 = arith.constant 0 : i32
          %dma_start3A_485 = arith.constant 0 : i32
          %dma_start3A_486 = tpu.memref_slice %arg8[%run_scoped3A, %dma_start3A_484, %dma_start3A_485] : memref<6x128x64xf32, #tpu.memory_space<vmem>> -> memref<1x128x64xf32, #tpu.memory_space<vmem>>
          %dma_start3A_487 = tpu.memref_squeeze %dma_start3A_486 : memref<1x128x64xf32, #tpu.memory_space<vmem>> -> memref<128x64xf32, #tpu.memory_space<vmem>>
          %dma_start3A_488 = arith.constant 0 : i32
          %dma_start3A_489 = tpu.memref_slice %arg5[%add3A_443, %dma_start3A_488] : memref<48x128xi32, #tpu.memory_space<vmem>> -> memref<1x128xi32, #tpu.memory_space<vmem>>
          %dma_start3A_490 = tpu.memref_squeeze %dma_start3A_489 : memref<1x128xi32, #tpu.memory_space<vmem>> -> memref<128xi32, #tpu.memory_space<vmem>>
          %dma_start3A_491 = arith.constant 0 : i32
          %dma_start3A_492 = arith.constant 0 : i32
          %dma_start3A_493 = tpu.memref_slice %arg14[%dma_start3A_491, %dma_start3A_492] : memref<256x64xf32, #tpu.memory_space<vmem_shared>> -> memref<256x64xf32, #tpu.memory_space<vmem_shared>>
          tpu.enqueue_indirect_dma source(%dma_start3A_487 : memref<128x64xf32, #tpu.memory_space<vmem>>) target(%dma_start3A_493 : memref<256x64xf32, #tpu.memory_space<vmem_shared>>) offsets(%dma_start3A_490 : memref<128xi32, #tpu.memory_space<vmem>>) semaphore(%run_scoped3A_483 : memref<!tpu.dma_semaphore, #tpu.memory_space<semaphore_mem>>) {add = true}
          %dma_wait3A_494 = arith.constant 0 : i32
          %dma_wait3A_495 = arith.constant 0 : i32
          %dma_wait3A_496 = tpu.memref_slice %arg8[%run_scoped3A, %dma_wait3A_494, %dma_wait3A_495] : memref<6x128x64xf32, #tpu.memory_space<vmem>> -> memref<1x128x64xf32, #tpu.memory_space<vmem>>
          %dma_wait3A_497 = tpu.memref_squeeze %dma_wait3A_496 : memref<1x128x64xf32, #tpu.memory_space<vmem>> -> memref<128x64xf32, #tpu.memory_space<vmem>>
          %dma_wait3A_498 = arith.constant 0 : i32
          %dma_wait3A_499 = tpu.memref_slice %arg5[%add3A_443, %dma_wait3A_498] : memref<48x128xi32, #tpu.memory_space<vmem>> -> memref<1x128xi32, #tpu.memory_space<vmem>>
          %dma_wait3A_500 = tpu.memref_squeeze %dma_wait3A_499 : memref<1x128xi32, #tpu.memory_space<vmem>> -> memref<128xi32, #tpu.memory_space<vmem>>
          %dma_wait3A_501 = arith.constant 0 : i32
          %dma_wait3A_502 = arith.constant 0 : i32
          %dma_wait3A_503 = tpu.memref_slice %arg14[%dma_wait3A_501, %dma_wait3A_502] : memref<256x64xf32, #tpu.memory_space<vmem_shared>> -> memref<256x64xf32, #tpu.memory_space<vmem_shared>>
          tpu.wait_indirect_dma semaphore(%run_scoped3A_483 : memref<!tpu.dma_semaphore, #tpu.memory_space<semaphore_mem>>) src(%dma_wait3A_497 : memref<128x64xf32, #tpu.memory_space<vmem>>) dst(%dma_wait3A_503 : memref<256x64xf32, #tpu.memory_space<vmem_shared>>)
          tpu.yield
        }) : () -> ()
      } else {
      }
      %add3A_475 = arith.constant 6 : i32
      %add3A_476 = arith.addi %add3A_443, %add3A_475 : i32
      %lt3A_477 = arith.constant 48 : i32
      %lt3A_478 = arith.cmpi slt, %add3A_476, %lt3A_477 : i32
      %convert_element_type3A_479 = arith.extui %lt3A_478 : i1 to i32
      %cond3A_480 = arith.constant 0 : i32
      %cond3A_481 = arith.cmpi ne, %convert_element_type3A_479, %cond3A_480 : i32
      scf.if %cond3A_481 {
        %add3A_483 = arith.constant 6 : i32
        %add3A_484 = arith.addi %add3A_443, %add3A_483 : i32
        %mul3A_485 = arith.constant 128 : i32
        %mul3A_486 = arith.muli %add3A_484, %mul3A_485 : i32
        %add3A_487 = arith.addi %mul3A_2, %mul3A_486 : i32
        %dma_start3A_488 = arith.constant 5 : i32
        %dma_start3A_489 = arith.constant 0 : i32
        %dma_start3A_490 = arith.constant 0 : i32
        %dma_start3A_491 = tpu.memref_slice %arg8[%dma_start3A_488, %dma_start3A_489, %dma_start3A_490] : memref<6x128x64xf32, #tpu.memory_space<vmem>> -> memref<1x128x64xf32, #tpu.memory_space<vmem>>
        %dma_start3A_492 = tpu.memref_squeeze %dma_start3A_491 : memref<1x128x64xf32, #tpu.memory_space<vmem>> -> memref<128x64xf32, #tpu.memory_space<vmem>>
        %dma_start3A_493 = tpu.memref_slice %arg2[%add3A_487, %mul3A_0] : memref<100000x128xf32, #tpu.memory_space<hbm>> -> memref<128x64xf32, #tpu.memory_space<hbm>>
        %dma_start3A_494 = arith.constant 0 : i32
        %dma_start3A_495 = arith.constant 0 : i32
        %dma_start3A_496 = tpu.memref_slice %arg8[%dma_start3A_488, %dma_start3A_494, %dma_start3A_495] : memref<6x128x64xf32, #tpu.memory_space<vmem>> -> memref<1x128x64xf32, #tpu.memory_space<vmem>>
        %dma_start3A_497 = tpu.memref_squeeze %dma_start3A_496 : memref<1x128x64xf32, #tpu.memory_space<vmem>> -> memref<128x64xf32, #tpu.memory_space<vmem>>
        %dma_start3A_498 = tpu.memref_slice %arg2[%add3A_487, %mul3A_0] : memref<100000x128xf32, #tpu.memory_space<hbm>> -> memref<128x64xf32, #tpu.memory_space<hbm>>
        tpu.enqueue_dma source(%dma_start3A_498 : memref<128x64xf32, #tpu.memory_space<hbm>>) target(%dma_start3A_497 : memref<128x64xf32, #tpu.memory_space<vmem>>) target_semaphore(%arg21 : memref<!tpu.dma_semaphore, #tpu.memory_space<semaphore_mem>>)
      } else {
      }
      %scan3A_482 = arith.constant 0 : i32
      scf.yield %scan3A_482 : i32
    }
    %scan3A_226 = arith.constant 8 : i32
    %add3A_227 = arith.constant 6144 : i32
    %add3A_228 = arith.addi %mul3A_2, %add3A_227 : i32
    %lt3A = arith.constant 15 : i32
    %lt3A_229 = arith.cmpi slt, %arg1, %lt3A : i32
    %convert_element_type3A_230 = arith.extui %lt3A_229 : i1 to i32
    %cond3A_231 = arith.constant 0 : i32
    %cond3A_232 = arith.cmpi ne, %convert_element_type3A_230, %cond3A_231 : i32
    scf.if %cond3A_232 {
      "tpu.region"() ({
        %run_scoped3A = tpu.sem_alloc : memref<!tpu.dma_semaphore, #tpu.memory_space<semaphore_mem>>
        %dma_start3A_243 = tpu.memref_slice %arg3[%add3A_228] : memref<100000xi32, #tpu.memory_space<hbm>> -> memref<112xi32, #tpu.memory_space<hbm>>
        %dma_start3A_244 = tpu.memref_slice %arg3[%add3A_228] : memref<100000xi32, #tpu.memory_space<hbm>> -> memref<112xi32, #tpu.memory_space<hbm>>
        tpu.enqueue_dma source(%dma_start3A_244 : memref<112xi32, #tpu.memory_space<hbm>>) target(%arg6 : memref<112xi32, #tpu.memory_space<vmem>>) target_semaphore(%run_scoped3A : memref<!tpu.dma_semaphore, #tpu.memory_space<semaphore_mem>>)
        %dma_wait3A = tpu.memref_slice %arg3[%add3A_228] : memref<100000xi32, #tpu.memory_space<hbm>> -> memref<112xi32, #tpu.memory_space<hbm>>
        %dma_wait3A_245 = tpu.memref_slice %arg3[%add3A_228] : memref<100000xi32, #tpu.memory_space<hbm>> -> memref<112xi32, #tpu.memory_space<hbm>>
        tpu.wait_dma2 semaphore(%run_scoped3A : memref<!tpu.dma_semaphore, #tpu.memory_space<semaphore_mem>>) src(%dma_wait3A_245 : memref<112xi32, #tpu.memory_space<hbm>>) dst(%arg6 : memref<112xi32, #tpu.memory_space<vmem>>)
        tpu.yield
      }) : () -> ()
      "tpu.region"() ({
        %run_scoped3A = tpu.sem_alloc : memref<!tpu.dma_semaphore, #tpu.memory_space<semaphore_mem>>
        %dma_start3A_243 = tpu.memref_slice %arg2[%add3A_228, %mul3A_0] : memref<100000x128xf32, #tpu.memory_space<hbm>> -> memref<112x64xf32, #tpu.memory_space<hbm>>
        %dma_start3A_244 = tpu.memref_slice %arg2[%add3A_228, %mul3A_0] : memref<100000x128xf32, #tpu.memory_space<hbm>> -> memref<112x64xf32, #tpu.memory_space<hbm>>
        tpu.enqueue_dma source(%dma_start3A_244 : memref<112x64xf32, #tpu.memory_space<hbm>>) target(%arg9 : memref<112x64xf32, #tpu.memory_space<vmem>>) target_semaphore(%run_scoped3A : memref<!tpu.dma_semaphore, #tpu.memory_space<semaphore_mem>>)
        %dma_wait3A = tpu.memref_slice %arg2[%add3A_228, %mul3A_0] : memref<100000x128xf32, #tpu.memory_space<hbm>> -> memref<112x64xf32, #tpu.memory_space<hbm>>
        %dma_wait3A_245 = tpu.memref_slice %arg2[%add3A_228, %mul3A_0] : memref<100000x128xf32, #tpu.memory_space<hbm>> -> memref<112x64xf32, #tpu.memory_space<hbm>>
        tpu.wait_dma2 semaphore(%run_scoped3A : memref<!tpu.dma_semaphore, #tpu.memory_space<semaphore_mem>>) src(%dma_wait3A_245 : memref<112x64xf32, #tpu.memory_space<hbm>>) dst(%arg9 : memref<112x64xf32, #tpu.memory_space<vmem>>)
        tpu.yield
      }) : () -> ()
      "tpu.region"() ({
        %run_scoped3A = tpu.sem_alloc : memref<!tpu.dma_semaphore, #tpu.memory_space<semaphore_mem>>
        %dma_start3A_243 = arith.constant 0 : i32
        %dma_start3A_244 = arith.constant 0 : i32
        %dma_start3A_245 = tpu.memref_slice %arg14[%dma_start3A_243, %dma_start3A_244] : memref<256x64xf32, #tpu.memory_space<vmem_shared>> -> memref<256x64xf32, #tpu.memory_space<vmem_shared>>
        tpu.enqueue_indirect_dma source(%arg9 : memref<112x64xf32, #tpu.memory_space<vmem>>) target(%dma_start3A_245 : memref<256x64xf32, #tpu.memory_space<vmem_shared>>) offsets(%arg6 : memref<112xi32, #tpu.memory_space<vmem>>) semaphore(%run_scoped3A : memref<!tpu.dma_semaphore, #tpu.memory_space<semaphore_mem>>) {add = true}
        %dma_wait3A = arith.constant 0 : i32
        %dma_wait3A_246 = arith.constant 0 : i32
        %dma_wait3A_247 = tpu.memref_slice %arg14[%dma_wait3A, %dma_wait3A_246] : memref<256x64xf32, #tpu.memory_space<vmem_shared>> -> memref<256x64xf32, #tpu.memory_space<vmem_shared>>
        tpu.wait_indirect_dma semaphore(%run_scoped3A : memref<!tpu.dma_semaphore, #tpu.memory_space<semaphore_mem>>) src(%arg9 : memref<112x64xf32, #tpu.memory_space<vmem>>) dst(%dma_wait3A_247 : memref<256x64xf32, #tpu.memory_space<vmem_shared>>)
        tpu.yield
      }) : () -> ()
    } else {
    }
    %eq3A_233 = arith.constant 15 : i32
    %eq3A_234 = arith.cmpi eq, %arg1, %eq3A_233 : i32
    %convert_element_type3A_235 = arith.extui %eq3A_234 : i1 to i32
    %cond3A_236 = arith.constant 0 : i32
    %cond3A_237 = arith.cmpi ne, %convert_element_type3A_235, %cond3A_236 : i32
    scf.if %cond3A_237 {
      "tpu.region"() ({
        %run_scoped3A = tpu.sem_alloc : memref<!tpu.dma_semaphore, #tpu.memory_space<semaphore_mem>>
        %dma_start3A_243 = tpu.memref_slice %arg3[%add3A_228] : memref<100000xi32, #tpu.memory_space<hbm>> -> memref<16xi32, #tpu.memory_space<hbm>>
        %dma_start3A_244 = tpu.memref_slice %arg3[%add3A_228] : memref<100000xi32, #tpu.memory_space<hbm>> -> memref<16xi32, #tpu.memory_space<hbm>>
        tpu.enqueue_dma source(%dma_start3A_244 : memref<16xi32, #tpu.memory_space<hbm>>) target(%arg7 : memref<16xi32, #tpu.memory_space<vmem>>) target_semaphore(%run_scoped3A : memref<!tpu.dma_semaphore, #tpu.memory_space<semaphore_mem>>)
        %dma_wait3A = tpu.memref_slice %arg3[%add3A_228] : memref<100000xi32, #tpu.memory_space<hbm>> -> memref<16xi32, #tpu.memory_space<hbm>>
        %dma_wait3A_245 = tpu.memref_slice %arg3[%add3A_228] : memref<100000xi32, #tpu.memory_space<hbm>> -> memref<16xi32, #tpu.memory_space<hbm>>
        tpu.wait_dma2 semaphore(%run_scoped3A : memref<!tpu.dma_semaphore, #tpu.memory_space<semaphore_mem>>) src(%dma_wait3A_245 : memref<16xi32, #tpu.memory_space<hbm>>) dst(%arg7 : memref<16xi32, #tpu.memory_space<vmem>>)
        tpu.yield
      }) : () -> ()
      "tpu.region"() ({
        %run_scoped3A = tpu.sem_alloc : memref<!tpu.dma_semaphore, #tpu.memory_space<semaphore_mem>>
        %dma_start3A_243 = tpu.memref_slice %arg2[%add3A_228, %mul3A_0] : memref<100000x128xf32, #tpu.memory_space<hbm>> -> memref<16x64xf32, #tpu.memory_space<hbm>>
        %dma_start3A_244 = tpu.memref_slice %arg2[%add3A_228, %mul3A_0] : memref<100000x128xf32, #tpu.memory_space<hbm>> -> memref<16x64xf32, #tpu.memory_space<hbm>>
        tpu.enqueue_dma source(%dma_start3A_244 : memref<16x64xf32, #tpu.memory_space<hbm>>) target(%arg10 : memref<16x64xf32, #tpu.memory_space<vmem>>) target_semaphore(%run_scoped3A : memref<!tpu.dma_semaphore, #tpu.memory_space<semaphore_mem>>)
        %dma_wait3A = tpu.memref_slice %arg2[%add3A_228, %mul3A_0] : memref<100000x128xf32, #tpu.memory_space<hbm>> -> memref<16x64xf32, #tpu.memory_space<hbm>>
        %dma_wait3A_245 = tpu.memref_slice %arg2[%add3A_228, %mul3A_0] : memref<100000x128xf32, #tpu.memory_space<hbm>> -> memref<16x64xf32, #tpu.memory_space<hbm>>
        tpu.wait_dma2 semaphore(%run_scoped3A : memref<!tpu.dma_semaphore, #tpu.memory_space<semaphore_mem>>) src(%dma_wait3A_245 : memref<16x64xf32, #tpu.memory_space<hbm>>) dst(%arg10 : memref<16x64xf32, #tpu.memory_space<vmem>>)
        tpu.yield
      }) : () -> ()
      "tpu.region"() ({
        %run_scoped3A = tpu.sem_alloc : memref<!tpu.dma_semaphore, #tpu.memory_space<semaphore_mem>>
        %dma_start3A_243 = arith.constant 0 : i32
        %dma_start3A_244 = arith.constant 0 : i32
        %dma_start3A_245 = tpu.memref_slice %arg14[%dma_start3A_243, %dma_start3A_244] : memref<256x64xf32, #tpu.memory_space<vmem_shared>> -> memref<256x64xf32, #tpu.memory_space<vmem_shared>>
        tpu.enqueue_indirect_dma source(%arg10 : memref<16x64xf32, #tpu.memory_space<vmem>>) target(%dma_start3A_245 : memref<256x64xf32, #tpu.memory_space<vmem_shared>>) offsets(%arg7 : memref<16xi32, #tpu.memory_space<vmem>>) semaphore(%run_scoped3A : memref<!tpu.dma_semaphore, #tpu.memory_space<semaphore_mem>>) {add = true}
        %dma_wait3A = arith.constant 0 : i32
        %dma_wait3A_246 = arith.constant 0 : i32
        %dma_wait3A_247 = tpu.memref_slice %arg14[%dma_wait3A, %dma_wait3A_246] : memref<256x64xf32, #tpu.memory_space<vmem_shared>> -> memref<256x64xf32, #tpu.memory_space<vmem_shared>>
        tpu.wait_indirect_dma semaphore(%run_scoped3A : memref<!tpu.dma_semaphore, #tpu.memory_space<semaphore_mem>>) src(%arg10 : memref<16x64xf32, #tpu.memory_space<vmem>>) dst(%dma_wait3A_247 : memref<256x64xf32, #tpu.memory_space<vmem_shared>>)
        tpu.yield
      }) : () -> ()
    } else {
    }
    "tpu.region"() ({
      %run_scoped3A = tpu.sem_alloc : memref<!tpu.dma_semaphore, #tpu.memory_space<semaphore_mem>>
      %dma_start3A_243 = arith.constant 0 : i32
      %dma_start3A_244 = arith.constant 0 : i32
      %dma_start3A_245 = tpu.memref_slice %arg11[%dma_start3A_243, %dma_start3A_244] : memref<256x64xf32, #tpu.memory_space<vmem>> -> memref<128x64xf32, #tpu.memory_space<vmem>>
      %dma_start3A_246 = arith.constant 0 : i32
      %dma_start3A_247 = arith.constant 0 : i32
      %dma_start3A_248 = tpu.memref_slice %arg14[%dma_start3A_246, %dma_start3A_247] : memref<256x64xf32, #tpu.memory_space<vmem_shared>> -> memref<256x64xf32, #tpu.memory_space<vmem_shared>>
      tpu.enqueue_indirect_dma source(%dma_start3A_245 : memref<128x64xf32, #tpu.memory_space<vmem>>) target(%dma_start3A_248 : memref<256x64xf32, #tpu.memory_space<vmem_shared>>) offsets(%arg12 : memref<128xi32, #tpu.memory_space<vmem>>) semaphore(%run_scoped3A : memref<!tpu.dma_semaphore, #tpu.memory_space<semaphore_mem>>) {add = true}
      %dma_wait3A = arith.constant 0 : i32
      %dma_wait3A_249 = arith.constant 0 : i32
      %dma_wait3A_250 = tpu.memref_slice %arg11[%dma_wait3A, %dma_wait3A_249] : memref<256x64xf32, #tpu.memory_space<vmem>> -> memref<128x64xf32, #tpu.memory_space<vmem>>
      %dma_wait3A_251 = arith.constant 0 : i32
      %dma_wait3A_252 = arith.constant 0 : i32
      %dma_wait3A_253 = tpu.memref_slice %arg14[%dma_wait3A_251, %dma_wait3A_252] : memref<256x64xf32, #tpu.memory_space<vmem_shared>> -> memref<256x64xf32, #tpu.memory_space<vmem_shared>>
      tpu.wait_indirect_dma semaphore(%run_scoped3A : memref<!tpu.dma_semaphore, #tpu.memory_space<semaphore_mem>>) src(%dma_wait3A_250 : memref<128x64xf32, #tpu.memory_space<vmem>>) dst(%dma_wait3A_253 : memref<256x64xf32, #tpu.memory_space<vmem_shared>>)
      tpu.yield
    }) : () -> ()
    "tpu.region"() ({
      %run_scoped3A = tpu.sem_alloc : memref<!tpu.dma_semaphore, #tpu.memory_space<semaphore_mem>>
      %dma_start3A_243 = arith.constant 128 : i32
      %dma_start3A_244 = arith.constant 0 : i32
      %dma_start3A_245 = tpu.memref_slice %arg11[%dma_start3A_243, %dma_start3A_244] : memref<256x64xf32, #tpu.memory_space<vmem>> -> memref<128x64xf32, #tpu.memory_space<vmem>>
      %dma_start3A_246 = arith.constant 0 : i32
      %dma_start3A_247 = arith.constant 0 : i32
      %dma_start3A_248 = tpu.memref_slice %arg14[%dma_start3A_246, %dma_start3A_247] : memref<256x64xf32, #tpu.memory_space<vmem_shared>> -> memref<256x64xf32, #tpu.memory_space<vmem_shared>>
      tpu.enqueue_indirect_dma source(%dma_start3A_245 : memref<128x64xf32, #tpu.memory_space<vmem>>) target(%dma_start3A_248 : memref<256x64xf32, #tpu.memory_space<vmem_shared>>) offsets(%arg13 : memref<128xi32, #tpu.memory_space<vmem>>) semaphore(%run_scoped3A : memref<!tpu.dma_semaphore, #tpu.memory_space<semaphore_mem>>) {add = true}
      %dma_wait3A = arith.constant 128 : i32
      %dma_wait3A_249 = arith.constant 0 : i32
      %dma_wait3A_250 = tpu.memref_slice %arg11[%dma_wait3A, %dma_wait3A_249] : memref<256x64xf32, #tpu.memory_space<vmem>> -> memref<128x64xf32, #tpu.memory_space<vmem>>
      %dma_wait3A_251 = arith.constant 0 : i32
      %dma_wait3A_252 = arith.constant 0 : i32
      %dma_wait3A_253 = tpu.memref_slice %arg14[%dma_wait3A_251, %dma_wait3A_252] : memref<256x64xf32, #tpu.memory_space<vmem_shared>> -> memref<256x64xf32, #tpu.memory_space<vmem_shared>>
      tpu.wait_indirect_dma semaphore(%run_scoped3A : memref<!tpu.dma_semaphore, #tpu.memory_space<semaphore_mem>>) src(%dma_wait3A_250 : memref<128x64xf32, #tpu.memory_space<vmem>>) dst(%dma_wait3A_253 : memref<256x64xf32, #tpu.memory_space<vmem_shared>>)
      tpu.yield
    }) : () -> ()
    %barrier3A_238 = arith.constant 0 : index
    tpu.barrier barrier_id(%barrier3A_238)
    %mul3A_239 = arith.constant 16 : i32
    %mul3A_240 = arith.muli %arg1, %mul3A_239 : i32
    %mul3A_241 = arith.constant 16 : i32
    %mul3A_242 = arith.muli %arg1, %mul3A_241 : i32
    "tpu.region"() ({
      %run_scoped3A = tpu.sem_alloc : memref<!tpu.dma_semaphore, #tpu.memory_space<semaphore_mem>>
      %dma_start3A_243 = tpu.memref_slice %arg4[%mul3A_242, %mul3A_0] : memref<256x128xf32, #tpu.memory_space<hbm>> -> memref<16x64xf32, #tpu.memory_space<hbm>>
      %dma_start3A_244 = arith.constant 0 : i32
      %dma_start3A_245 = tpu.memref_slice %arg14[%mul3A_240, %dma_start3A_244] : memref<256x64xf32, #tpu.memory_space<vmem_shared>> -> memref<16x64xf32, #tpu.memory_space<vmem_shared>>
      tpu.enqueue_dma source(%dma_start3A_245 : memref<16x64xf32, #tpu.memory_space<vmem_shared>>) target(%dma_start3A_243 : memref<16x64xf32, #tpu.memory_space<hbm>>) target_semaphore(%run_scoped3A : memref<!tpu.dma_semaphore, #tpu.memory_space<semaphore_mem>>)
      %dma_wait3A = tpu.memref_slice %arg4[%mul3A_242, %mul3A_0] : memref<256x128xf32, #tpu.memory_space<hbm>> -> memref<16x64xf32, #tpu.memory_space<hbm>>
      %dma_wait3A_246 = arith.constant 0 : i32
      %dma_wait3A_247 = tpu.memref_slice %arg14[%mul3A_240, %dma_wait3A_246] : memref<256x64xf32, #tpu.memory_space<vmem_shared>> -> memref<16x64xf32, #tpu.memory_space<vmem_shared>>
      tpu.wait_dma2 semaphore(%run_scoped3A : memref<!tpu.dma_semaphore, #tpu.memory_space<semaphore_mem>>) src(%dma_wait3A_247 : memref<16x64xf32, #tpu.memory_space<vmem_shared>>) dst(%dma_wait3A : memref<16x64xf32, #tpu.memory_space<hbm>>)
      tpu.yield
    }) : () -> ()
    return
  }
}

</mosaic_0001>

<sc_bundles>
// kernel: kernel.3.cloned.1.call-start
scs
__scs_entry_jumppad:
0x0: {  	(pc) =	sbr.rel $0x88, $3  }
0x1: {  	(tag) =	ssettag $0x0;
	lr =	simm.s32 $0x1  }
0x2: {  	[smem:$0x3F9F] =	sst lr;
	_ =	strace $0xD0000000  }
0x3: {  	_ = 	snop  }
0x4: {  	_ = 	snop  }
0x5: {  	_ = 	snop  }
0x6: {  	_ = 	snop  }
0x7: {  	_ = 	snop  }
__scs_overlays_trampoline_lowered:
0x8: {  	[smem:$0x3FAE] =	sst s0  }
0x9: {  	[smem:$0x3FAF] =	sst s1  }
0xa: {  	[smem:$0x3FB0] =	sst s2  }
0xb: {  	[smem:$0x3FB1] =	sst s3  }
0xc: {  	[smem:$0x3FB2] =	sst s4  }
0xd: {  	[smem:$0x3FB3] =	sst s5  }
0xe: {  	[smem:$0x3FB4] =	sst s6  }
0xf: {  	[smem:$0x3FB5] =	sst s7  }
0x10: {  	[smem:$0x3FB6] =	sst s8  }
0x11: {  	[smem:$0x3FB7] =	sst s9;
	s0 =	simm.s32 @!p0 $0x0  }
0x12: {  	s1 =	sld [smem:$0x3F9D];
	s0 =	simm.s32 @p0 $0x1  }
0x13: {  	[smem:$0x3FB8] =	sst s0;
	s0 =	simm.s32 @!p1 $0x0  }
0x14: {  	s2 =	sld [smem:$0x3F9C];
	s0 =	simm.s32 @p1 $0x1  }
0x15: {  	[smem:$0x3FB9] =	sst s0;
	s0 =	simm.s32 @!p2 $0x0  }
0x16: {  	s3 =	sld [smem:$0x3FDB];
	s0 =	simm.s32 @p2 $0x1  }
0x17: {  	s4 =	simm.s32 $0x1BF5;
	[smem:$0x3FBB] =	sst s0  }
0x18: {  	s0 =	sld [smem:$0x3F9E];
	_ =	swait.ge [sflag:s4], $0x0  }
0x19: {  	s7 =	sld [smem:$0x3F9F]  }
0x1a: {  	s8 =	sadd.s32 $0xFFFFE003, lr  }
0x1b: {  	s9 =	sadd.s32 $0xFFFFFEF7, lr;
	s5 =	simm.s32 $0xFFFFFFFF;
	p2 =	slt.u32 s8, $0xFFFFF086  }
0x1c: {  	p1 =	slt.u32 s9, $0xF7A;
	s5 =	simm.s32 @!p2 $0x0  }
0x1d: {  	s5 =	simm.s32 @p1 $0x1;
	p0 =	seq.s32 s7, s2  }
0x1e: {  	s7 =	smul.u32 @!p0 $0xF7A, s2;
	p2 =	seq.s32 @!p0 s5, $0x0  }
0x1f: {  	s9 =	smul.u32 $0xF7A, s1;
	s8 =	simm.s32 @!p0 $0x1BF5;
	p2 =	por !p2, p0  }
0x20: {  	[sflag:s8] =	ssyncset.s32 @!p0 $0xFFFFF086;
	s6 =	sadd.s32 @!p0 s3, s7;
	s7 =	simm.s32 @!p0 $0x108  }
0x21: {  	s3 =	sadd.s32 s3, s9;
	s6 =	sadd.s32 @!p0 $0x88, s6;
	s7 =	simm.s32 @p2 $0x1082  }
0x22: {  	[simem:s7], [sflag:s8] =	dma.local @!p0 [hbm:s6], $0xF7A  }
0x23: {  	s9 =	sor.u32 $0xD0000000, s2;
	s6 =	simm.s32 $0x108;
	_ =	swait.ge @!p0 [sflag:s8], $0x0  }
0x24: {  	s3 =	sadd.s32 $0x88, s3;
	s6 =	simm.s32 @!p1 $0x1082;
	[sflag:s4] =	ssyncset.s32 $0xFFFFF086  }
0x25: {  	[simem:s6], [sflag:s4] =	dma.local [hbm:s3], $0xF7A  }
0x26: {  	[smem:$0x3F9F] =	sst s1;
	(tag) =	ssettag s2;
	_ =	strace s9  }
0x27: {  	s1 =	sld [smem:$0x3FAF]  }
0x28: {  	s2 =	sld [smem:$0x3FB0]  }
0x29: {  	s4 =	sld [smem:$0x3FB2]  }
0x2a: {  	p0 =	seq.s32 s5, $0x0;
	s5 =	sld [smem:$0x3FB3]  }
0x2b: {  	s6 =	sld [smem:$0x3FB4]  }
0x2c: {  	s7 =	sld [smem:$0x3FB5]  }
0x2d: {  	s3 =	simm.s32 $0x108;
	s8 =	sld [smem:$0x3FB6]  }
0x2e: {  	s3 =	simm.s32 @!p0 $0x1082;
	s9 =	sld [smem:$0x3FB7]  }
0x2f: {  	lr =	sadd.s32 s0, s3;
	s0 =	sld [smem:$0x3FAE]  }
0x30: {  	s3 =	sld [smem:$0x3FB1]  }
0x31: {  	[smem:$0x3FBA] =	sst s10  }
0x32: {  	s10 =	sld [smem:$0x3FB8];
	_ =	sdelay $0x3  }
0x33: {  	p0 =	seq.s32 s10, $0x1;
	s10 =	sld [smem:$0x3FBA];
	_ =	sdelay $0x3  }
0x34: {  	[smem:$0x3FBA] =	sst s10  }
0x35: {  	s10 =	sld [smem:$0x3FB9];
	_ =	sdelay $0x3  }
0x36: {  	p1 =	seq.s32 s10, $0x1;
	s10 =	sld [smem:$0x3FBA];
	_ =	sdelay $0x3  }
0x37: {  	[smem:$0x3FBA] =	sst s10  }
0x38: {  	s10 =	sld [smem:$0x3FBB]  }
0x39: {  	_ = 	snop;
	(pc) =	sbr.ind lr, $3  }
0x3a: {  	_ = 	snop  }
0x3b: {  	_ = 	snop  }
0x3c: {  	p2 =	seq.s32 s10, $0x1;
	s10 =	sld [smem:$0x3FBA]  }
0x3d: {  	_ =	shalt  }
0x3e: {  	_ =	shalt  }
0x3f: {  	_ =	shalt  }
0x40: {  	_ =	shalt  }
0x41: {  	_ =	shalt  }
0x42: {  	_ =	shalt  }
0x43: {  	_ =	shalt  }
0x44: {  	_ =	shalt  }
0x45: {  	_ =	shalt  }
0x46: {  	_ =	shalt  }
0x47: {  	_ =	shalt  }
0x48: {  	_ =	shalt  }
0x49: {  	_ =	shalt  }
0x4a: {  	_ =	shalt  }
0x4b: {  	_ =	shalt  }
0x4c: {  	_ =	shalt  }
0x4d: {  	_ =	shalt  }
0x4e: {  	_ =	shalt  }
0x4f: {  	_ =	shalt  }
0x50: {  	_ =	shalt  }
0x51: {  	_ =	shalt  }
0x52: {  	_ =	shalt  }
0x53: {  	_ =	shalt  }
0x54: {  	_ =	shalt  }
0x55: {  	_ =	shalt  }
0x56: {  	_ =	shalt  }
0x57: {  	_ =	shalt  }
0x58: {  	_ =	shalt  }
0x59: {  	_ =	shalt  }
0x5a: {  	_ =	shalt  }
0x5b: {  	_ =	shalt  }
0x5c: {  	_ =	shalt  }
0x5d: {  	_ =	shalt  }
0x5e: {  	_ =	shalt  }
0x5f: {  	_ =	shalt  }
0x60: {  	_ =	shalt  }
0x61: {  	_ =	shalt  }
0x62: {  	_ =	shalt  }
0x63: {  	_ =	shalt  }
0x64: {  	_ =	shalt  }
0x65: {  	_ =	shalt  }
0x66: {  	_ =	shalt  }
0x67: {  	_ =	shalt  }
0x68: {  	_ =	shalt  }
0x69: {  	_ =	shalt  }
0x6a: {  	_ =	shalt  }
0x6b: {  	_ =	shalt  }
0x6c: {  	_ =	shalt  }
0x6d: {  	_ =	shalt  }
0x6e: {  	_ =	shalt  }
0x6f: {  	_ =	shalt  }
0x70: {  	_ =	shalt  }
0x71: {  	_ =	shalt  }
0x72: {  	_ =	shalt  }
0x73: {  	_ =	shalt  }
0x74: {  	_ =	shalt  }
0x75: {  	_ =	shalt  }
0x76: {  	_ =	shalt  }
0x77: {  	_ =	shalt  }
0x78: {  	_ =	shalt  }
0x79: {  	_ =	shalt  }
0x7a: {  	_ =	shalt  }
0x7b: {  	_ =	shalt  }
0x7c: {  	_ =	shalt  }
0x7d: {  	_ =	shalt  }
0x7e: {  	_ =	shalt  }
0x7f: {  	_ =	shalt  }
0x80: {  	_ =	shalt  }
0x81: {  	_ =	shalt  }
0x82: {  	_ =	shalt  }
0x83: {  	_ =	shalt  }
0x84: {  	_ =	shalt  }
0x85: {  	_ =	shalt  }
0x86: {  	_ =	shalt  }
0x87: {  	_ =	shalt  }
.Lfunc_end0:
.L_simem_size_0:
called_computation_lowered:
.L_overlay_start_0:
0x88: {  	s2 =	sld [smem:$0x3FD9]  }
0x89: {  	s3 =	sld [smem:$0x3FFE];
	_ =	sdelay $0x1  }
0x8a: {  	s1 =	srdreg.scid  }
0x8b: {  	s0 =	sand.u32 $0x1, s1  }
0x8c: {  	s18 =	sshll.u32 s0, $0xA;
	s2 =	sadd.s32 s3, s2  }
0x8d: {  	s2 =	sadd.s32 s2, s18  }
0x8e: {  	[smem:$0x3FC6] =	sst s2  }
0x8f: {  	_ = 	snop  }
0x90: {  	s2 =	sld [smem:$0x3FC9]  }
0x91: {  	s19 =	sld [smem:$0x3FC8]  }
0x92: {  	s4 =	sld [smem:$0x3FD0];
	(tm) =	ssettm $0x1  }
0x93: {  	s5 =	sld [smem:$0x3FFB];
	_ =	sdelay $0x3  }
0x94: {  	_ =	strace s5  }
0x95: {  	s5 =	sld [smem:$0x3FFC];
	_ =	sdelay $0x3  }
0x96: {  	_ =	strace s5  }
0x97: {  	s5 =	sld [smem:$0x3FFD];
	_ =	sdelay $0x3  }
0x98: {  	_ =	strace s5  }
0x99: {  	_ =	strace $0x8FFFFFFF  }
0x9a: {  	s20 =	sld [smem:$0x3FDB];
	_ =	sdelay $0x1  }
0x9b: {  	s6 =	simm.s32 $_scs_section_size  }
0x9c: {  	s7 =	simm.s32 $_size__tile_overlayer_lowered;
	s8 =	simm.s32 $_tile_overlayer_lowered  }
0x9d: {  	s23 =	simm.s32 $0x1BFF;
	s22 =	sshll.u32 s8, $0x1;
	s5 =	sadd.s32 s6, s20  }
0x9e: {  	s9 =	simm.s32 $0x0;
	s21 =	sshll.u32 s7, $0x1;
	s7 =	sadd.s32 s22, s5  }
0x9f: {  	[timem:s9], [sflag:s23] =	dma.local [hbm:s7], s21  }
0xa0: {  	_ =	swait.ge [sflag:s23], s21  }
0xa1: {  	s6 =	ssub.s32 $0x0, s21;
	[sflag:s23] =	ssyncset.done $0x0  }
0xa2: {  	[sflag:s23] =	ssyncadd.s32 s6;
	_ =	sdelay $0x1  }
0xa3: {  	s24 =	simm.s32 $0x1B8B  }
0xa4: {  	_ =	swait.ge [sflag:s24], $0x1  }
0xa5: {  	[sflag:s24] =	ssyncset.done $0x0  }
0xa6: {  	s25 =	simm.s32 $0x1B8E;
	[sflag:s24] =	ssyncadd.s32 $0xFFFFFFFF  }
0xa7: {  	s26 =	simm.s32 $execute0_lowered;
	[smem:$0x3FD2] =	sst s25  }
0xa8: {  	s6 =	sshll.u32 s26, $0x1;
	_ =	strace $0x80000046;
	[dreg:$0x1] =	wrdreg $0xFFFFFFFF  }
0xa9: {  	s28 =	simm.s32 $_size_execute0_lowered;
	s5 =	sadd.s32 s5, s6;
	[dreg:$0x0] =	wrdreg $0x0  }
0xaa: {  	s6 =	sshll.u32 s28, $0x1;
	[dreg:$0x2] =	wrdreg s5  }
0xab: {  	[dreg:$0x3] =	wrdreg s6  }
0xac: {  	[dreg:$0x4] =	wrdreg $0xC0  }
0xad: {  	_ =	task [dreg:s9], $0x5FFFF  }
0xae: {  	[dreg:$0x1] =	wrdreg $0xFFFFFFFF  }
0xaf: {  	[dreg:$0x0] =	wrdreg $0x60  }
0xb0: {  	[dreg:$0x2] =	wrdreg s2  }
0xb1: {  	[dreg:$0x3] =	wrdreg s19  }
0xb2: {  	[dreg:$0x4] =	wrdreg s4  }
0xb3: {  	[dreg:$0x5] =	wrdreg $0x139800  }
0xb4: {  	[dreg:$0x6] =	wrdreg $0x9  }
0xb5: {  	_ =	task.clear_ibuf [dreg:s9], $0x7FFFF;
	_ =	strace $0x90000046  }
0xb6: {  	s29 =	simm.s32 $0x9;
	_ =	strace $0x80000048  }
0xb7: {  	_ =	swait.ge [sflag:s29], $0x1  }
0xb8: {  	[sflag:s29] =	ssyncadd.s32 $0xFFFFFFFF  }
0xb9: {  	_ =	strace $0x90000048  }
0xba: {  	_ =	sfence  }
0xbb: {  	s30 =	sld [smem:$0x0];
	_ =	sdelay $0x2  }
0xbc: {  	s31 =	sshll.u32 s1, $0xD;
	s1 =	sshrl.u32 s1, $0x2  }
0xbd: {  	s3 =	sand.u32 $0x4000, s31;
	s1 =	sadd.s32 s1, s30  }
0xbe: {  	s0 =	sor.u32 s3, s0;
	s1 =	sshll.u32 s1, $0x11  }
0xbf: {  	s0 =	sor.u32 s1, s0  }
0xc0: {  	s0 =	sadd.s32 $0x8F2B, s0  }
0xc1: {  	[sflag:s0] =	ssyncadd.remote.s32 $0x1  }
0xc2: {  	_ =	sfence.sel $0xFFFF  }
0xc3: {  	[dreg:$0x0] =	wrdreg $0xFFFFFFFF;
	(pc) =	sbr.abs _section_cstart, $3  }
0xc4: {  	[dreg:$0x1] =	wrdreg $0xFFFFFFFF  }
0xc5: {  	_ =	task.clear_ibuf [dreg:s9], $0x2FFFF;
	_ =	strace $0x9FFFFFFF  }
0xc6: {  	(tm) =	ssettm $0x7FFFFFFF  }
0xc7: {  	_ =	shalt  }
tec
execute0_lowered:
.L_overlay_start_1:
0x0: {  	(tag) =	ssettag $0x1  }
0x1: {  	s1 =	rddreg [dreg:$0x0]  }
0x2: {  	s0 =	rddreg [dreg:$0x1]  }
0x3: {  	s3 =	rddreg [dreg:$0x2]  }
0x4: {  	s2 =	rddreg [dreg:$0x3];
	s4 =	srdreg.scid  }
0x5: {  	s17 =	stileid.u32;
	s30 =	simm.s32 $0x5880;
	s31 =	simm.s32 $0x7880  }
0x6: {  	s5 =	sand.u32 $0x1, s4;
	s4 =	simm.s32 $0x0;
	s7 =	smul.u32 $0xC3800, s17  }
0x7: {  	s29 =	smul.u32 $0x1870, s17;
	s22 =	sshll.u32 s17, $0xB;
	s24 =	sshll.u32 s17, $0xA  }
0x8: {  	s25 =	smul.u32 $0x30E, s17;
	s26 =	sadd.s32 $0x30D2, s0;
	p0 =	sne.s32 s17, $0x0  }
0x9: {  	p1 =	seq.s32 s17, $0xF;
	s17 =	simm.s32 $0x7;
	s6 =	ssub.s32 $0x2, s5  }
0xa: {  	[smem:$0x7FF] =	sst s4;
	s9 =	sshll.u32 s5, $0x6;
	s5 =	sshll.u32 s5, $0x3  }
0xb: {  	s8 =	sshrl.u32 s6, $0x1;
	_ =	strace $0x80000047;
	s7 =	sor.u32 s9, s7  }
0xc: {  	s5 =	sadd.s32 s5, s1;
	[dreg:$0xe] =	wrdreg s26;
	s26 =	simm.s32 $0x80  }
0xd: {  	s6 =	ssub.s32 s6, s8;
	s10 =	sadd.s32 $0x4000, s7;
	s11 =	sadd.s32 $0x8000, s7  }
0xe: {  	s12 =	sshrl.u32 s7, $0x3;
	s14 =	sadd.s32 $0xC000, s7;
	s15 =	sadd.s32 $0x10000, s7  }
0xf: {  	s16 =	sadd.s32 $0x14000, s7;
	s8 =	sadd.s32 $0x1800, s29;
	s5 =	sadd.s32 $0x186900, s5  }
0x10: {  	s10 =	sshrl.u32 s10, $0x3;
	s11 =	sshrl.u32 s11, $0x3;
	s12 =	sadd.s32 s1, s12  }
0x11: {  	s20 =	sshrl.u32 s8, $0x3;
	s8 =	sshll.u32 s8, $0x7;
	[dreg:$0xf] =	wrdreg s5  }
0x12: {  	s28 =	smax.u32 s6, $0x1;
	s5 =	simm.s32 $0x1;
	s6 =	simm.s32 $0x2  }
0x13: {  	[dreg:$0x5] =	wrdreg s12;
	s10 =	sadd.s32 s1, s10;
	s13 =	sadd.s32 s1, s11  }
0x14: {  	s11 =	sshrl.u32 s15, $0x3;
	s12 =	sshrl.u32 s16, $0x3;
	s15 =	sadd.s32 $0x28000, s7  }
0x15: {  	s16 =	sadd.s32 $0x2C000, s7;
	s21 =	sor.u32 s9, s8;
	[dreg:$0x10] =	wrdreg s28  }
0x16: {  	s8 =	sor.u32 s9, s22;
	s9 =	simm.s32 $0x5;
	[dreg:$0x6] =	wrdreg s10  }
0x17: {  	[dreg:$0x7] =	wrdreg s13;
	s10 =	sshrl.u32 s14, $0x3;
	s18 =	sadd.s32 s1, s11  }
0x18: {  	s19 =	sadd.s32 s1, s12;
	s11 =	sadd.s32 $0x18000, s7;
	s12 =	sadd.s32 $0x1C000, s7  }
0x19: {  	s13 =	sadd.s32 $0x20000, s7;
	s14 =	sadd.s32 $0x24000, s7;
	s7 =	sadd.s32 s0, s20  }
0x1a: {  	s23 =	sshrl.u32 s8, $0x3;
	s8 =	simm.s32 $0x4;
	[dreg:$0x9] =	wrdreg s18  }
0x1b: {  	s20 =	simm.s32 $0x0;
	s10 =	sadd.s32 s1, s10;
	[dreg:$0xa] =	wrdreg s19  }
0x1c: {  	v0 =	vimm.f32 $0.0e+00;
	v1 =	vlaneseq.u32;
	[dreg:$0xb] =	wrdreg s7;
	s7 =	sshrl.u32 s21, $0x3;
	s3 =	sadd.s32 s3, s23  }
.Ltmp0:
0x1d: {  	v2 =	vor.u32 $0x80, v1;
	v3 =	vor.u32 $0x10, v1;
	v4 =	vor.u32 $0x90, v1;
	s23 =	sadd.s32 s25, s0;
	s0 =	simm.s32 $0x9880;
	(pc) =	sbr.rel .LBB2_1-.Ltmp0, $4  }
0x1e: {  	v5 =	vor.u32 $0x20, v1;
	v6 =	vor.u32 $0xA0, v1;
	v7 =	vor.u32 $0x30, v1;
	s18 =	simm.s32 $0x8;
	[dreg:$0x8] =	wrdreg s10;
	s7 =	sadd.s32 s1, s7  }
0x1f: {  	v8 =	vor.u32 $0xB0, v1;
	v9 =	vor.u32 $0x40, v1;
	v10 =	vor.u32 $0xC0, v1;
	[dreg:$0xd] =	wrdreg s3;
	s3 =	sadd.s32 s24, s2;
	s24 =	simm.s32 $0x40  }
0x20: {  	v11 =	vor.u32 $0x50, v1;
	v12 =	vor.u32 $0xD0, v1;
	v13 =	vor.u32 $0x60, v1;
	s10 =	simm.s32 $0x6;
	[dreg:$0xc] =	wrdreg s7;
	s29 =	sshrl.u32 s3, $0x3  }
0x21: {  	v14 =	vor.u32 $0xE0, v1;
	v15 =	vor.u32 $0x70, v1;
	v16 =	vor.u32 $0xF0, v1;
	s3 =	simm.s32 $0xB880;
	s7 =	simm.s32 $0x3;
	[dreg:$0x11] =	wrdreg s29  }
.LBB2_40:
0x22: {  	s19 =	simm.s32 @p1 $0x0;
	s20 =	simm.s32 @p1 $0x1870;
	s21 =	rddreg [dreg:$0xe]  }
0x23: {  	[tilespmem:s20], [sflag:$0x8] =	stream.linear.gather @p1 [hbm4b:s21+s19], $0x10, $0x38;
	[tilespmem:$0x13D80] =	vst v63  }
0x24: {  	s19 =	simm.s32 @p1 $0x8  }
0x25: {  	_ =	swait.ge @p1 [sflag:s19], $0x10  }
0x26: {  	s22 =	simm.s32 @p1 $0x80;
	s25 =	simm.s32 @p1 $0xF480;
	[sflag:s19] =	ssyncset.done @p1 $0x0  }
0x27: {  	s21 =	simm.s32 @p1 $0x40;
	s28 =	rddreg [dreg:$0xf];
	[sflag:s19] =	ssyncadd.s32 @p1 $0xFFFFFFF0  }
0x28: {  	[tilespmem:s25], [sflag:$0x8] =	stream.strided.gather @p1 [hbm4b:s28+s21], $0x400, s22, s21, $0x38;
	[tilespmem:$0x13D80] =	vst v63  }
0x29: {  	_ =	swait.ge @p1 [sflag:s19], $0x400  }
0x2a: {  	[sflag:s19] =	ssyncset.done @p1 $0x0  }
0x2b: {  	s21 =	simm.s32 @p1 $0x10;
	[sflag:s19] =	ssyncadd.s32 @p1 $0xFFFFFC00  }
0x2c: {  	[spmem:s2] =	stream.indirect.scatter.add.f32 @p1 [tilespmem:s25], [sflag:$0x8], $0x40, s20, s21, $0xb8;
	[tilespmem:$0x13D80] =	vst v63  }
0x2d: {  	_ =	swait.ge @p1 [sflag:s19], $0x400  }
0x2e: {  	s20 =	simm.s32 @!p1 $0x1800;
	[sflag:s19] =	ssyncset.done @p1 $0x0  }
0x2f: {  	s21 =	rddreg [dreg:$0xb];
	[sflag:s19] =	ssyncadd.s32 @p1 $0xFFFFFC00;
	s19 =	simm.s32 @!p1 $0x0  }
0x30: {  	[tilespmem:s20], [sflag:$0x8] =	stream.linear.gather @!p1 [hbm4b:s21+s19], $0x70, $0x38;
	[tilespmem:$0x13D80] =	vst v63  }
0x31: {  	s19 =	simm.s32 @!p1 $0x8  }
0x32: {  	_ =	swait.ge @!p1 [sflag:s19], $0x70  }
0x33: {  	s22 =	simm.s32 @!p1 $0x80;
	s25 =	simm.s32 @!p1 $0xD880;
	[sflag:s19] =	ssyncset.done @!p1 $0x0  }
0x34: {  	s21 =	simm.s32 @!p1 $0x40;
	s28 =	rddreg [dreg:$0xc];
	[sflag:s19] =	ssyncadd.s32 @!p1 $0xFFFFFF90  }
0x35: {  	[tilespmem:s25], [sflag:$0x8] =	stream.strided.gather @!p1 [hbm4b:s28+s21], $0x1C00, s22, s21, $0x38;
	[tilespmem:$0x13D80] =	vst v63  }
0x36: {  	_ =	swait.ge @!p1 [sflag:s19], $0x1C00  }
0x37: {  	[sflag:s19] =	ssyncset.done @!p1 $0x0  }
0x38: {  	s21 =	simm.s32 @!p1 $0x70;
	[sflag:s19] =	ssyncadd.s32 @!p1 $0xFFFFE400  }
0x39: {  	[spmem:s2] =	stream.indirect.scatter.add.f32 @!p1 [tilespmem:s25], [sflag:$0x8], $0x40, s20, s21, $0xb8;
	[tilespmem:$0x13D80] =	vst v63  }
0x3a: {  	_ =	swait.ge @!p1 [sflag:s19], $0x1C00  }
0x3b: {  	[sflag:s19] =	ssyncset.done @!p1 $0x0  }
0x3c: {  	s22 =	simm.s32 $0x13880;
	s25 =	simm.s32 $0xF880;
	[sflag:s19] =	ssyncadd.s32 @!p1 $0xFFFFE400  }
0x3d: {  	[spmem:s2] =	stream.indirect.scatter.add.f32 [tilespmem:s25], [sflag:$0x8], $0x40, s22, s26, $0xb8;
	[tilespmem:$0x13D80] =	vst v63  }
0x3e: {  	_ =	swait.ge [sflag:s18], $0x2000  }
0x3f: {  	[sflag:s18] =	ssyncset.done $0x0  }
0x40: {  	s29 =	simm.s32 $0x11880;
	s28 =	simm.s32 $0x13900;
	[sflag:s18] =	ssyncadd.s32 $0xFFFFE000  }
0x41: {  	[spmem:s2] =	stream.indirect.scatter.add.f32 [tilespmem:s29], [sflag:$0x8], $0x40, s28, s26, $0xb8;
	[tilespmem:$0x13D80] =	vst v63  }
0x42: {  	_ =	swait.ge [sflag:s18], $0x2000  }
0x43: {  	[sflag:s18] =	ssyncset.done $0x0  }
0x44: {  	[sflag:s18] =	ssyncadd.s32 $0xFFFFE000  }
0x45: {  	s20 =	stileid.u32;
	[bflag:$0x0] =	sbarrier.arrive $0xFFFF  }
0x46: {  	s19 =	sshll.u32 s20, $0x6;
	s21 =	rddreg [dreg:$0xd]  }
0x47: {  	s19 =	sor.u32 $0x1C08, s19;
	s25 =	simm.s32 $0x10;
	s22 =	rddreg [dreg:$0x11]  }
0x48: {  	[hbm:s21@s25], [sflag:s19] =	dma.strided [spmem:s22@s18], $0x80, s5, $0x8   }
0x49: {  	_ =	swait.ge [sflag:s18], $0x80  }
0x4a: {  	s28 =	rddreg [dreg:$0x12]  }
0x4b: {  	s29 =	rddreg [dreg:$0x10];
	s20 =	sadd.s32 $0x1, s28  }
0x4c: {  	p2 =	sne.s32 s20, s29  }
.Ltmp1:
0x4d: {  	_ = 	snop;
	(pc) =	sbr.rel @!p2 .LBB2_41-.Ltmp1, $3  }
0x4e: {  	_ =	sdelay $0x1  }
0x4f: {  	[sflag:s18] =	ssyncset.done $0x0  }
0x50: {  	[sflag:s18] =	ssyncadd.s32 $0xFFFFFF80  }
.LBB2_1:
0x51: {  	[dreg:$0x12] =	wrdreg s20;
	s19 =	simm.s32 $0x10  }
0x52: {  	s22 =	sadd.s32 $0x0, s23;
	s20 =	simm.s32 $0x80;
	s21 =	simm.s32 $0x0  }
.LBB2_2:
0x53: {  	[tilespmem:s21], [sflag:$0x1] =	stream.linear.gather [hbm4b:s22+s4], $0x80, $0x38;
	[tilespmem:$0x13D80] =	vst v63  }
0x54: {  	s22 =	smov.u32 s19;
	s21 =	smov.u32 s20;
	p2 =	sne.s32 s19, $0x2F0  }
.Ltmp2:
0x55: {  	s19 =	sadd.s32 $0x10, s19;
	(pc) =	sbr.rel @p2 .LBB2_2-.Ltmp2, $2  }
0x56: {  	_ =	sdelay $0x2  }
0x57: {  	s20 =	sadd.s32 $0x80, s20;
	s22 =	sadd.s32 s22, s23  }
0x58: {  	[tilespmem:s21], [sflag:$0x1] =	stream.linear.gather [hbm4b:s22+s4], $0x80, $0x38;
	[tilespmem:$0x13D80] =	vst v63  }
0x59: {  	s19 =	rddreg [dreg:$0x5];
	s20 =	simm.s32 $0x1880  }
0x5a: {  	[tilespmem:s20], [sflag:$0x2] =	stream.strided.gather [hbm4b:s19+s24], $0x2000, s26, s24, $0x38;
	[tilespmem:$0x13D80] =	vst v63  }
0x5b: {  	s21 =	simm.s32 $0x3880;
	s20 =	rddreg [dreg:$0x6]  }
0x5c: {  	[tilespmem:s21], [sflag:$0x3] =	stream.strided.gather [hbm4b:s20+s24], $0x2000, s26, s24, $0x38;
	[tilespmem:$0x13D80] =	vst v63  }
0x5d: {  	s22 =	rddreg [dreg:$0x7]  }
0x5e: {  	[tilespmem:s30], [sflag:$0x4] =	stream.strided.gather [hbm4b:s22+s24], $0x2000, s26, s24, $0x38;
	[tilespmem:$0x13D80] =	vst v63  }
0x5f: {  	s25 =	rddreg [dreg:$0x8]  }
0x60: {  	[tilespmem:s31], [sflag:$0x5] =	stream.strided.gather [hbm4b:s25+s24], $0x2000, s26, s24, $0x38;
	[tilespmem:$0x13D80] =	vst v63  }
0x61: {  	s28 =	rddreg [dreg:$0x9]  }
0x62: {  	[tilespmem:s0], [sflag:$0x6] =	stream.strided.gather [hbm4b:s28+s24], $0x2000, s26, s24, $0x38;
	[tilespmem:$0x13D80] =	vst v63  }
0x63: {  	s29 =	rddreg [dreg:$0xa];
	s19 =	simm.s32 $0x0;
	s20 =	simm.s32 $0x100  }
0x64: {  	[tilespmem:s3], [sflag:$0x7] =	stream.strided.gather [hbm4b:s29+s24], $0x2000, s26, s24, $0x38;
	[tilespmem:$0x13D80] =	vst v63  }
.LBB2_4:
0x65: {  	p2 =	sne.s32 s20, $0xFF00;
	[tilespmem:s19+$0xF8B0] =	vst v0;
	s21 =	smov.u32 s20;
	s20 =	sadd.s32 $0x100, s20  }
.Ltmp3:
0x66: {  	[tilespmem:s19+$0xF8A0] =	vst v0;
	(pc) =	sbr.rel @p2 .LBB2_4-.Ltmp3, $3  }
0x67: {  	[tilespmem:s19+$0xF880] =	vst v0  }
0x68: {  	[tilespmem:s19+$0xF890] =	vst v0;
	_ =	sdelay $0x1  }
0x69: {  	s19 =	sshra.s32 s21, $0x2  }
0x6a: {  	[tilespmem:s19+$0xF8B0] =	vst v0  }
0x6b: {  	[tilespmem:s19+$0xF8A0] =	vst v0  }
0x6c: {  	[tilespmem:s19+$0xF880] =	vst v0  }
0x6d: {  	[tilespmem:s19+$0xF890] =	vst v0  }
0x6e: {  	[tilespmem:$0x13880] =	vst v1  }
0x6f: {  	[tilespmem:$0x13900] =	vst v2  }
0x70: {  	[tilespmem:$0x13890] =	vst v3  }
0x71: {  	[tilespmem:$0x13910] =	vst v4  }
0x72: {  	[tilespmem:$0x138A0] =	vst v5  }
0x73: {  	[tilespmem:$0x13920] =	vst v6  }
0x74: {  	[tilespmem:$0x138B0] =	vst v7  }
0x75: {  	[tilespmem:$0x13930] =	vst v8  }
0x76: {  	[tilespmem:$0x138C0] =	vst v9  }
0x77: {  	[tilespmem:$0x13940] =	vst v10  }
0x78: {  	[tilespmem:$0x138D0] =	vst v11  }
0x79: {  	[tilespmem:$0x13950] =	vst v12  }
0x7a: {  	[tilespmem:$0x138E0] =	vst v13  }
0x7b: {  	[tilespmem:$0x13960] =	vst v14  }
0x7c: {  	[tilespmem:$0x138F0] =	vst v15  }
0x7d: {  	s19 =	simm.s32 @!p0 $0xF880;
	[tilespmem:$0x13970] =	vst v16  }
0x7e: {  	[spmem:s2] =	stream.linear.scatter @!p0 [tilespmem:s19], [sflag:$0x8], $0x4000, $0x38;
	[tilespmem:$0x13D80] =	vst v63  }
0x7f: {  	s19 =	simm.s32 @!p0 $0x8  }
0x80: {  	_ =	swait.ge @!p0 [sflag:s19], $0x4000  }
0x81: {  	[sflag:s19] =	ssyncset.done @!p0 $0x0  }
0x82: {  	[sflag:s19] =	ssyncadd.s32 @!p0 $0xFFFFC000  }
0x83: {  	_ =	swait.ge [sflag:s5], $0x80  }
0x84: {  	s19 =	simm.s32 $0x2F;
	[sflag:s5] =	ssyncset.done $0x0  }
.LBB2_6:
0x85: {  	p2 =	sne.s32 s19, $0x1;
	s19 =	sadd.s32 $0xFFFFFFFF, s19;
	[sflag:s5] =	ssyncadd.s32 $0xFFFFFF80  }
.Ltmp4:
0x86: {  	(pc) =	sbr.rel @p2 .LBB2_6-.Ltmp4, $3  }
0x87: {  	_ =	sdelay $0x1  }
0x88: {  	_ =	swait.ge [sflag:s5], $0x80  }
0x89: {  	[sflag:s5] =	ssyncset.done $0x0  }
0x8a: {  	[sflag:s5] =	ssyncadd.s32 $0xFFFFFF80  }
0x8b: {  	s20 =	simm.s32 $0x0;
	[bflag:$0x0] =	sbarrier.arrive $0xFFFF  }
.LBB2_8:
0x8c: {  	_ =	swait.ge [sflag:s6], $0x2000;
	s19 =	smul.u32 $0xC00, s20  }
0x8d: {  	[sflag:s6] =	ssyncset.done $0x0  }
0x8e: {  	[sflag:s6] =	ssyncadd.s32 $0xFFFFE000;
	s21 =	sshra.s32 s19, $0x2  }
0x8f: {  	v17 =	vld [tilespmem:s21+$0x0]  }
0x90: {  	v18 =	vld [tilespmem:s21+$0x70];
	_ =	sdelay $0x3  }
0x91: {  	(v2sf) =	vpush v17, $0x0  }
0x92: {  	(v2sf) =	vpush v18, $0xF;
	_ =	sdelay $0xd  }
0x93: {  	s22 =	spop (v2sf)  }
0x94: {  	s29 =	spop (v2sf)  }
0x95: {  	p2 =	sne.s32 s22, s29  }
.Ltmp5:
0x96: {  	_ = 	snop;
	(pc) =	sbr.rel @p2 .LBB2_12-.Ltmp5, $1  }
0x97: {  	_ =	sdelay $0x3  }
0x98: {  	s19 =	simm.s32 $0x1980  }
0x99: {  	v17 =	vld [tilespmem:s19+$0xC0]  }
0x9a: {  	v18 =	vld [tilespmem:s19+$0xD0]  }
0x9b: {  	v19 =	vld [tilespmem:s19+$0x80]  }
0x9c: {  	v20 =	vld [tilespmem:s19+$0x90]  }
0x9d: {  	v26 =	vld [tilespmem:s19+$0x40]  }
0x9e: {  	v29 =	vld [tilespmem:s19+$0x50]  }
0x9f: {  	v23 =	vld [tilespmem:s19+$0x0]  }
0xa0: {  	v25 =	vld [tilespmem:s19+$0x10]  }
0xa1: {  	v22 =	vld [tilespmem:s19+$0xFFFFFFC0]  }
0xa2: {  	v24 =	vld [tilespmem:s19+$0xFFFFFFD0]  }
0xa3: {  	v21 =	vld [tilespmem:s19+$0xFFFFFF80]  }
0xa4: {  	v27 =	vld [tilespmem:s19+$0xFFFFFF90]  }
0xa5: {  	v28 =	vld [tilespmem:s19+$0xFFFFFF40]  }
0xa6: {  	v30 =	vld [tilespmem:s19+$0xFFFFFF50]  }
0xa7: {  	v31 =	vld [tilespmem:s19+$0xFFFFFF00]  }
0xa8: {  	v32 =	vld [tilespmem:s19+$0xFFFFFF10]  }
0xa9: {  	v33 =	vld [tilespmem:s19+$0xFFFFFF20]  }
0xaa: {  	v34 =	vld [tilespmem:s19+$0xFFFFFF30]  }
0xab: {  	v35 =	vld [tilespmem:s19+$0xFFFFFF60]  }
0xac: {  	v36 =	vld [tilespmem:s19+$0xFFFFFF70]  }
0xad: {  	v37 =	vimm.f32 $0.0e+00;
	v38 =	vld [tilespmem:s19+$0xFFFFFFA0]  }
0xae: {  	v39 =	vld [tilespmem:s19+$0xFFFFFFB0];
	v31 =	vadd.f32 v31, v37;
	v32 =	vadd.f32 v32, v37  }
0xaf: {  	v58 =	vld [tilespmem:s19+$0xFFFFFFE0];
	v33 =	vadd.f32 v33, v37;
	v34 =	vadd.f32 v34, v37  }
0xb0: {  	v28 =	vadd.f32 v28, v31;
	v30 =	vadd.f32 v30, v32;
	v31 =	vld [tilespmem:s19+$0xFFFFFFF0]  }
0xb1: {  	v61 =	vld [tilespmem:s19+$0x20];
	v59 =	vadd.f32 v35, v33;
	v60 =	vadd.f32 v36, v34  }
0xb2: {  	v28 =	vadd.f32 v21, v28;
	v27 =	vadd.f32 v27, v30;
	v30 =	vld [tilespmem:s19+$0x30]  }
0xb3: {  	v32 =	vadd.f32 v38, v59;
	v33 =	vadd.f32 v39, v60;
	v21 =	vld [tilespmem:s19+$0x60]  }
0xb4: {  	v28 =	vadd.f32 v22, v28;
	v27 =	vadd.f32 v24, v27;
	v24 =	vld [tilespmem:s19+$0x70]  }
0xb5: {  	v32 =	vadd.f32 v58, v32;
	v22 =	vld [tilespmem:s19+$0xA0];
	v31 =	vadd.f32 v31, v33  }
0xb6: {  	v62 =	vadd.f32 v23, v28;
	v63 =	vadd.f32 v25, v27;
	v25 =	vld [tilespmem:s19+$0xB0]  }
0xb7: {  	v28 =	vadd.f32 v61, v32;
	v23 =	vld [tilespmem:s19+$0xE0];
	v27 =	vadd.f32 v30, v31  }
0xb8: {  	s25 =	simm.s32 $0x0;
	v30 =	vadd.f32 v26, v62;
	v29 =	vadd.f32 v29, v63;
	v26 =	vld [tilespmem:s19+$0xF0];
	s19 =	simm.s32 $0x1B80  }
.LBB2_10:
0xb9: {  	v31 =	vld [tilespmem:s19+$0xC0];
	v21 =	vadd.f32 v21, v28;
	v24 =	vadd.f32 v24, v27  }
0xba: {  	v27 =	vld [tilespmem:s19+$0xD0];
	v28 =	vadd.f32 v19, v30;
	v29 =	vadd.f32 v20, v29  }
0xbb: {  	v19 =	vld [tilespmem:s19+$0x80];
	v21 =	vadd.f32 v22, v21;
	v22 =	vadd.f32 v25, v24  }
0xbc: {  	v20 =	vld [tilespmem:s19+$0x90];
	v24 =	vadd.f32 v17, v28;
	v25 =	vadd.f32 v18, v29  }
0xbd: {  	v29 =	vld [tilespmem:s19+$0x40];
	v21 =	vadd.f32 v23, v21;
	v22 =	vadd.f32 v26, v22  }
0xbe: {  	v26 =	vld [tilespmem:s19+$0x50];
	v17 =	vmov v31  }
0xbf: {  	v23 =	vld [tilespmem:s19+$0x0];
	v18 =	vmov v27  }
0xc0: {  	v27 =	vld [tilespmem:s19+$0x10]  }
0xc1: {  	v28 =	vld [tilespmem:s19+$0xFFFFFFC0]  }
0xc2: {  	v30 =	vld [tilespmem:s19+$0xFFFFFFD0]  }
0xc3: {  	v31 =	vld [tilespmem:s19+$0xFFFFFF80]  }
0xc4: {  	v32 =	vld [tilespmem:s19+$0xFFFFFF90]  }
0xc5: {  	v33 =	vld [tilespmem:s19+$0xFFFFFF40]  }
0xc6: {  	v34 =	vld [tilespmem:s19+$0xFFFFFF50]  }
0xc7: {  	v35 =	vld [tilespmem:s19+$0xFFFFFF00]  }
0xc8: {  	v36 =	vld [tilespmem:s19+$0xFFFFFF10]  }
0xc9: {  	v37 =	vld [tilespmem:s19+$0xFFFFFF20]  }
0xca: {  	s25 =	sadd.s32 $0x8, s25;
	v38 =	vld [tilespmem:s19+$0xFFFFFF30]  }
0xcb: {  	p2 =	slt.u32 s25, $0x78;
	v39 =	vld [tilespmem:s19+$0xFFFFFF60]  }
0xcc: {  	v40 =	vld [tilespmem:s19+$0xFFFFFF70]  }
0xcd: {  	v41 =	vld [tilespmem:s19+$0xFFFFFFA0]  }
0xce: {  	v24 =	vadd.f32 v35, v24;
	v25 =	vadd.f32 v36, v25;
	v35 =	vld [tilespmem:s19+$0xFFFFFFB0]  }
0xcf: {  	v21 =	vadd.f32 v37, v21;
	v22 =	vadd.f32 v38, v22;
	v36 =	vld [tilespmem:s19+$0xFFFFFFE0]  }
0xd0: {  	v24 =	vadd.f32 v33, v24;
	v25 =	vadd.f32 v34, v25;
	v33 =	vld [tilespmem:s19+$0xFFFFFFF0]  }
0xd1: {  	v21 =	vadd.f32 v39, v21;
	v22 =	vadd.f32 v40, v22;
	v34 =	vld [tilespmem:s19+$0x20]  }
0xd2: {  	v24 =	vadd.f32 v31, v24;
	v25 =	vadd.f32 v32, v25;
	v31 =	vld [tilespmem:s19+$0x30]  }
0xd3: {  	v32 =	vadd.f32 v41, v21;
	v22 =	vadd.f32 v35, v22;
	v21 =	vld [tilespmem:s19+$0x60]  }
.Ltmp6:
0xd4: {  	v28 =	vadd.f32 v28, v24;
	v25 =	vadd.f32 v30, v25;
	v24 =	vld [tilespmem:s19+$0x70];
	(pc) =	sbr.rel @p2 .LBB2_10-.Ltmp6, $4  }
0xd5: {  	v30 =	vadd.f32 v36, v32;
	v32 =	vadd.f32 v33, v22;
	v22 =	vld [tilespmem:s19+$0xA0]  }
0xd6: {  	v33 =	vadd.f32 v23, v28;
	v35 =	vadd.f32 v27, v25;
	v25 =	vld [tilespmem:s19+$0xB0]  }
0xd7: {  	v28 =	vadd.f32 v34, v30;
	v27 =	vadd.f32 v31, v32;
	v23 =	vld [tilespmem:s19+$0xE0]  }
0xd8: {  	v30 =	vadd.f32 v29, v33;
	v29 =	vadd.f32 v26, v35;
	v26 =	vld [tilespmem:s19+$0xF0];
	s19 =	sadd.s32 $0x200, s19  }
0xd9: {  	s19 =	sshll.u32 s22, $0x8  }
0xda: {  	s19 =	sshra.s32 s19, $0x2  }
0xdb: {  	v31 =	vld [tilespmem:s19+$0xF880]  }
0xdc: {  	v21 =	vadd.f32 v21, v28;
	v19 =	vadd.f32 v19, v30;
	v59 =	vld [tilespmem:s19+$0xF890]  }
0xdd: {  	v24 =	vadd.f32 v24, v27;
	v20 =	vadd.f32 v20, v29;
	v60 =	vld [tilespmem:s19+$0xF8A0]  }
0xde: {  	v21 =	vadd.f32 v22, v21;
	v17 =	vadd.f32 v17, v19;
	v19 =	vld [tilespmem:s19+$0xF8B0]  }
0xdf: {  	v61 =	vadd.f32 v25, v24;
	v18 =	vadd.f32 v18, v20  }
0xe0: {  	v62 =	vadd.f32 v23, v21;
	v17 =	vadd.f32 v31, v17  }
.Ltmp7:
0xe1: {  	v63 =	vadd.f32 v26, v61;
	v18 =	vadd.f32 v59, v18;
	(pc) =	sbr.rel .LBB2_13-.Ltmp7, $4  }
0xe2: {  	[tilespmem:s19+$0xF880] =	vst v17;
	v17 =	vadd.f32 v60, v62  }
0xe3: {  	[tilespmem:s19+$0xF890] =	vst v18;
	v18 =	vadd.f32 v19, v63  }
0xe4: {  	[tilespmem:s19+$0xF8A0] =	vst v17  }
0xe5: {  	[tilespmem:s19+$0xF8B0] =	vst v18  }
.LBB2_12:
0xe6: {  	s19 =	simm.s32 $0x1880  }
0xe7: {  	[spmem:s2] =	stream.indirect.scatter.add.f32 [tilespmem:s19], [sflag:$0x8], $0x40, s21, s26, $0xb8;
	[tilespmem:$0x13D80] =	vst v63  }
0xe8: {  	_ =	swait.ge [sflag:s18], $0x2000  }
0xe9: {  	[sflag:s18] =	ssyncset.done $0x0  }
0xea: {  	[sflag:s18] =	ssyncadd.s32 $0xFFFFE000  }
.LBB2_13:
0xeb: {  	p2 =	seq.s32 s20, $0x7  }
0xec: {  	s22 =	smul.u32 @!p2 $0x18000, s20;
	_ =	sdelay $0x1  }
0xed: {  	s19 =	sadd.s32 @!p2 s22, s11  }
0xee: {  	s25 =	simm.s32 @!p2 $0x40;
	s19 =	sshrl.u32 @!p2 s19, $0x3  }
0xef: {  	s28 =	simm.s32 @!p2 $0x80;
	s29 =	simm.s32 @!p2 $0x1880;
	s19 =	sadd.s32 @!p2 s1, s19  }
0xf0: {  	[tilespmem:s29], [sflag:$0x2] =	stream.strided.gather @!p2 [hbm4b:s19+s25], $0x2000, s28, s25, $0x38;
	[tilespmem:$0x13D80] =	vst v63  }
0xf1: {  	_ =	swait.ge [sflag:s7], $0x2000  }
0xf2: {  	[sflag:s7] =	ssyncset.done $0x0  }
0xf3: {  	[sflag:s7] =	ssyncadd.s32 $0xFFFFE000  }
0xf4: {  	v17 =	vld [tilespmem:s21+$0x80]  }
0xf5: {  	v18 =	vld [tilespmem:s21+$0xF0];
	_ =	sdelay $0x3  }
0xf6: {  	(v2sf) =	vpush v17, $0x0  }
0xf7: {  	(v2sf) =	vpush v18, $0xF;
	_ =	sdelay $0xd  }
0xf8: {  	s25 =	spop (v2sf)  }
0xf9: {  	s29 =	spop (v2sf)  }
0xfa: {  	p3 =	sne.s32 s25, s29  }
.Ltmp8:
0xfb: {  	_ = 	snop;
	(pc) =	sbr.rel @p3 .LBB2_17-.Ltmp8, $1  }
0xfc: {  	_ =	sdelay $0x3  }
0xfd: {  	s28 =	simm.s32 $0x3A70  }
0xfe: {  	v17 =	vld [tilespmem:s28+$0xFFFFFFD0]  }
0xff: {  	v18 =	vld [tilespmem:s28+$0xFFFFFFE0]  }
0x100: {  	v19 =	vld [tilespmem:s28+$0xFFFFFF90]  }
0x101: {  	v20 =	vld [tilespmem:s28+$0xFFFFFFA0]  }
0x102: {  	v26 =	vld [tilespmem:s28+$0xFFFFFF50]  }
0x103: {  	v29 =	vld [tilespmem:s28+$0xFFFFFF60]  }
0x104: {  	v23 =	vld [tilespmem:s28+$0xFFFFFF10]  }
0x105: {  	v25 =	vld [tilespmem:s28+$0xFFFFFF20]  }
0x106: {  	v22 =	vld [tilespmem:s28+$0xFFFFFED0]  }
0x107: {  	v24 =	vld [tilespmem:s28+$0xFFFFFEE0]  }
0x108: {  	v21 =	vld [tilespmem:s28+$0xFFFFFE90]  }
0x109: {  	v27 =	vld [tilespmem:s28+$0xFFFFFEA0]  }
0x10a: {  	v28 =	vld [tilespmem:s28+$0xFFFFFE50]  }
0x10b: {  	v30 =	vld [tilespmem:s28+$0xFFFFFE60]  }
0x10c: {  	v31 =	vld [tilespmem:s28+$0xFFFFFE10]  }
0x10d: {  	v32 =	vld [tilespmem:s28+$0xFFFFFE20]  }
0x10e: {  	v33 =	vld [tilespmem:s28+$0xFFFFFE30]  }
0x10f: {  	v34 =	vld [tilespmem:s28+$0xFFFFFE40]  }
0x110: {  	v35 =	vld [tilespmem:s28+$0xFFFFFE70]  }
0x111: {  	v36 =	vld [tilespmem:s28+$0xFFFFFE80]  }
0x112: {  	v37 =	vimm.f32 $0.0e+00;
	v38 =	vld [tilespmem:s28+$0xFFFFFEB0]  }
0x113: {  	v39 =	vld [tilespmem:s28+$0xFFFFFEC0];
	v31 =	vadd.f32 v31, v37;
	v32 =	vadd.f32 v32, v37  }
0x114: {  	v58 =	vld [tilespmem:s28+$0xFFFFFEF0];
	v33 =	vadd.f32 v33, v37;
	v34 =	vadd.f32 v34, v37  }
0x115: {  	v28 =	vadd.f32 v28, v31;
	v30 =	vadd.f32 v30, v32;
	v31 =	vld [tilespmem:s28+$0xFFFFFF00]  }
0x116: {  	v61 =	vld [tilespmem:s28+$0xFFFFFF30];
	v59 =	vadd.f32 v35, v33;
	v60 =	vadd.f32 v36, v34  }
0x117: {  	v28 =	vadd.f32 v21, v28;
	v27 =	vadd.f32 v27, v30;
	v30 =	vld [tilespmem:s28+$0xFFFFFF40]  }
0x118: {  	v32 =	vadd.f32 v38, v59;
	v33 =	vadd.f32 v39, v60;
	v21 =	vld [tilespmem:s28+$0xFFFFFF70]  }
0x119: {  	v28 =	vadd.f32 v22, v28;
	v27 =	vadd.f32 v24, v27;
	v24 =	vld [tilespmem:s28+$0xFFFFFF80]  }
0x11a: {  	v32 =	vadd.f32 v58, v32;
	v22 =	vld [tilespmem:s28+$0xFFFFFFB0];
	v31 =	vadd.f32 v31, v33  }
0x11b: {  	v62 =	vadd.f32 v23, v28;
	v63 =	vadd.f32 v25, v27;
	v25 =	vld [tilespmem:s28+$0xFFFFFFC0]  }
0x11c: {  	v28 =	vadd.f32 v61, v32;
	v23 =	vld [tilespmem:s28+$0xFFFFFFF0];
	v27 =	vadd.f32 v30, v31  }
0x11d: {  	s19 =	simm.s32 $0x0;
	v30 =	vadd.f32 v26, v62;
	v29 =	vadd.f32 v29, v63;
	v26 =	vld [tilespmem:s28+$0x0];
	s28 =	simm.s32 $0x3C70  }
.LBB2_15:
0x11e: {  	v31 =	vld [tilespmem:s28+$0xFFFFFFD0];
	v21 =	vadd.f32 v21, v28;
	v24 =	vadd.f32 v24, v27  }
0x11f: {  	v27 =	vld [tilespmem:s28+$0xFFFFFFE0];
	v28 =	vadd.f32 v19, v30;
	v29 =	vadd.f32 v20, v29  }
0x120: {  	v19 =	vld [tilespmem:s28+$0xFFFFFF90];
	v21 =	vadd.f32 v22, v21;
	v22 =	vadd.f32 v25, v24  }
0x121: {  	v20 =	vld [tilespmem:s28+$0xFFFFFFA0];
	v24 =	vadd.f32 v17, v28;
	v25 =	vadd.f32 v18, v29  }
0x122: {  	v29 =	vld [tilespmem:s28+$0xFFFFFF50];
	v21 =	vadd.f32 v23, v21;
	v22 =	vadd.f32 v26, v22  }
0x123: {  	v26 =	vld [tilespmem:s28+$0xFFFFFF60];
	v17 =	vmov v31  }
0x124: {  	v23 =	vld [tilespmem:s28+$0xFFFFFF10];
	v18 =	vmov v27  }
0x125: {  	v27 =	vld [tilespmem:s28+$0xFFFFFF20]  }
0x126: {  	v28 =	vld [tilespmem:s28+$0xFFFFFED0]  }
0x127: {  	v30 =	vld [tilespmem:s28+$0xFFFFFEE0]  }
0x128: {  	v31 =	vld [tilespmem:s28+$0xFFFFFE90]  }
0x129: {  	v32 =	vld [tilespmem:s28+$0xFFFFFEA0]  }
0x12a: {  	v33 =	vld [tilespmem:s28+$0xFFFFFE50]  }
0x12b: {  	v34 =	vld [tilespmem:s28+$0xFFFFFE60]  }
0x12c: {  	v35 =	vld [tilespmem:s28+$0xFFFFFE10]  }
0x12d: {  	v36 =	vld [tilespmem:s28+$0xFFFFFE20]  }
0x12e: {  	v37 =	vld [tilespmem:s28+$0xFFFFFE30]  }
0x12f: {  	s19 =	sadd.s32 $0x8, s19;
	v38 =	vld [tilespmem:s28+$0xFFFFFE40]  }
0x130: {  	p3 =	slt.u32 s19, $0x78;
	v39 =	vld [tilespmem:s28+$0xFFFFFE70]  }
0x131: {  	v40 =	vld [tilespmem:s28+$0xFFFFFE80]  }
0x132: {  	v41 =	vld [tilespmem:s28+$0xFFFFFEB0]  }
0x133: {  	v24 =	vadd.f32 v35, v24;
	v25 =	vadd.f32 v36, v25;
	v35 =	vld [tilespmem:s28+$0xFFFFFEC0]  }
0x134: {  	v21 =	vadd.f32 v37, v21;
	v22 =	vadd.f32 v38, v22;
	v36 =	vld [tilespmem:s28+$0xFFFFFEF0]  }
0x135: {  	v24 =	vadd.f32 v33, v24;
	v25 =	vadd.f32 v34, v25;
	v33 =	vld [tilespmem:s28+$0xFFFFFF00]  }
0x136: {  	v21 =	vadd.f32 v39, v21;
	v22 =	vadd.f32 v40, v22;
	v34 =	vld [tilespmem:s28+$0xFFFFFF30]  }
0x137: {  	v24 =	vadd.f32 v31, v24;
	v25 =	vadd.f32 v32, v25;
	v31 =	vld [tilespmem:s28+$0xFFFFFF40]  }
0x138: {  	v32 =	vadd.f32 v41, v21;
	v22 =	vadd.f32 v35, v22;
	v21 =	vld [tilespmem:s28+$0xFFFFFF70]  }
.Ltmp9:
0x139: {  	v28 =	vadd.f32 v28, v24;
	v25 =	vadd.f32 v30, v25;
	v24 =	vld [tilespmem:s28+$0xFFFFFF80];
	(pc) =	sbr.rel @p3 .LBB2_15-.Ltmp9, $4  }
0x13a: {  	v30 =	vadd.f32 v36, v32;
	v32 =	vadd.f32 v33, v22;
	v22 =	vld [tilespmem:s28+$0xFFFFFFB0]  }
0x13b: {  	v33 =	vadd.f32 v23, v28;
	v35 =	vadd.f32 v27, v25;
	v25 =	vld [tilespmem:s28+$0xFFFFFFC0]  }
0x13c: {  	v28 =	vadd.f32 v34, v30;
	v27 =	vadd.f32 v31, v32;
	v23 =	vld [tilespmem:s28+$0xFFFFFFF0]  }
0x13d: {  	v30 =	vadd.f32 v29, v33;
	v29 =	vadd.f32 v26, v35;
	v26 =	vld [tilespmem:s28+$0x0];
	s28 =	sadd.s32 $0x200, s28  }
0x13e: {  	s19 =	sshll.u32 s25, $0x8  }
0x13f: {  	s19 =	sshra.s32 s19, $0x2  }
0x140: {  	v31 =	vld [tilespmem:s19+$0xF880]  }
0x141: {  	v21 =	vadd.f32 v21, v28;
	v19 =	vadd.f32 v19, v30;
	v59 =	vld [tilespmem:s19+$0xF890]  }
0x142: {  	v24 =	vadd.f32 v24, v27;
	v20 =	vadd.f32 v20, v29;
	v60 =	vld [tilespmem:s19+$0xF8A0]  }
0x143: {  	v21 =	vadd.f32 v22, v21;
	v17 =	vadd.f32 v17, v19;
	v19 =	vld [tilespmem:s19+$0xF8B0]  }
0x144: {  	v61 =	vadd.f32 v25, v24;
	v18 =	vadd.f32 v18, v20  }
0x145: {  	v62 =	vadd.f32 v23, v21;
	v17 =	vadd.f32 v31, v17  }
.Ltmp10:
0x146: {  	v63 =	vadd.f32 v26, v61;
	v18 =	vadd.f32 v59, v18;
	(pc) =	sbr.rel .LBB2_18-.Ltmp10, $4  }
0x147: {  	[tilespmem:s19+$0xF880] =	vst v17;
	v17 =	vadd.f32 v60, v62  }
0x148: {  	[tilespmem:s19+$0xF890] =	vst v18;
	v18 =	vadd.f32 v19, v63  }
0x149: {  	[tilespmem:s19+$0xF8A0] =	vst v17  }
0x14a: {  	[tilespmem:s19+$0xF8B0] =	vst v18  }
.LBB2_17:
0x14b: {  	s19 =	sadd.s32 $0x80, s21;
	s25 =	simm.s32 $0x3880  }
0x14c: {  	[spmem:s2] =	stream.indirect.scatter.add.f32 [tilespmem:s25], [sflag:$0x8], $0x40, s19, s26, $0xb8;
	[tilespmem:$0x13D80] =	vst v63  }
0x14d: {  	_ =	swait.ge [sflag:s18], $0x2000  }
0x14e: {  	[sflag:s18] =	ssyncset.done $0x0  }
0x14f: {  	[sflag:s18] =	ssyncadd.s32 $0xFFFFE000  }
.LBB2_18:
0x150: {  	s19 =	sadd.s32 @!p2 s22, s12  }
0x151: {  	s25 =	simm.s32 @!p2 $0x40;
	s19 =	sshrl.u32 @!p2 s19, $0x3  }
0x152: {  	s28 =	simm.s32 @!p2 $0x80;
	s29 =	simm.s32 @!p2 $0x3880;
	s19 =	sadd.s32 @!p2 s1, s19  }
0x153: {  	[tilespmem:s29], [sflag:$0x3] =	stream.strided.gather @!p2 [hbm4b:s19+s25], $0x2000, s28, s25, $0x38;
	[tilespmem:$0x13D80] =	vst v63  }
0x154: {  	_ =	swait.ge [sflag:s8], $0x2000  }
0x155: {  	[sflag:s8] =	ssyncset.done $0x0  }
0x156: {  	[sflag:s8] =	ssyncadd.s32 $0xFFFFE000  }
0x157: {  	v17 =	vld [tilespmem:s21+$0x100]  }
0x158: {  	v18 =	vld [tilespmem:s21+$0x170];
	_ =	sdelay $0x3  }
0x159: {  	(v2sf) =	vpush v17, $0x0  }
0x15a: {  	(v2sf) =	vpush v18, $0xF;
	_ =	sdelay $0xd  }
0x15b: {  	s25 =	spop (v2sf)  }
0x15c: {  	s29 =	spop (v2sf)  }
0x15d: {  	p3 =	sne.s32 s25, s29  }
.Ltmp11:
0x15e: {  	_ = 	snop;
	(pc) =	sbr.rel @p3 .LBB2_22-.Ltmp11, $1  }
0x15f: {  	_ =	sdelay $0x3  }
0x160: {  	s28 =	simm.s32 $0x5880  }
0x161: {  	v17 =	vld [tilespmem:s28+$0x1C0]  }
0x162: {  	v18 =	vld [tilespmem:s28+$0x1D0]  }
0x163: {  	v19 =	vld [tilespmem:s28+$0x180]  }
0x164: {  	v20 =	vld [tilespmem:s28+$0x190]  }
0x165: {  	v26 =	vld [tilespmem:s28+$0x140]  }
0x166: {  	v29 =	vld [tilespmem:s28+$0x150]  }
0x167: {  	v23 =	vld [tilespmem:s28+$0x100]  }
0x168: {  	v25 =	vld [tilespmem:s28+$0x110]  }
0x169: {  	v22 =	vld [tilespmem:s28+$0xC0]  }
0x16a: {  	v24 =	vld [tilespmem:s28+$0xD0]  }
0x16b: {  	v21 =	vld [tilespmem:s28+$0x80]  }
0x16c: {  	v27 =	vld [tilespmem:s28+$0x90]  }
0x16d: {  	v28 =	vld [tilespmem:s28+$0x40]  }
0x16e: {  	v30 =	vld [tilespmem:s28+$0x50]  }
0x16f: {  	v31 =	vld [tilespmem:s28+$0x0]  }
0x170: {  	v32 =	vld [tilespmem:s28+$0x10]  }
0x171: {  	v33 =	vld [tilespmem:s28+$0x20]  }
0x172: {  	v34 =	vld [tilespmem:s28+$0x30]  }
0x173: {  	v35 =	vld [tilespmem:s28+$0x60]  }
0x174: {  	v36 =	vld [tilespmem:s28+$0x70]  }
0x175: {  	v37 =	vimm.f32 $0.0e+00;
	v38 =	vld [tilespmem:s28+$0xA0]  }
0x176: {  	v39 =	vld [tilespmem:s28+$0xB0];
	v31 =	vadd.f32 v31, v37;
	v32 =	vadd.f32 v32, v37  }
0x177: {  	v58 =	vld [tilespmem:s28+$0xE0];
	v33 =	vadd.f32 v33, v37;
	v34 =	vadd.f32 v34, v37  }
0x178: {  	v28 =	vadd.f32 v28, v31;
	v30 =	vadd.f32 v30, v32;
	v31 =	vld [tilespmem:s28+$0xF0]  }
0x179: {  	v61 =	vld [tilespmem:s28+$0x120];
	v59 =	vadd.f32 v35, v33;
	v60 =	vadd.f32 v36, v34  }
0x17a: {  	v28 =	vadd.f32 v21, v28;
	v27 =	vadd.f32 v27, v30;
	v30 =	vld [tilespmem:s28+$0x130]  }
0x17b: {  	v32 =	vadd.f32 v38, v59;
	v33 =	vadd.f32 v39, v60;
	v21 =	vld [tilespmem:s28+$0x160]  }
0x17c: {  	v28 =	vadd.f32 v22, v28;
	v27 =	vadd.f32 v24, v27;
	v24 =	vld [tilespmem:s28+$0x170]  }
0x17d: {  	v32 =	vadd.f32 v58, v32;
	v22 =	vld [tilespmem:s28+$0x1A0];
	v31 =	vadd.f32 v31, v33  }
0x17e: {  	v62 =	vadd.f32 v23, v28;
	v63 =	vadd.f32 v25, v27;
	v25 =	vld [tilespmem:s28+$0x1B0]  }
0x17f: {  	v28 =	vadd.f32 v61, v32;
	v23 =	vld [tilespmem:s28+$0x1E0];
	v27 =	vadd.f32 v30, v31  }
0x180: {  	s19 =	simm.s32 $0x0;
	v30 =	vadd.f32 v26, v62;
	v29 =	vadd.f32 v29, v63;
	v26 =	vld [tilespmem:s28+$0x1F0];
	s28 =	simm.s32 $0x5A80  }
.LBB2_20:
0x181: {  	v31 =	vld [tilespmem:s28+$0x1C0];
	v21 =	vadd.f32 v21, v28;
	v24 =	vadd.f32 v24, v27  }
0x182: {  	v27 =	vld [tilespmem:s28+$0x1D0];
	v28 =	vadd.f32 v19, v30;
	v29 =	vadd.f32 v20, v29  }
0x183: {  	v19 =	vld [tilespmem:s28+$0x180];
	v21 =	vadd.f32 v22, v21;
	v22 =	vadd.f32 v25, v24  }
0x184: {  	v20 =	vld [tilespmem:s28+$0x190];
	v24 =	vadd.f32 v17, v28;
	v25 =	vadd.f32 v18, v29  }
0x185: {  	v29 =	vld [tilespmem:s28+$0x140];
	v21 =	vadd.f32 v23, v21;
	v22 =	vadd.f32 v26, v22  }
0x186: {  	v26 =	vld [tilespmem:s28+$0x150];
	v17 =	vmov v31  }
0x187: {  	v23 =	vld [tilespmem:s28+$0x100];
	v18 =	vmov v27  }
0x188: {  	v27 =	vld [tilespmem:s28+$0x110]  }
0x189: {  	v28 =	vld [tilespmem:s28+$0xC0]  }
0x18a: {  	v30 =	vld [tilespmem:s28+$0xD0]  }
0x18b: {  	v31 =	vld [tilespmem:s28+$0x80]  }
0x18c: {  	v32 =	vld [tilespmem:s28+$0x90]  }
0x18d: {  	v33 =	vld [tilespmem:s28+$0x40]  }
0x18e: {  	v34 =	vld [tilespmem:s28+$0x50]  }
0x18f: {  	v35 =	vld [tilespmem:s28+$0x0]  }
0x190: {  	v36 =	vld [tilespmem:s28+$0x10]  }
0x191: {  	v37 =	vld [tilespmem:s28+$0x20]  }
0x192: {  	s19 =	sadd.s32 $0x8, s19;
	v38 =	vld [tilespmem:s28+$0x30]  }
0x193: {  	p3 =	slt.u32 s19, $0x78;
	v39 =	vld [tilespmem:s28+$0x60]  }
0x194: {  	v40 =	vld [tilespmem:s28+$0x70]  }
0x195: {  	v41 =	vld [tilespmem:s28+$0xA0]  }
0x196: {  	v24 =	vadd.f32 v35, v24;
	v25 =	vadd.f32 v36, v25;
	v35 =	vld [tilespmem:s28+$0xB0]  }
0x197: {  	v21 =	vadd.f32 v37, v21;
	v22 =	vadd.f32 v38, v22;
	v36 =	vld [tilespmem:s28+$0xE0]  }
0x198: {  	v24 =	vadd.f32 v33, v24;
	v25 =	vadd.f32 v34, v25;
	v33 =	vld [tilespmem:s28+$0xF0]  }
0x199: {  	v21 =	vadd.f32 v39, v21;
	v22 =	vadd.f32 v40, v22;
	v34 =	vld [tilespmem:s28+$0x120]  }
0x19a: {  	v24 =	vadd.f32 v31, v24;
	v25 =	vadd.f32 v32, v25;
	v31 =	vld [tilespmem:s28+$0x130]  }
0x19b: {  	v32 =	vadd.f32 v41, v21;
	v22 =	vadd.f32 v35, v22;
	v21 =	vld [tilespmem:s28+$0x160]  }
.Ltmp12:
0x19c: {  	v28 =	vadd.f32 v28, v24;
	v25 =	vadd.f32 v30, v25;
	v24 =	vld [tilespmem:s28+$0x170];
	(pc) =	sbr.rel @p3 .LBB2_20-.Ltmp12, $4  }
0x19d: {  	v30 =	vadd.f32 v36, v32;
	v32 =	vadd.f32 v33, v22;
	v22 =	vld [tilespmem:s28+$0x1A0]  }
0x19e: {  	v33 =	vadd.f32 v23, v28;
	v35 =	vadd.f32 v27, v25;
	v25 =	vld [tilespmem:s28+$0x1B0]  }
0x19f: {  	v28 =	vadd.f32 v34, v30;
	v27 =	vadd.f32 v31, v32;
	v23 =	vld [tilespmem:s28+$0x1E0]  }
0x1a0: {  	v30 =	vadd.f32 v29, v33;
	v29 =	vadd.f32 v26, v35;
	v26 =	vld [tilespmem:s28+$0x1F0];
	s28 =	sadd.s32 $0x200, s28  }
0x1a1: {  	s19 =	sshll.u32 s25, $0x8  }
0x1a2: {  	s19 =	sshra.s32 s19, $0x2  }
0x1a3: {  	v31 =	vld [tilespmem:s19+$0xF880]  }
0x1a4: {  	v21 =	vadd.f32 v21, v28;
	v19 =	vadd.f32 v19, v30;
	v59 =	vld [tilespmem:s19+$0xF890]  }
0x1a5: {  	v24 =	vadd.f32 v24, v27;
	v20 =	vadd.f32 v20, v29;
	v60 =	vld [tilespmem:s19+$0xF8A0]  }
0x1a6: {  	v21 =	vadd.f32 v22, v21;
	v17 =	vadd.f32 v17, v19;
	v19 =	vld [tilespmem:s19+$0xF8B0]  }
0x1a7: {  	v61 =	vadd.f32 v25, v24;
	v18 =	vadd.f32 v18, v20  }
0x1a8: {  	v62 =	vadd.f32 v23, v21;
	v17 =	vadd.f32 v31, v17  }
.Ltmp13:
0x1a9: {  	v63 =	vadd.f32 v26, v61;
	v18 =	vadd.f32 v59, v18;
	(pc) =	sbr.rel .LBB2_23-.Ltmp13, $4  }
0x1aa: {  	[tilespmem:s19+$0xF880] =	vst v17;
	v17 =	vadd.f32 v60, v62  }
0x1ab: {  	[tilespmem:s19+$0xF890] =	vst v18;
	v18 =	vadd.f32 v19, v63  }
0x1ac: {  	[tilespmem:s19+$0xF8A0] =	vst v17  }
0x1ad: {  	[tilespmem:s19+$0xF8B0] =	vst v18  }
.LBB2_22:
0x1ae: {  	s19 =	sadd.s32 $0x100, s21  }
0x1af: {  	[spmem:s2] =	stream.indirect.scatter.add.f32 [tilespmem:s30], [sflag:$0x8], $0x40, s19, s26, $0xb8;
	[tilespmem:$0x13D80] =	vst v63  }
0x1b0: {  	_ =	swait.ge [sflag:s18], $0x2000  }
0x1b1: {  	[sflag:s18] =	ssyncset.done $0x0  }
0x1b2: {  	[sflag:s18] =	ssyncadd.s32 $0xFFFFE000  }
.LBB2_23:
0x1b3: {  	s19 =	sadd.s32 @!p2 s22, s13  }
0x1b4: {  	s25 =	simm.s32 @!p2 $0x40;
	s19 =	sshrl.u32 @!p2 s19, $0x3  }
0x1b5: {  	s28 =	simm.s32 @!p2 $0x80;
	s29 =	simm.s32 @!p2 $0x5880;
	s19 =	sadd.s32 @!p2 s1, s19  }
0x1b6: {  	[tilespmem:s29], [sflag:$0x4] =	stream.strided.gather @!p2 [hbm4b:s19+s25], $0x2000, s28, s25, $0x38;
	[tilespmem:$0x13D80] =	vst v63  }
0x1b7: {  	_ =	swait.ge [sflag:s9], $0x2000  }
0x1b8: {  	[sflag:s9] =	ssyncset.done $0x0  }
0x1b9: {  	[sflag:s9] =	ssyncadd.s32 $0xFFFFE000  }
0x1ba: {  	v17 =	vld [tilespmem:s21+$0x180]  }
0x1bb: {  	v18 =	vld [tilespmem:s21+$0x1F0];
	_ =	sdelay $0x3  }
0x1bc: {  	(v2sf) =	vpush v17, $0x0  }
0x1bd: {  	(v2sf) =	vpush v18, $0xF;
	_ =	sdelay $0xd  }
0x1be: {  	s25 =	spop (v2sf)  }
0x1bf: {  	s29 =	spop (v2sf)  }
0x1c0: {  	p3 =	sne.s32 s25, s29  }
.Ltmp14:
0x1c1: {  	_ = 	snop;
	(pc) =	sbr.rel @p3 .LBB2_27-.Ltmp14, $1  }
0x1c2: {  	_ =	sdelay $0x3  }
0x1c3: {  	s28 =	simm.s32 $0x7880  }
0x1c4: {  	v17 =	vld [tilespmem:s28+$0x1C0]  }
0x1c5: {  	v18 =	vld [tilespmem:s28+$0x1D0]  }
0x1c6: {  	v19 =	vld [tilespmem:s28+$0x180]  }
0x1c7: {  	v20 =	vld [tilespmem:s28+$0x190]  }
0x1c8: {  	v26 =	vld [tilespmem:s28+$0x140]  }
0x1c9: {  	v29 =	vld [tilespmem:s28+$0x150]  }
0x1ca: {  	v23 =	vld [tilespmem:s28+$0x100]  }
0x1cb: {  	v25 =	vld [tilespmem:s28+$0x110]  }
0x1cc: {  	v22 =	vld [tilespmem:s28+$0xC0]  }
0x1cd: {  	v24 =	vld [tilespmem:s28+$0xD0]  }
0x1ce: {  	v21 =	vld [tilespmem:s28+$0x80]  }
0x1cf: {  	v27 =	vld [tilespmem:s28+$0x90]  }
0x1d0: {  	v28 =	vld [tilespmem:s28+$0x40]  }
0x1d1: {  	v30 =	vld [tilespmem:s28+$0x50]  }
0x1d2: {  	v31 =	vld [tilespmem:s28+$0x0]  }
0x1d3: {  	v32 =	vld [tilespmem:s28+$0x10]  }
0x1d4: {  	v33 =	vld [tilespmem:s28+$0x20]  }
0x1d5: {  	v34 =	vld [tilespmem:s28+$0x30]  }
0x1d6: {  	v35 =	vld [tilespmem:s28+$0x60]  }
0x1d7: {  	v36 =	vld [tilespmem:s28+$0x70]  }
0x1d8: {  	v37 =	vimm.f32 $0.0e+00;
	v38 =	vld [tilespmem:s28+$0xA0]  }
0x1d9: {  	v39 =	vld [tilespmem:s28+$0xB0];
	v31 =	vadd.f32 v31, v37;
	v32 =	vadd.f32 v32, v37  }
0x1da: {  	v58 =	vld [tilespmem:s28+$0xE0];
	v33 =	vadd.f32 v33, v37;
	v34 =	vadd.f32 v34, v37  }
0x1db: {  	v28 =	vadd.f32 v28, v31;
	v30 =	vadd.f32 v30, v32;
	v31 =	vld [tilespmem:s28+$0xF0]  }
0x1dc: {  	v61 =	vld [tilespmem:s28+$0x120];
	v59 =	vadd.f32 v35, v33;
	v60 =	vadd.f32 v36, v34  }
0x1dd: {  	v28 =	vadd.f32 v21, v28;
	v27 =	vadd.f32 v27, v30;
	v30 =	vld [tilespmem:s28+$0x130]  }
0x1de: {  	v32 =	vadd.f32 v38, v59;
	v33 =	vadd.f32 v39, v60;
	v21 =	vld [tilespmem:s28+$0x160]  }
0x1df: {  	v28 =	vadd.f32 v22, v28;
	v27 =	vadd.f32 v24, v27;
	v24 =	vld [tilespmem:s28+$0x170]  }
0x1e0: {  	v32 =	vadd.f32 v58, v32;
	v22 =	vld [tilespmem:s28+$0x1A0];
	v31 =	vadd.f32 v31, v33  }
0x1e1: {  	v62 =	vadd.f32 v23, v28;
	v63 =	vadd.f32 v25, v27;
	v25 =	vld [tilespmem:s28+$0x1B0]  }
0x1e2: {  	v28 =	vadd.f32 v61, v32;
	v23 =	vld [tilespmem:s28+$0x1E0];
	v27 =	vadd.f32 v30, v31  }
0x1e3: {  	s19 =	simm.s32 $0x0;
	v30 =	vadd.f32 v26, v62;
	v29 =	vadd.f32 v29, v63;
	v26 =	vld [tilespmem:s28+$0x1F0];
	s28 =	simm.s32 $0x7A80  }
.LBB2_25:
0x1e4: {  	v31 =	vld [tilespmem:s28+$0x1C0];
	v21 =	vadd.f32 v21, v28;
	v24 =	vadd.f32 v24, v27  }
0x1e5: {  	v27 =	vld [tilespmem:s28+$0x1D0];
	v28 =	vadd.f32 v19, v30;
	v29 =	vadd.f32 v20, v29  }
0x1e6: {  	v19 =	vld [tilespmem:s28+$0x180];
	v21 =	vadd.f32 v22, v21;
	v22 =	vadd.f32 v25, v24  }
0x1e7: {  	v20 =	vld [tilespmem:s28+$0x190];
	v24 =	vadd.f32 v17, v28;
	v25 =	vadd.f32 v18, v29  }
0x1e8: {  	v29 =	vld [tilespmem:s28+$0x140];
	v21 =	vadd.f32 v23, v21;
	v22 =	vadd.f32 v26, v22  }
0x1e9: {  	v26 =	vld [tilespmem:s28+$0x150];
	v17 =	vmov v31  }
0x1ea: {  	v23 =	vld [tilespmem:s28+$0x100];
	v18 =	vmov v27  }
0x1eb: {  	v27 =	vld [tilespmem:s28+$0x110]  }
0x1ec: {  	v28 =	vld [tilespmem:s28+$0xC0]  }
0x1ed: {  	v30 =	vld [tilespmem:s28+$0xD0]  }
0x1ee: {  	v31 =	vld [tilespmem:s28+$0x80]  }
0x1ef: {  	v32 =	vld [tilespmem:s28+$0x90]  }
0x1f0: {  	v33 =	vld [tilespmem:s28+$0x40]  }
0x1f1: {  	v34 =	vld [tilespmem:s28+$0x50]  }
0x1f2: {  	v35 =	vld [tilespmem:s28+$0x0]  }
0x1f3: {  	v36 =	vld [tilespmem:s28+$0x10]  }
0x1f4: {  	v37 =	vld [tilespmem:s28+$0x20]  }
0x1f5: {  	s19 =	sadd.s32 $0x8, s19;
	v38 =	vld [tilespmem:s28+$0x30]  }
0x1f6: {  	p3 =	slt.u32 s19, $0x78;
	v39 =	vld [tilespmem:s28+$0x60]  }
0x1f7: {  	v40 =	vld [tilespmem:s28+$0x70]  }
0x1f8: {  	v41 =	vld [tilespmem:s28+$0xA0]  }
0x1f9: {  	v24 =	vadd.f32 v35, v24;
	v25 =	vadd.f32 v36, v25;
	v35 =	vld [tilespmem:s28+$0xB0]  }
0x1fa: {  	v21 =	vadd.f32 v37, v21;
	v22 =	vadd.f32 v38, v22;
	v36 =	vld [tilespmem:s28+$0xE0]  }
0x1fb: {  	v24 =	vadd.f32 v33, v24;
	v25 =	vadd.f32 v34, v25;
	v33 =	vld [tilespmem:s28+$0xF0]  }
0x1fc: {  	v21 =	vadd.f32 v39, v21;
	v22 =	vadd.f32 v40, v22;
	v34 =	vld [tilespmem:s28+$0x120]  }
0x1fd: {  	v24 =	vadd.f32 v31, v24;
	v25 =	vadd.f32 v32, v25;
	v31 =	vld [tilespmem:s28+$0x130]  }
0x1fe: {  	v32 =	vadd.f32 v41, v21;
	v22 =	vadd.f32 v35, v22;
	v21 =	vld [tilespmem:s28+$0x160]  }
.Ltmp15:
0x1ff: {  	v28 =	vadd.f32 v28, v24;
	v25 =	vadd.f32 v30, v25;
	v24 =	vld [tilespmem:s28+$0x170];
	(pc) =	sbr.rel @p3 .LBB2_25-.Ltmp15, $4  }
0x200: {  	v30 =	vadd.f32 v36, v32;
	v32 =	vadd.f32 v33, v22;
	v22 =	vld [tilespmem:s28+$0x1A0]  }
0x201: {  	v33 =	vadd.f32 v23, v28;
	v35 =	vadd.f32 v27, v25;
	v25 =	vld [tilespmem:s28+$0x1B0]  }
0x202: {  	v28 =	vadd.f32 v34, v30;
	v27 =	vadd.f32 v31, v32;
	v23 =	vld [tilespmem:s28+$0x1E0]  }
0x203: {  	v30 =	vadd.f32 v29, v33;
	v29 =	vadd.f32 v26, v35;
	v26 =	vld [tilespmem:s28+$0x1F0];
	s28 =	sadd.s32 $0x200, s28  }
0x204: {  	s19 =	sshll.u32 s25, $0x8  }
0x205: {  	s19 =	sshra.s32 s19, $0x2  }
0x206: {  	v31 =	vld [tilespmem:s19+$0xF880]  }
0x207: {  	v21 =	vadd.f32 v21, v28;
	v19 =	vadd.f32 v19, v30;
	v59 =	vld [tilespmem:s19+$0xF890]  }
0x208: {  	v24 =	vadd.f32 v24, v27;
	v20 =	vadd.f32 v20, v29;
	v60 =	vld [tilespmem:s19+$0xF8A0]  }
0x209: {  	v21 =	vadd.f32 v22, v21;
	v17 =	vadd.f32 v17, v19;
	v19 =	vld [tilespmem:s19+$0xF8B0]  }
0x20a: {  	v61 =	vadd.f32 v25, v24;
	v18 =	vadd.f32 v18, v20  }
0x20b: {  	v62 =	vadd.f32 v23, v21;
	v17 =	vadd.f32 v31, v17  }
.Ltmp16:
0x20c: {  	v63 =	vadd.f32 v26, v61;
	v18 =	vadd.f32 v59, v18;
	(pc) =	sbr.rel .LBB2_28-.Ltmp16, $4  }
0x20d: {  	[tilespmem:s19+$0xF880] =	vst v17;
	v17 =	vadd.f32 v60, v62  }
0x20e: {  	[tilespmem:s19+$0xF890] =	vst v18;
	v18 =	vadd.f32 v19, v63  }
0x20f: {  	[tilespmem:s19+$0xF8A0] =	vst v17  }
0x210: {  	[tilespmem:s19+$0xF8B0] =	vst v18  }
.LBB2_27:
0x211: {  	s19 =	sadd.s32 $0x180, s21  }
0x212: {  	[spmem:s2] =	stream.indirect.scatter.add.f32 [tilespmem:s31], [sflag:$0x8], $0x40, s19, s26, $0xb8;
	[tilespmem:$0x13D80] =	vst v63  }
0x213: {  	_ =	swait.ge [sflag:s18], $0x2000  }
0x214: {  	[sflag:s18] =	ssyncset.done $0x0  }
0x215: {  	[sflag:s18] =	ssyncadd.s32 $0xFFFFE000  }
.LBB2_28:
0x216: {  	s19 =	sadd.s32 @!p2 s22, s14  }
0x217: {  	s25 =	simm.s32 @!p2 $0x40;
	s19 =	sshrl.u32 @!p2 s19, $0x3  }
0x218: {  	s28 =	simm.s32 @!p2 $0x80;
	s29 =	simm.s32 @!p2 $0x7880;
	s19 =	sadd.s32 @!p2 s1, s19  }
0x219: {  	[tilespmem:s29], [sflag:$0x5] =	stream.strided.gather @!p2 [hbm4b:s19+s25], $0x2000, s28, s25, $0x38;
	[tilespmem:$0x13D80] =	vst v63  }
0x21a: {  	_ =	swait.ge [sflag:s10], $0x2000  }
0x21b: {  	[sflag:s10] =	ssyncset.done $0x0  }
0x21c: {  	[sflag:s10] =	ssyncadd.s32 $0xFFFFE000  }
0x21d: {  	v17 =	vld [tilespmem:s21+$0x200]  }
0x21e: {  	v18 =	vld [tilespmem:s21+$0x270];
	_ =	sdelay $0x3  }
0x21f: {  	(v2sf) =	vpush v17, $0x0  }
0x220: {  	(v2sf) =	vpush v18, $0xF;
	_ =	sdelay $0xd  }
0x221: {  	s25 =	spop (v2sf)  }
0x222: {  	s29 =	spop (v2sf)  }
0x223: {  	p3 =	sne.s32 s25, s29  }
.Ltmp17:
0x224: {  	_ = 	snop;
	(pc) =	sbr.rel @p3 .LBB2_32-.Ltmp17, $1  }
0x225: {  	_ =	sdelay $0x3  }
0x226: {  	s28 =	simm.s32 $0x9880  }
0x227: {  	v17 =	vld [tilespmem:s28+$0x1C0]  }
0x228: {  	v18 =	vld [tilespmem:s28+$0x1D0]  }
0x229: {  	v19 =	vld [tilespmem:s28+$0x180]  }
0x22a: {  	v20 =	vld [tilespmem:s28+$0x190]  }
0x22b: {  	v26 =	vld [tilespmem:s28+$0x140]  }
0x22c: {  	v29 =	vld [tilespmem:s28+$0x150]  }
0x22d: {  	v23 =	vld [tilespmem:s28+$0x100]  }
0x22e: {  	v25 =	vld [tilespmem:s28+$0x110]  }
0x22f: {  	v22 =	vld [tilespmem:s28+$0xC0]  }
0x230: {  	v24 =	vld [tilespmem:s28+$0xD0]  }
0x231: {  	v21 =	vld [tilespmem:s28+$0x80]  }
0x232: {  	v27 =	vld [tilespmem:s28+$0x90]  }
0x233: {  	v28 =	vld [tilespmem:s28+$0x40]  }
0x234: {  	v30 =	vld [tilespmem:s28+$0x50]  }
0x235: {  	v31 =	vld [tilespmem:s28+$0x0]  }
0x236: {  	v32 =	vld [tilespmem:s28+$0x10]  }
0x237: {  	v33 =	vld [tilespmem:s28+$0x20]  }
0x238: {  	v34 =	vld [tilespmem:s28+$0x30]  }
0x239: {  	v35 =	vld [tilespmem:s28+$0x60]  }
0x23a: {  	v36 =	vld [tilespmem:s28+$0x70]  }
0x23b: {  	v37 =	vimm.f32 $0.0e+00;
	v38 =	vld [tilespmem:s28+$0xA0]  }
0x23c: {  	v39 =	vld [tilespmem:s28+$0xB0];
	v31 =	vadd.f32 v31, v37;
	v32 =	vadd.f32 v32, v37  }
0x23d: {  	v58 =	vld [tilespmem:s28+$0xE0];
	v33 =	vadd.f32 v33, v37;
	v34 =	vadd.f32 v34, v37  }
0x23e: {  	v28 =	vadd.f32 v28, v31;
	v30 =	vadd.f32 v30, v32;
	v31 =	vld [tilespmem:s28+$0xF0]  }
0x23f: {  	v61 =	vld [tilespmem:s28+$0x120];
	v59 =	vadd.f32 v35, v33;
	v60 =	vadd.f32 v36, v34  }
0x240: {  	v28 =	vadd.f32 v21, v28;
	v27 =	vadd.f32 v27, v30;
	v30 =	vld [tilespmem:s28+$0x130]  }
0x241: {  	v32 =	vadd.f32 v38, v59;
	v33 =	vadd.f32 v39, v60;
	v21 =	vld [tilespmem:s28+$0x160]  }
0x242: {  	v28 =	vadd.f32 v22, v28;
	v27 =	vadd.f32 v24, v27;
	v24 =	vld [tilespmem:s28+$0x170]  }
0x243: {  	v32 =	vadd.f32 v58, v32;
	v22 =	vld [tilespmem:s28+$0x1A0];
	v31 =	vadd.f32 v31, v33  }
0x244: {  	v62 =	vadd.f32 v23, v28;
	v63 =	vadd.f32 v25, v27;
	v25 =	vld [tilespmem:s28+$0x1B0]  }
0x245: {  	v28 =	vadd.f32 v61, v32;
	v23 =	vld [tilespmem:s28+$0x1E0];
	v27 =	vadd.f32 v30, v31  }
0x246: {  	s19 =	simm.s32 $0x0;
	v30 =	vadd.f32 v26, v62;
	v29 =	vadd.f32 v29, v63;
	v26 =	vld [tilespmem:s28+$0x1F0];
	s28 =	simm.s32 $0x9A80  }
.LBB2_30:
0x247: {  	v31 =	vld [tilespmem:s28+$0x1C0];
	v21 =	vadd.f32 v21, v28;
	v24 =	vadd.f32 v24, v27  }
0x248: {  	v27 =	vld [tilespmem:s28+$0x1D0];
	v28 =	vadd.f32 v19, v30;
	v29 =	vadd.f32 v20, v29  }
0x249: {  	v19 =	vld [tilespmem:s28+$0x180];
	v21 =	vadd.f32 v22, v21;
	v22 =	vadd.f32 v25, v24  }
0x24a: {  	v20 =	vld [tilespmem:s28+$0x190];
	v24 =	vadd.f32 v17, v28;
	v25 =	vadd.f32 v18, v29  }
0x24b: {  	v29 =	vld [tilespmem:s28+$0x140];
	v21 =	vadd.f32 v23, v21;
	v22 =	vadd.f32 v26, v22  }
0x24c: {  	v26 =	vld [tilespmem:s28+$0x150];
	v17 =	vmov v31  }
0x24d: {  	v23 =	vld [tilespmem:s28+$0x100];
	v18 =	vmov v27  }
0x24e: {  	v27 =	vld [tilespmem:s28+$0x110]  }
0x24f: {  	v28 =	vld [tilespmem:s28+$0xC0]  }
0x250: {  	v30 =	vld [tilespmem:s28+$0xD0]  }
0x251: {  	v31 =	vld [tilespmem:s28+$0x80]  }
0x252: {  	v32 =	vld [tilespmem:s28+$0x90]  }
0x253: {  	v33 =	vld [tilespmem:s28+$0x40]  }
0x254: {  	v34 =	vld [tilespmem:s28+$0x50]  }
0x255: {  	v35 =	vld [tilespmem:s28+$0x0]  }
0x256: {  	v36 =	vld [tilespmem:s28+$0x10]  }
0x257: {  	v37 =	vld [tilespmem:s28+$0x20]  }
0x258: {  	s19 =	sadd.s32 $0x8, s19;
	v38 =	vld [tilespmem:s28+$0x30]  }
0x259: {  	p3 =	slt.u32 s19, $0x78;
	v39 =	vld [tilespmem:s28+$0x60]  }
0x25a: {  	v40 =	vld [tilespmem:s28+$0x70]  }
0x25b: {  	v41 =	vld [tilespmem:s28+$0xA0]  }
0x25c: {  	v24 =	vadd.f32 v35, v24;
	v25 =	vadd.f32 v36, v25;
	v35 =	vld [tilespmem:s28+$0xB0]  }
0x25d: {  	v21 =	vadd.f32 v37, v21;
	v22 =	vadd.f32 v38, v22;
	v36 =	vld [tilespmem:s28+$0xE0]  }
0x25e: {  	v24 =	vadd.f32 v33, v24;
	v25 =	vadd.f32 v34, v25;
	v33 =	vld [tilespmem:s28+$0xF0]  }
0x25f: {  	v21 =	vadd.f32 v39, v21;
	v22 =	vadd.f32 v40, v22;
	v34 =	vld [tilespmem:s28+$0x120]  }
0x260: {  	v24 =	vadd.f32 v31, v24;
	v25 =	vadd.f32 v32, v25;
	v31 =	vld [tilespmem:s28+$0x130]  }
0x261: {  	v32 =	vadd.f32 v41, v21;
	v22 =	vadd.f32 v35, v22;
	v21 =	vld [tilespmem:s28+$0x160]  }
.Ltmp18:
0x262: {  	v28 =	vadd.f32 v28, v24;
	v25 =	vadd.f32 v30, v25;
	v24 =	vld [tilespmem:s28+$0x170];
	(pc) =	sbr.rel @p3 .LBB2_30-.Ltmp18, $4  }
0x263: {  	v30 =	vadd.f32 v36, v32;
	v32 =	vadd.f32 v33, v22;
	v22 =	vld [tilespmem:s28+$0x1A0]  }
0x264: {  	v33 =	vadd.f32 v23, v28;
	v35 =	vadd.f32 v27, v25;
	v25 =	vld [tilespmem:s28+$0x1B0]  }
0x265: {  	v28 =	vadd.f32 v34, v30;
	v27 =	vadd.f32 v31, v32;
	v23 =	vld [tilespmem:s28+$0x1E0]  }
0x266: {  	v30 =	vadd.f32 v29, v33;
	v29 =	vadd.f32 v26, v35;
	v26 =	vld [tilespmem:s28+$0x1F0];
	s28 =	sadd.s32 $0x200, s28  }
0x267: {  	s19 =	sshll.u32 s25, $0x8  }
0x268: {  	s19 =	sshra.s32 s19, $0x2  }
0x269: {  	v31 =	vld [tilespmem:s19+$0xF880]  }
0x26a: {  	v21 =	vadd.f32 v21, v28;
	v19 =	vadd.f32 v19, v30;
	v59 =	vld [tilespmem:s19+$0xF890]  }
0x26b: {  	v24 =	vadd.f32 v24, v27;
	v20 =	vadd.f32 v20, v29;
	v60 =	vld [tilespmem:s19+$0xF8A0]  }
0x26c: {  	v21 =	vadd.f32 v22, v21;
	v17 =	vadd.f32 v17, v19;
	v19 =	vld [tilespmem:s19+$0xF8B0]  }
0x26d: {  	v61 =	vadd.f32 v25, v24;
	v18 =	vadd.f32 v18, v20  }
0x26e: {  	v62 =	vadd.f32 v23, v21;
	v17 =	vadd.f32 v31, v17  }
.Ltmp19:
0x26f: {  	v63 =	vadd.f32 v26, v61;
	v18 =	vadd.f32 v59, v18;
	(pc) =	sbr.rel .LBB2_33-.Ltmp19, $4  }
0x270: {  	[tilespmem:s19+$0xF880] =	vst v17;
	v17 =	vadd.f32 v60, v62  }
0x271: {  	[tilespmem:s19+$0xF890] =	vst v18;
	v18 =	vadd.f32 v19, v63  }
0x272: {  	[tilespmem:s19+$0xF8A0] =	vst v17  }
0x273: {  	[tilespmem:s19+$0xF8B0] =	vst v18  }
.LBB2_32:
0x274: {  	s19 =	sadd.s32 $0x200, s21  }
0x275: {  	[spmem:s2] =	stream.indirect.scatter.add.f32 [tilespmem:s0], [sflag:$0x8], $0x40, s19, s26, $0xb8;
	[tilespmem:$0x13D80] =	vst v63  }
0x276: {  	_ =	swait.ge [sflag:s18], $0x2000  }
0x277: {  	[sflag:s18] =	ssyncset.done $0x0  }
0x278: {  	[sflag:s18] =	ssyncadd.s32 $0xFFFFE000  }
.LBB2_33:
0x279: {  	s19 =	sadd.s32 @!p2 s22, s15  }
0x27a: {  	s22 =	simm.s32 @!p2 $0x40;
	s19 =	sshrl.u32 @!p2 s19, $0x3  }
0x27b: {  	s25 =	simm.s32 @!p2 $0x80;
	s28 =	simm.s32 @!p2 $0x9880;
	s19 =	sadd.s32 @!p2 s1, s19  }
0x27c: {  	[tilespmem:s28], [sflag:$0x6] =	stream.strided.gather @!p2 [hbm4b:s19+s22], $0x2000, s25, s22, $0x38;
	[tilespmem:$0x13D80] =	vst v63  }
0x27d: {  	_ =	swait.ge [sflag:s17], $0x2000  }
0x27e: {  	[sflag:s17] =	ssyncset.done $0x0  }
0x27f: {  	[sflag:s17] =	ssyncadd.s32 $0xFFFFE000  }
0x280: {  	v17 =	vld [tilespmem:s21+$0x280]  }
0x281: {  	v18 =	vld [tilespmem:s21+$0x2F0];
	_ =	sdelay $0x3  }
0x282: {  	(v2sf) =	vpush v17, $0x0  }
0x283: {  	(v2sf) =	vpush v18, $0xF;
	_ =	sdelay $0xd  }
0x284: {  	s22 =	spop (v2sf)  }
0x285: {  	s29 =	spop (v2sf)  }
0x286: {  	p3 =	sne.s32 s22, s29  }
.Ltmp20:
0x287: {  	_ = 	snop;
	(pc) =	sbr.rel @p3 .LBB2_37-.Ltmp20, $1  }
0x288: {  	_ =	sdelay $0x3  }
0x289: {  	s21 =	simm.s32 $0xB880  }
0x28a: {  	v17 =	vld [tilespmem:s21+$0x1C0]  }
0x28b: {  	v18 =	vld [tilespmem:s21+$0x1D0]  }
0x28c: {  	v19 =	vld [tilespmem:s21+$0x180]  }
0x28d: {  	v20 =	vld [tilespmem:s21+$0x190]  }
0x28e: {  	v26 =	vld [tilespmem:s21+$0x140]  }
0x28f: {  	v29 =	vld [tilespmem:s21+$0x150]  }
0x290: {  	v23 =	vld [tilespmem:s21+$0x100]  }
0x291: {  	v25 =	vld [tilespmem:s21+$0x110]  }
0x292: {  	v22 =	vld [tilespmem:s21+$0xC0]  }
0x293: {  	v24 =	vld [tilespmem:s21+$0xD0]  }
0x294: {  	v21 =	vld [tilespmem:s21+$0x80]  }
0x295: {  	v27 =	vld [tilespmem:s21+$0x90]  }
0x296: {  	v28 =	vld [tilespmem:s21+$0x40]  }
0x297: {  	v30 =	vld [tilespmem:s21+$0x50]  }
0x298: {  	v31 =	vld [tilespmem:s21+$0x0]  }
0x299: {  	v32 =	vld [tilespmem:s21+$0x10]  }
0x29a: {  	v33 =	vld [tilespmem:s21+$0x20]  }
0x29b: {  	v34 =	vld [tilespmem:s21+$0x30]  }
0x29c: {  	v35 =	vld [tilespmem:s21+$0x60]  }
0x29d: {  	v36 =	vld [tilespmem:s21+$0x70]  }
0x29e: {  	v37 =	vimm.f32 $0.0e+00;
	v38 =	vld [tilespmem:s21+$0xA0]  }
0x29f: {  	v39 =	vld [tilespmem:s21+$0xB0];
	v31 =	vadd.f32 v31, v37;
	v32 =	vadd.f32 v32, v37  }
0x2a0: {  	v58 =	vld [tilespmem:s21+$0xE0];
	v33 =	vadd.f32 v33, v37;
	v34 =	vadd.f32 v34, v37  }
0x2a1: {  	v28 =	vadd.f32 v28, v31;
	v30 =	vadd.f32 v30, v32;
	v31 =	vld [tilespmem:s21+$0xF0]  }
0x2a2: {  	v61 =	vld [tilespmem:s21+$0x120];
	v59 =	vadd.f32 v35, v33;
	v60 =	vadd.f32 v36, v34  }
0x2a3: {  	v28 =	vadd.f32 v21, v28;
	v27 =	vadd.f32 v27, v30;
	v30 =	vld [tilespmem:s21+$0x130]  }
0x2a4: {  	v32 =	vadd.f32 v38, v59;
	v33 =	vadd.f32 v39, v60;
	v21 =	vld [tilespmem:s21+$0x160]  }
0x2a5: {  	v28 =	vadd.f32 v22, v28;
	v27 =	vadd.f32 v24, v27;
	v24 =	vld [tilespmem:s21+$0x170]  }
0x2a6: {  	v32 =	vadd.f32 v58, v32;
	v22 =	vld [tilespmem:s21+$0x1A0];
	v31 =	vadd.f32 v31, v33  }
0x2a7: {  	v62 =	vadd.f32 v23, v28;
	v63 =	vadd.f32 v25, v27;
	v25 =	vld [tilespmem:s21+$0x1B0]  }
0x2a8: {  	v28 =	vadd.f32 v61, v32;
	v23 =	vld [tilespmem:s21+$0x1E0];
	v27 =	vadd.f32 v30, v31  }
0x2a9: {  	s19 =	simm.s32 $0x0;
	v30 =	vadd.f32 v26, v62;
	v29 =	vadd.f32 v29, v63;
	v26 =	vld [tilespmem:s21+$0x1F0];
	s21 =	simm.s32 $0xBA80  }
.LBB2_35:
0x2aa: {  	v31 =	vld [tilespmem:s21+$0x1C0];
	v21 =	vadd.f32 v21, v28;
	v24 =	vadd.f32 v24, v27  }
0x2ab: {  	v27 =	vld [tilespmem:s21+$0x1D0];
	v28 =	vadd.f32 v19, v30;
	v29 =	vadd.f32 v20, v29  }
0x2ac: {  	v19 =	vld [tilespmem:s21+$0x180];
	v21 =	vadd.f32 v22, v21;
	v22 =	vadd.f32 v25, v24  }
0x2ad: {  	v20 =	vld [tilespmem:s21+$0x190];
	v24 =	vadd.f32 v17, v28;
	v25 =	vadd.f32 v18, v29  }
0x2ae: {  	v29 =	vld [tilespmem:s21+$0x140];
	v21 =	vadd.f32 v23, v21;
	v22 =	vadd.f32 v26, v22  }
0x2af: {  	v26 =	vld [tilespmem:s21+$0x150];
	v17 =	vmov v31  }
0x2b0: {  	v23 =	vld [tilespmem:s21+$0x100];
	v18 =	vmov v27  }
0x2b1: {  	v27 =	vld [tilespmem:s21+$0x110]  }
0x2b2: {  	v28 =	vld [tilespmem:s21+$0xC0]  }
0x2b3: {  	v30 =	vld [tilespmem:s21+$0xD0]  }
0x2b4: {  	v31 =	vld [tilespmem:s21+$0x80]  }
0x2b5: {  	v32 =	vld [tilespmem:s21+$0x90]  }
0x2b6: {  	v33 =	vld [tilespmem:s21+$0x40]  }
0x2b7: {  	v34 =	vld [tilespmem:s21+$0x50]  }
0x2b8: {  	v35 =	vld [tilespmem:s21+$0x0]  }
0x2b9: {  	v36 =	vld [tilespmem:s21+$0x10]  }
0x2ba: {  	v37 =	vld [tilespmem:s21+$0x20]  }
0x2bb: {  	s19 =	sadd.s32 $0x8, s19;
	v38 =	vld [tilespmem:s21+$0x30]  }
0x2bc: {  	p3 =	slt.u32 s19, $0x78;
	v39 =	vld [tilespmem:s21+$0x60]  }
0x2bd: {  	v40 =	vld [tilespmem:s21+$0x70]  }
0x2be: {  	v41 =	vld [tilespmem:s21+$0xA0]  }
0x2bf: {  	v24 =	vadd.f32 v35, v24;
	v25 =	vadd.f32 v36, v25;
	v35 =	vld [tilespmem:s21+$0xB0]  }
0x2c0: {  	v21 =	vadd.f32 v37, v21;
	v22 =	vadd.f32 v38, v22;
	v36 =	vld [tilespmem:s21+$0xE0]  }
0x2c1: {  	v24 =	vadd.f32 v33, v24;
	v25 =	vadd.f32 v34, v25;
	v33 =	vld [tilespmem:s21+$0xF0]  }
0x2c2: {  	v21 =	vadd.f32 v39, v21;
	v22 =	vadd.f32 v40, v22;
	v34 =	vld [tilespmem:s21+$0x120]  }
0x2c3: {  	v24 =	vadd.f32 v31, v24;
	v25 =	vadd.f32 v32, v25;
	v31 =	vld [tilespmem:s21+$0x130]  }
0x2c4: {  	v32 =	vadd.f32 v41, v21;
	v22 =	vadd.f32 v35, v22;
	v21 =	vld [tilespmem:s21+$0x160]  }
.Ltmp21:
0x2c5: {  	v28 =	vadd.f32 v28, v24;
	v25 =	vadd.f32 v30, v25;
	v24 =	vld [tilespmem:s21+$0x170];
	(pc) =	sbr.rel @p3 .LBB2_35-.Ltmp21, $4  }
0x2c6: {  	v30 =	vadd.f32 v36, v32;
	v32 =	vadd.f32 v33, v22;
	v22 =	vld [tilespmem:s21+$0x1A0]  }
0x2c7: {  	v33 =	vadd.f32 v23, v28;
	v35 =	vadd.f32 v27, v25;
	v25 =	vld [tilespmem:s21+$0x1B0]  }
0x2c8: {  	v28 =	vadd.f32 v34, v30;
	v27 =	vadd.f32 v31, v32;
	v23 =	vld [tilespmem:s21+$0x1E0]  }
0x2c9: {  	v30 =	vadd.f32 v29, v33;
	v29 =	vadd.f32 v26, v35;
	v26 =	vld [tilespmem:s21+$0x1F0];
	s21 =	sadd.s32 $0x200, s21  }
0x2ca: {  	s19 =	sshll.u32 s22, $0x8  }
0x2cb: {  	s19 =	sshra.s32 s19, $0x2  }
0x2cc: {  	v31 =	vld [tilespmem:s19+$0xF880]  }
0x2cd: {  	v21 =	vadd.f32 v21, v28;
	v19 =	vadd.f32 v19, v30;
	v59 =	vld [tilespmem:s19+$0xF890]  }
0x2ce: {  	v24 =	vadd.f32 v24, v27;
	v20 =	vadd.f32 v20, v29;
	v60 =	vld [tilespmem:s19+$0xF8A0]  }
0x2cf: {  	v21 =	vadd.f32 v22, v21;
	v17 =	vadd.f32 v17, v19;
	v19 =	vld [tilespmem:s19+$0xF8B0]  }
0x2d0: {  	v61 =	vadd.f32 v25, v24;
	v18 =	vadd.f32 v18, v20  }
0x2d1: {  	v62 =	vadd.f32 v23, v21;
	v17 =	vadd.f32 v31, v17  }
.Ltmp22:
0x2d2: {  	v63 =	vadd.f32 v26, v61;
	v18 =	vadd.f32 v59, v18;
	(pc) =	sbr.rel .LBB2_38-.Ltmp22, $4  }
0x2d3: {  	[tilespmem:s19+$0xF880] =	vst v17;
	v17 =	vadd.f32 v60, v62  }
0x2d4: {  	[tilespmem:s19+$0xF890] =	vst v18;
	v18 =	vadd.f32 v19, v63  }
0x2d5: {  	[tilespmem:s19+$0xF8A0] =	vst v17  }
0x2d6: {  	[tilespmem:s19+$0xF8B0] =	vst v18  }
.LBB2_37:
0x2d7: {  	s19 =	sadd.s32 $0x280, s21  }
0x2d8: {  	[spmem:s2] =	stream.indirect.scatter.add.f32 [tilespmem:s3], [sflag:$0x8], $0x40, s19, s26, $0xb8;
	[tilespmem:$0x13D80] =	vst v63  }
0x2d9: {  	_ =	swait.ge [sflag:s18], $0x2000  }
0x2da: {  	[sflag:s18] =	ssyncset.done $0x0  }
0x2db: {  	[sflag:s18] =	ssyncadd.s32 $0xFFFFE000  }
.LBB2_38:
.Ltmp23:
0x2dc: {  	(pc) =	sbr.rel @p2 .LBB2_40-.Ltmp23, $1  }
0x2dd: {  	_ =	sdelay $0x3  }
0x2de: {  	s19 =	smul.u32 $0x18000, s20  }
.Ltmp24:
0x2df: {  	_ = 	snop;
	(pc) =	sbr.rel .LBB2_8-.Ltmp24, $4  }
0x2e0: {  	s19 =	sadd.s32 s19, s16  }
0x2e1: {  	s19 =	sshrl.u32 s19, $0x3  }
0x2e2: {  	s20 =	sadd.s32 $0x1, s20;
	s19 =	sadd.s32 s1, s19  }
0x2e3: {  	[tilespmem:s3], [sflag:$0x7] =	stream.strided.gather [hbm4b:s19+s24], $0x2000, s26, s24, $0x38;
	[tilespmem:$0x13D80] =	vst v63  }
.LBB2_41:
0x2e4: {  	_ =	sfence.sel $0x180000  }
0x2e5: {  	[bflag:$0x0] =	sbarrier.arrive $0xFFFF  }
0x2e6: {  	_ =	strace $0x90000047  }
0x2e7: {  	[bflag:$0x2] =	sbarrier.arrive $0xFFFF  }
0x2e8: {  	s0 =	rddreg [dreg:$0x4]  }
0x2e9: {  	s0 =	sadd.s32 @!p0 $0x100000, s0  }
0x2ea: {  	[sflag:s0] =	ssyncadd.tile.s32 @!p0 $0x1;
	_ =	shalt  }
.Lfunc_end2:
_tile_overlayer_lowered:
.L_overlay_start_2:
0x2eb: {  	(tag) =	ssettag $0x2  }
0x2ec: {  	s0 =	rddreg [dreg:$0x0];
	s2 =	stileid.u32  }
0x2ed: {  	s1 =	rddreg [dreg:$0x1];
	p0 =	sne.s32 s2, $0x0  }
0x2ee: {  	s3 =	rddreg [dreg:$0x2];
	[bflag:$0x3] =	sbarrier.arrive $0xFFFF;
	s2 =	simm.s32 @!p0 $0x1C08  }
0x2ef: {  	[timem:s3], [sflag:s2] =	dma.local @!p0 [hbm:s0], s1  }
0x2f0: {  	s0 =	simm.s32 @!p0 $0x8  }
0x2f1: {  	_ =	swait.ge @!p0 [sflag:s0], s1  }
0x2f2: {  	s1 =	ssub.s32 @!p0 $0x0, s1;
	[sflag:s0] =	ssyncset.done @!p0 $0x0  }
0x2f3: {  	[sflag:s0] =	ssyncadd.s32 @!p0 s1  }
0x2f4: {  	[bflag:$0x3] =	sbarrier.arrive $0xFFFF  }
0x2f5: {  	_ =	shalt  }

</sc_bundles>
